<compile_context>
chip_gen: v7x
topology: tpu7x:2x2x1
jax: 0.10.2.dev20260603
libtpu: 0.0.44.dev20260713+nightly
codegen_flags: <defaults>
</compile_context>

<pallas_src>
import functools

import jax
import jax.numpy as jnp
from jax import lax
from jax.experimental import pallas as pl
from jax.experimental.pallas import tpu as pltpu
from jax.experimental.pallas import tpu_sc as plsc

_NC = 2
_NS = 16


@functools.partial(jax.jit, static_argnames=("nch", "chunk"))
def _sc_edge_agg(p, edge_index, *, nch, chunk):
    npad, h = p.shape
    rows_per_tile = npad // _NS
    ew = nch * chunk
    mesh = plsc.VectorSubcoreMesh(core_axis_name="c", subcore_axis_name="s")
    ring = 10
    half = ring // 2
    steady_groups = (nch - ring) // ring
    tail_start = half + steady_groups * ring

    @functools.partial(
        pl.kernel,
        out_type=jax.ShapeDtypeStruct((_NC, npad, h), jnp.float32),
        mesh=mesh,
        scratch_types=[
            pltpu.VMEM((ew,), jnp.int32),
            pltpu.VMEM((ew,), jnp.int32),
            pltpu.VMEM((ring, chunk, h), jnp.float32),
            pltpu.VMEM((rows_per_tile, h), jnp.float32),
            pltpu.VMEM_SHARED((npad, h), jnp.float32),
            pltpu.VMEM_SHARED((npad, h), jnp.float32),
            pltpu.SemaphoreType.DMA((ring,)),
            pltpu.SemaphoreType.DMA((ring,)),
            pltpu.SemaphoreType.DMA,
        ],
        compiler_params=pltpu.CompilerParams(use_tc_tiling_on_sc=False),
    )
    def body(p_hbm, edge_hbm, out_hbm, idxs_v, idxd_v, rows_v, slab_v,
             acc_sh, p_sh, semg, sems, semp):
        c = lax.axis_index("c")
        s = lax.axis_index("s")
        w = c * _NS + s
        base = pl.multiple_of(w * ew, 8)

        dsrc = pltpu.async_copy(edge_hbm.at[0].at[pl.ds(base, ew)], idxs_v,
                                semg.at[0])
        ddst = pltpu.async_copy(edge_hbm.at[1].at[pl.ds(base, ew)], idxd_v,
                                semg.at[1])
        dp = pltpu.async_copy(p_hbm.at[pl.ds(s * rows_per_tile,
                                             rows_per_tile)],
                              p_sh.at[pl.ds(s * rows_per_tile,
                                            rows_per_tile)], semp)

        zeros16 = jnp.zeros((16,), jnp.float32)

        def zero_rows(r, carry):
            for rr in range(4):
                for lo in range(0, h, 16):
                    slab_v[r * 4 + rr, pl.ds(lo, 16)] = zeros16
            return carry

        lax.fori_loop(0, rows_per_tile // 4, zero_rows, 0)
        dsrc.wait()
        ddst.wait()
        dp.wait()
        pltpu.sync_copy(slab_v, acc_sh.at[pl.ds(s * rows_per_tile,
                                                rows_per_tile)])
        plsc.subcore_barrier()

        def gather_src(j):
            off = pl.multiple_of(j * chunk, 8)
            return p_sh.at[idxs_v.at[pl.ds(off, chunk)]]

        def scatter_dst(j):
            off = pl.multiple_of(j * chunk, 8)
            return acc_sh.at[idxd_v.at[pl.ds(off, chunk)]]

        def wait_gather(b):
            pltpu.make_async_copy(gather_src(0), rows_v.at[b],
                                  semg.at[b]).wait()

        def wait_scatter(b):
            pltpu.make_async_copy(rows_v.at[b], scatter_dst(0),
                                  sems.at[b]).wait()

        for b in range(half):
            pltpu.async_copy(gather_src(b), rows_v.at[b], semg.at[b])
        for jj in range(half):
            b = jj % ring
            b2 = (b + half) % ring
            wait_gather(b)
            pltpu.async_copy(rows_v.at[b], scatter_dst(jj), sems.at[b],
                             add=True)
            pltpu.async_copy(gather_src(jj + half), rows_v.at[b2],
                             semg.at[b2])

        def group(g, carry):
            for t in range(ring):
                j = half + g * ring + t
                b = (half + t) % ring
                b2 = (b + half) % ring
                wait_gather(b)
                pltpu.async_copy(rows_v.at[b], scatter_dst(j), sems.at[b],
                                 add=True)
                wait_scatter(b2)
                pltpu.async_copy(gather_src(j + half), rows_v.at[b2],
                                 semg.at[b2])
            return carry

        lax.fori_loop(0, steady_groups, group, 0)

        for jj in range(tail_start, nch - half):
            b = jj % ring
            b2 = (b + half) % ring
            wait_gather(b)
            pltpu.async_copy(rows_v.at[b], scatter_dst(jj), sems.at[b],
                             add=True)
            wait_scatter(b2)
            pltpu.async_copy(gather_src(jj + half), rows_v.at[b2],
                             semg.at[b2])

        for jj in range(nch - half, nch):
            b = jj % ring
            wait_gather(b)
            pltpu.async_copy(rows_v.at[b], scatter_dst(jj), sems.at[b],
                             add=True)
        for b in range(ring):
            wait_scatter(b)
        plsc.subcore_barrier()

        pltpu.sync_copy(acc_sh.at[pl.ds(s * rows_per_tile, rows_per_tile)],
                        slab_v)
        pltpu.sync_copy(
            slab_v,
            out_hbm.at[c].at[pl.ds(s * rows_per_tile, rows_per_tile)])

    return body(p, edge_index)


def _proj_body(x_ref, w_ref, o_ref, *, pack, pad_rows):
    xa = x_ref[...]
    nrows = xa.shape[0] // pack
    x3 = xa.reshape(nrows, pack, xa.shape[1])
    zs = [jnp.dot(x3[:, q, :], w_ref[...], preferred_element_type=jnp.float32)
          for q in range(pack)]
    z = jnp.concatenate(zs, axis=1)
    z = jnp.concatenate(
        [z, jnp.zeros((pad_rows, z.shape[1]), jnp.float32)], axis=0)
    o_ref[...] = z


def _post(p_ref, a_ref, b1_ref, w2_ref, b2_ref, g_ref, be_ref):
    z = p_ref[...] + a_ref[0] + a_ref[1] + b1_ref[...]
    z = jnp.maximum(z, 0.0)
    z = jnp.dot(z, w2_ref[...], preferred_element_type=jnp.float32)
    z = jnp.maximum(z + b2_ref[...], 0.0)
    return z * g_ref[...] + be_ref[...]


def _mid_body(p_ref, a_ref, b1_ref, w2_ref, b2_ref, g_ref, be_ref, w1n_ref,
              o_ref):
    hcur = _post(p_ref, a_ref, b1_ref, w2_ref, b2_ref, g_ref, be_ref)
    o_ref[...] = jnp.dot(hcur, w1n_ref[...],
                         preferred_element_type=jnp.float32)


def _final_body(p_ref, a_ref, b1_ref, w2_ref, b2_ref, g_ref, be_ref,
                batch_ref, fc1w_ref, fc1b_ref, fc2w_ref, fc2b_ref,
                o_ref, acc_ref, *, n_graphs, pack, hdim):
    i = pl.program_id(0)
    hcur = _post(p_ref, a_ref, b1_ref, w2_ref, b2_ref, g_ref, be_ref)
    blk4 = hcur.shape[0]
    bat = batch_ref[0]
    part = jnp.zeros((n_graphs, hdim), jnp.float32)
    for q in range(pack):
        onehot = (bat[:, q][:, None]
                  == lax.broadcasted_iota(jnp.int32, (blk4, n_graphs), 1)
                  ).astype(jnp.float32)
        hq = hcur[:, q * hdim:(q + 1) * hdim]
        part = part + lax.dot_general(onehot, hq, (((0,), (0,)), ((), ())),
                                      preferred_element_type=jnp.float32)

    @pl.when(i == 0)
    def _():
        acc_ref[...] = part

    @pl.when(i > 0)
    def _():
        acc_ref[...] += part

    @pl.when(i == pl.num_programs(0) - 1)
    def _():
        u = jnp.dot(acc_ref[...], fc1w_ref[...],
                    preferred_element_type=jnp.float32) + fc1b_ref[...]
        u = jnp.maximum(u, 0.0)
        u = jnp.dot(u, fc2w_ref[...],
                    preferred_element_type=jnp.float32) + fc2b_ref[...]
        m = jnp.mean(u, axis=0, keepdims=True)
        mx = jnp.max(m)
        e = jnp.exp(m - mx)
        o_ref[...] = m - mx - jnp.log(jnp.sum(e))


def _full(shape):
    return pl.BlockSpec(shape, lambda i: (0,) * len(shape))


def kernel(x, edge_index, batch, W1_0, b1_0, W2_0, b2_0, g_0, be_0,
           W1_1, b1_1, W2_1, b2_1, g_1, be_1, W1_2, b1_2, W2_2, b2_2,
           g_2, be_2, fc1_w, fc1_b, fc2_w, fc2_b):
    n, d = x.shape
    h = W1_0.shape[1]
    n_graphs = 128
    c = fc2_w.shape[1]
    e = edge_index.shape[1]
    pack = 128 // h
    npad = -(-n // (8 * _NS * pack)) * (8 * _NS * pack)
    n4 = npad // pack
    nb = 2
    blk4 = n4 // nb

    nw = _NC * _NS
    ew = e // nw
    chunk = max(ck for ck in range(8, 129, 8)
                if ew % ck == 0 and (ew // ck) % 5 == 0)
    nch = ew // chunk

    eye = jnp.eye(pack, dtype=jnp.float32)
    w2bd = [jnp.kron(eye, W2_0), jnp.kron(eye, W2_1), jnp.kron(eye, W2_2)]
    w1bd = [None, jnp.kron(eye, W1_1), jnp.kron(eye, W1_2)]
    b1t = [jnp.tile(v, pack).reshape(1, h * pack) for v in (b1_0, b1_1, b1_2)]
    b2t = [jnp.tile(v, pack).reshape(1, h * pack) for v in (b2_0, b2_1, b2_2)]
    gt = [jnp.tile(v, pack).reshape(1, h * pack) for v in (g_0, g_1, g_2)]
    bet = [jnp.tile(v, pack).reshape(1, h * pack) for v in (be_0, be_1, be_2)]
    batchp = jnp.pad(batch, (0, npad - n),
                     constant_values=n_graphs).reshape(nb, blk4, pack)

    p_pk = pl.pallas_call(
        functools.partial(_proj_body, pack=pack, pad_rows=n4 - n // pack),
        grid=(1,),
        in_specs=[_full((n, d)), _full((d, h))],
        out_specs=_full((n4, 128)),
        out_shape=jax.ShapeDtypeStruct((n4, 128), jnp.float32),
    )(x, W1_0)

    vec_spec = [pl.BlockSpec((blk4, 128), lambda i: (i, 0)),
                pl.BlockSpec((_NC, blk4, 128), lambda i: (0, i, 0))]
    small = [_full((1, 128)), _full((128, 128)), _full((1, 128)),
             _full((1, 128)), _full((1, 128))]

    for layer in range(2):
        agg = _sc_edge_agg(p_pk.reshape(npad, h), edge_index,
                           nch=nch, chunk=chunk)
        agg_pk = agg.reshape(_NC, n4, 128)
        p_pk = pl.pallas_call(
            _mid_body,
            grid=(nb,),
            in_specs=vec_spec + small + [_full((128, 128))],
            out_specs=pl.BlockSpec((blk4, 128), lambda i: (i, 0)),
            out_shape=jax.ShapeDtypeStruct((n4, 128), jnp.float32),
        )(p_pk, agg_pk, b1t[layer], w2bd[layer], b2t[layer], gt[layer],
          bet[layer], w1bd[layer + 1])

    agg = _sc_edge_agg(p_pk.reshape(npad, h), edge_index,
                       nch=nch, chunk=chunk)
    agg_pk = agg.reshape(_NC, n4, 128)
    out = pl.pallas_call(
        functools.partial(_final_body, n_graphs=n_graphs, pack=pack, hdim=h),
        grid=(nb,),
        in_specs=vec_spec + small
        + [pl.BlockSpec((1, blk4, pack), lambda i: (i, 0, 0)),
           _full((h, h)), _full((1, h)), _full((h, c)), _full((1, c))],
        out_specs=_full((1, c)),
        out_shape=jax.ShapeDtypeStruct((1, c), jnp.float32),
        scratch_shapes=[pltpu.VMEM((n_graphs, h), jnp.float32)],
    )(p_pk, agg_pk, b1t[2], w2bd[2], b2t[2], gt[2], bet[2], batchp,
      fc1_w, fc1_b.reshape(1, h), fc2_w, fc2_b.reshape(1, c))

    return out.reshape(c)

# --- scband reference (transcript-rebuilt; emitter-appended) ---
"""Pipeline reference for scband-gin-graph-sequence-33088428049206 (READ-ONLY COPY).

The authoritative reference and input builder live on the scoring server;
editing this copy changes nothing except your own understanding.
"""

import jax, jax.numpy as jnp
import numpy as np

N = 10000
E = 320000
D = 128
H = 32
C = 16
G = 128

def setup_inputs(seed: int = 0) -> dict:
    key = jax.random.key(seed)
    ks = jax.random.split(key, 40)
    inp = {}
    inp["x"] = jax.random.normal(ks[0], (N, D), dtype=jnp.float32)
    inp["edge_index"] = jax.random.randint(ks[1], (2, E), 0, N, dtype=jnp.int32)
    inp["batch"] = jnp.sort(jax.random.randint(ks[2], (N,), 0, G, dtype=jnp.int32))
    dims = [D, H, H]
    i = 3
    for l in range(3):
        inp[f"W1_{l}"] = jax.random.normal(ks[i], (dims[l], H), dtype=jnp.float32) * 0.05; i += 1
        inp[f"b1_{l}"] = jnp.zeros((H,), dtype=jnp.float32)
        inp[f"W2_{l}"] = jax.random.normal(ks[i], (H, H), dtype=jnp.float32) * 0.05; i += 1
        inp[f"b2_{l}"] = jnp.zeros((H,), dtype=jnp.float32)
        inp[f"g_{l}"] = jnp.ones((H,), dtype=jnp.float32)
        inp[f"be_{l}"] = jnp.zeros((H,), dtype=jnp.float32)
    inp["fc1_w"] = jax.random.normal(ks[i], (H, H), dtype=jnp.float32) * 0.05; i += 1
    inp["fc1_b"] = jnp.zeros((H,), dtype=jnp.float32)
    inp["fc2_w"] = jax.random.normal(ks[i], (H, C), dtype=jnp.float32) * 0.05; i += 1
    inp["fc2_b"] = jnp.zeros((C,), dtype=jnp.float32)
    return inp

def reference(x, edge_index, batch, W1_0, b1_0, W2_0, b2_0, g_0, be_0, W1_1, b1_1, W2_1, b2_1, g_1, be_1, W1_2, b1_2, W2_2, b2_2, g_2, be_2, fc1_w, fc1_b, fc2_w, fc2_b):
    src = edge_index[0]
    dst = edge_index[1]
    n = x.shape[0]
    layers = [(W1_0, b1_0, W2_0, b2_0, g_0, be_0),
              (W1_1, b1_1, W2_1, b2_1, g_1, be_1),
              (W1_2, b1_2, W2_2, b2_2, g_2, be_2)]
    h = x
    for (W1, b1, W2, b2, g, be) in layers:
        # GINConv, eps=0: nn(x + sum_{j in N(i)} x_j)
        agg = jax.ops.segment_sum(h[src], dst, num_segments=n)
        z = h + agg
        z = jax.nn.relu(z @ W1 + b1) @ W2 + b2
        z = jax.nn.relu(z)
        # BatchNorm1d eval mode (running_mean=0, running_var=1): affine only
        h = z * g + be
    pooled = jax.ops.segment_sum(h, batch, num_segments=G)
    u = jax.nn.relu(pooled @ fc1_w + fc1_b)
    # dropout is identity in eval mode
    u = u @ fc2_w + fc2_b
    out = jnp.mean(u, axis=0)  # temporal_type == 'mean'
    return jax.nn.log_softmax(out, axis=-1)

if __name__ == "__main__":
    import jax
    _d = setup_inputs()
    print(jax.jit(kernel)(*tuple(_d.values())))

</pallas_src>

<mosaic_0001>
#map = affine_map<(d0, d1) -> (0, 0)>
#map1 = affine_map<(d0, d1) -> (0, 0, 0)>
module attributes {stable_mosaic.version = 14 : i64} {
  func.func @body(%arg0: i32, %arg1: i32, %arg2: memref<10240x32xf32, #tpu.memory_space<hbm>>, %arg3: memref<2x320000xi32, #tpu.memory_space<hbm>>, %arg4: memref<2x10240x32xf32, #tpu.memory_space<hbm>>, %arg5: memref<10000xi32, #tpu.memory_space<vmem>>, %arg6: memref<10000xi32, #tpu.memory_space<vmem>>, %arg7: memref<10x80x32xf32, #tpu.memory_space<vmem>>, %arg8: memref<640x32xf32, #tpu.memory_space<vmem>>, %arg9: memref<10240x32xf32, #tpu.memory_space<vmem_shared>>, %arg10: memref<10240x32xf32, #tpu.memory_space<vmem_shared>>, %arg11: memref<10x!tpu.dma_semaphore, #tpu.memory_space<semaphore_mem>>, %arg12: memref<10x!tpu.dma_semaphore, #tpu.memory_space<semaphore_mem>>, %arg13: memref<!tpu.dma_semaphore, #tpu.memory_space<semaphore_mem>>) attributes {dimension_semantics = [#tpu.dimension_semantics<core_parallel>, #tpu.dimension_semantics<subcore_parallel>], iteration_bounds = array<i64: 2, 16>, scalar_prefetch = 0 : i64, scratch_operands = 9 : i64, tpu.core_type = #tpu.core_type<sc_vector_subcore>, window_params = [{transform_indices = #map}, {transform_indices = #map}, {transform_indices = #map1}]} {
    %mul3A = arith.constant 16 : i32
    %mul3A_0 = arith.muli %arg0, %mul3A : i32
    %add3A = arith.addi %mul3A_0, %arg1 : i32
    %mul3A_1 = arith.constant 10000 : i32
    %mul3A_2 = arith.muli %add3A, %mul3A_1 : i32
    %multiple_of3A = tpu.assume_multiple %mul3A_2, 8 : i32
    %dma_start3A = arith.constant 0 : i32
    %dma_start3A_3 = arith.constant 0 : i32
    %dma_start3A_4 = arith.constant 0 : i32
    %dma_start3A_5 = tpu.memref_slice %arg3[%dma_start3A, %dma_start3A_4] : memref<2x320000xi32, #tpu.memory_space<hbm>> -> memref<1x320000xi32, #tpu.memory_space<hbm>>
    %dma_start3A_6 = tpu.memref_squeeze %dma_start3A_5 : memref<1x320000xi32, #tpu.memory_space<hbm>> -> memref<320000xi32, #tpu.memory_space<hbm>>
    %dma_start3A_7 = tpu.memref_slice %dma_start3A_6[%multiple_of3A] : memref<320000xi32, #tpu.memory_space<hbm>> -> memref<10000xi32, #tpu.memory_space<hbm>>
    %dma_start3A_8 = tpu.memref_slice %arg11[%dma_start3A_3] : memref<10x!tpu.dma_semaphore, #tpu.memory_space<semaphore_mem>> -> memref<1x!tpu.dma_semaphore, #tpu.memory_space<semaphore_mem>>
    %dma_start3A_9 = tpu.memref_squeeze %dma_start3A_8 : memref<1x!tpu.dma_semaphore, #tpu.memory_space<semaphore_mem>> -> memref<!tpu.dma_semaphore, #tpu.memory_space<semaphore_mem>>
    %dma_start3A_10 = arith.constant 0 : i32
    %dma_start3A_11 = tpu.memref_slice %arg3[%dma_start3A, %dma_start3A_10] : memref<2x320000xi32, #tpu.memory_space<hbm>> -> memref<1x320000xi32, #tpu.memory_space<hbm>>
    %dma_start3A_12 = tpu.memref_squeeze %dma_start3A_11 : memref<1x320000xi32, #tpu.memory_space<hbm>> -> memref<320000xi32, #tpu.memory_space<hbm>>
    %dma_start3A_13 = tpu.memref_slice %dma_start3A_12[%multiple_of3A] : memref<320000xi32, #tpu.memory_space<hbm>> -> memref<10000xi32, #tpu.memory_space<hbm>>
    tpu.enqueue_dma source(%dma_start3A_13 : memref<10000xi32, #tpu.memory_space<hbm>>) target(%arg5 : memref<10000xi32, #tpu.memory_space<vmem>>) target_semaphore(%dma_start3A_9 : memref<!tpu.dma_semaphore, #tpu.memory_space<semaphore_mem>>)
    %dma_start3A_14 = arith.constant 1 : i32
    %dma_start3A_15 = arith.constant 1 : i32
    %dma_start3A_16 = arith.constant 0 : i32
    %dma_start3A_17 = tpu.memref_slice %arg3[%dma_start3A_14, %dma_start3A_16] : memref<2x320000xi32, #tpu.memory_space<hbm>> -> memref<1x320000xi32, #tpu.memory_space<hbm>>
    %dma_start3A_18 = tpu.memref_squeeze %dma_start3A_17 : memref<1x320000xi32, #tpu.memory_space<hbm>> -> memref<320000xi32, #tpu.memory_space<hbm>>
    %dma_start3A_19 = tpu.memref_slice %dma_start3A_18[%multiple_of3A] : memref<320000xi32, #tpu.memory_space<hbm>> -> memref<10000xi32, #tpu.memory_space<hbm>>
    %dma_start3A_20 = tpu.memref_slice %arg11[%dma_start3A_15] : memref<10x!tpu.dma_semaphore, #tpu.memory_space<semaphore_mem>> -> memref<1x!tpu.dma_semaphore, #tpu.memory_space<semaphore_mem>>
    %dma_start3A_21 = tpu.memref_squeeze %dma_start3A_20 : memref<1x!tpu.dma_semaphore, #tpu.memory_space<semaphore_mem>> -> memref<!tpu.dma_semaphore, #tpu.memory_space<semaphore_mem>>
    %dma_start3A_22 = arith.constant 0 : i32
    %dma_start3A_23 = tpu.memref_slice %arg3[%dma_start3A_14, %dma_start3A_22] : memref<2x320000xi32, #tpu.memory_space<hbm>> -> memref<1x320000xi32, #tpu.memory_space<hbm>>
    %dma_start3A_24 = tpu.memref_squeeze %dma_start3A_23 : memref<1x320000xi32, #tpu.memory_space<hbm>> -> memref<320000xi32, #tpu.memory_space<hbm>>
    %dma_start3A_25 = tpu.memref_slice %dma_start3A_24[%multiple_of3A] : memref<320000xi32, #tpu.memory_space<hbm>> -> memref<10000xi32, #tpu.memory_space<hbm>>
    tpu.enqueue_dma source(%dma_start3A_25 : memref<10000xi32, #tpu.memory_space<hbm>>) target(%arg6 : memref<10000xi32, #tpu.memory_space<vmem>>) target_semaphore(%dma_start3A_21 : memref<!tpu.dma_semaphore, #tpu.memory_space<semaphore_mem>>)
    %mul3A_26 = arith.constant 640 : i32
    %mul3A_27 = arith.muli %arg1, %mul3A_26 : i32
    %mul3A_28 = arith.constant 640 : i32
    %mul3A_29 = arith.muli %arg1, %mul3A_28 : i32
    %dma_start3A_30 = arith.constant 0 : i32
    %dma_start3A_31 = tpu.memref_slice %arg10[%mul3A_29, %dma_start3A_30] : memref<10240x32xf32, #tpu.memory_space<vmem_shared>> -> memref<640x32xf32, #tpu.memory_space<vmem_shared>>
    %dma_start3A_32 = arith.constant 0 : i32
    %dma_start3A_33 = tpu.memref_slice %arg2[%mul3A_27, %dma_start3A_32] : memref<10240x32xf32, #tpu.memory_space<hbm>> -> memref<640x32xf32, #tpu.memory_space<hbm>>
    tpu.enqueue_dma source(%dma_start3A_33 : memref<640x32xf32, #tpu.memory_space<hbm>>) target(%dma_start3A_31 : memref<640x32xf32, #tpu.memory_space<vmem_shared>>) target_semaphore(%arg13 : memref<!tpu.dma_semaphore, #tpu.memory_space<semaphore_mem>>)
    %broadcast_in_dim3A = arith.constant 0.000000e+00 : f32
    %broadcast_in_dim3A_34 = vector.broadcast %broadcast_in_dim3A : f32 to vector<16xf32>
    %scan3A = arith.constant 0 : i32
    %scan3A_35 = arith.constant 0 : i32
    %scan3A_36 = arith.constant 160 : i32
    %scan3A_37 = arith.addi %scan3A_35, %scan3A_36 : i32
    %scan3A_38 = arith.constant 1 : i32
    scf.for %scan3A_920 = %scan3A_35 to %scan3A_37 step %scan3A_38  : i32 {
      %mul3A_921 = arith.constant 4 : i32
      %mul3A_922 = arith.muli %scan3A_920, %mul3A_921 : i32
      %add3A_923 = arith.constant 0 : i32
      %add3A_924 = arith.addi %mul3A_922, %add3A_923 : i32
      %swap3A = arith.index_cast %add3A_924 : i32 to index
      %swap3A_925 = arith.constant 0 : index
      %swap3A_926 = tpu.vector_load %arg8[%swap3A, %swap3A_925] {strides = array<i32>} : memref<640x32xf32, #tpu.memory_space<vmem>>, vector<1x16xf32>,
      %swap3A_927 = vector.shape_cast %swap3A_926 : vector<1x16xf32> to vector<16xf32>
      %swap3A_928 = vector.shape_cast %broadcast_in_dim3A_34 : vector<16xf32> to vector<1x16xf32>
      tpu.vector_store %arg8[%swap3A, %swap3A_925], %swap3A_928 {strides = array<i32>} : memref<640x32xf32, #tpu.memory_space<vmem>>, vector<1x16xf32>,
      %mul3A_929 = arith.constant 4 : i32
      %mul3A_930 = arith.muli %scan3A_920, %mul3A_929 : i32
      %add3A_931 = arith.constant 0 : i32
      %add3A_932 = arith.addi %mul3A_930, %add3A_931 : i32
      %swap3A_933 = arith.index_cast %add3A_932 : i32 to index
      %swap3A_934 = arith.constant 16 : index
      %swap3A_935 = tpu.vector_load %arg8[%swap3A_933, %swap3A_934] {strides = array<i32>} : memref<640x32xf32, #tpu.memory_space<vmem>>, vector<1x16xf32>,
      %swap3A_936 = vector.shape_cast %swap3A_935 : vector<1x16xf32> to vector<16xf32>
      %swap3A_937 = vector.shape_cast %broadcast_in_dim3A_34 : vector<16xf32> to vector<1x16xf32>
      tpu.vector_store %arg8[%swap3A_933, %swap3A_934], %swap3A_937 {strides = array<i32>} : memref<640x32xf32, #tpu.memory_space<vmem>>, vector<1x16xf32>,
      %mul3A_938 = arith.constant 4 : i32
      %mul3A_939 = arith.muli %scan3A_920, %mul3A_938 : i32
      %add3A_940 = arith.constant 1 : i32
      %add3A_941 = arith.addi %mul3A_939, %add3A_940 : i32
      %swap3A_942 = arith.index_cast %add3A_941 : i32 to index
      %swap3A_943 = arith.constant 0 : index
      %swap3A_944 = tpu.vector_load %arg8[%swap3A_942, %swap3A_943] {strides = array<i32>} : memref<640x32xf32, #tpu.memory_space<vmem>>, vector<1x16xf32>,
      %swap3A_945 = vector.shape_cast %swap3A_944 : vector<1x16xf32> to vector<16xf32>
      %swap3A_946 = vector.shape_cast %broadcast_in_dim3A_34 : vector<16xf32> to vector<1x16xf32>
      tpu.vector_store %arg8[%swap3A_942, %swap3A_943], %swap3A_946 {strides = array<i32>} : memref<640x32xf32, #tpu.memory_space<vmem>>, vector<1x16xf32>,
      %mul3A_947 = arith.constant 4 : i32
      %mul3A_948 = arith.muli %scan3A_920, %mul3A_947 : i32
      %add3A_949 = arith.constant 1 : i32
      %add3A_950 = arith.addi %mul3A_948, %add3A_949 : i32
      %swap3A_951 = arith.index_cast %add3A_950 : i32 to index
      %swap3A_952 = arith.constant 16 : index
      %swap3A_953 = tpu.vector_load %arg8[%swap3A_951, %swap3A_952] {strides = array<i32>} : memref<640x32xf32, #tpu.memory_space<vmem>>, vector<1x16xf32>,
      %swap3A_954 = vector.shape_cast %swap3A_953 : vector<1x16xf32> to vector<16xf32>
      %swap3A_955 = vector.shape_cast %broadcast_in_dim3A_34 : vector<16xf32> to vector<1x16xf32>
      tpu.vector_store %arg8[%swap3A_951, %swap3A_952], %swap3A_955 {strides = array<i32>} : memref<640x32xf32, #tpu.memory_space<vmem>>, vector<1x16xf32>,
      %mul3A_956 = arith.constant 4 : i32
      %mul3A_957 = arith.muli %scan3A_920, %mul3A_956 : i32
      %add3A_958 = arith.constant 2 : i32
      %add3A_959 = arith.addi %mul3A_957, %add3A_958 : i32
      %swap3A_960 = arith.index_cast %add3A_959 : i32 to index
      %swap3A_961 = arith.constant 0 : index
      %swap3A_962 = tpu.vector_load %arg8[%swap3A_960, %swap3A_961] {strides = array<i32>} : memref<640x32xf32, #tpu.memory_space<vmem>>, vector<1x16xf32>,
      %swap3A_963 = vector.shape_cast %swap3A_962 : vector<1x16xf32> to vector<16xf32>
      %swap3A_964 = vector.shape_cast %broadcast_in_dim3A_34 : vector<16xf32> to vector<1x16xf32>
      tpu.vector_store %arg8[%swap3A_960, %swap3A_961], %swap3A_964 {strides = array<i32>} : memref<640x32xf32, #tpu.memory_space<vmem>>, vector<1x16xf32>,
      %mul3A_965 = arith.constant 4 : i32
      %mul3A_966 = arith.muli %scan3A_920, %mul3A_965 : i32
      %add3A_967 = arith.constant 2 : i32
      %add3A_968 = arith.addi %mul3A_966, %add3A_967 : i32
      %swap3A_969 = arith.index_cast %add3A_968 : i32 to index
      %swap3A_970 = arith.constant 16 : index
      %swap3A_971 = tpu.vector_load %arg8[%swap3A_969, %swap3A_970] {strides = array<i32>} : memref<640x32xf32, #tpu.memory_space<vmem>>, vector<1x16xf32>,
      %swap3A_972 = vector.shape_cast %swap3A_971 : vector<1x16xf32> to vector<16xf32>
      %swap3A_973 = vector.shape_cast %broadcast_in_dim3A_34 : vector<16xf32> to vector<1x16xf32>
      tpu.vector_store %arg8[%swap3A_969, %swap3A_970], %swap3A_973 {strides = array<i32>} : memref<640x32xf32, #tpu.memory_space<vmem>>, vector<1x16xf32>,
      %mul3A_974 = arith.constant 4 : i32
      %mul3A_975 = arith.muli %scan3A_920, %mul3A_974 : i32
      %add3A_976 = arith.constant 3 : i32
      %add3A_977 = arith.addi %mul3A_975, %add3A_976 : i32
      %swap3A_978 = arith.index_cast %add3A_977 : i32 to index
      %swap3A_979 = arith.constant 0 : index
      %swap3A_980 = tpu.vector_load %arg8[%swap3A_978, %swap3A_979] {strides = array<i32>} : memref<640x32xf32, #tpu.memory_space<vmem>>, vector<1x16xf32>,
      %swap3A_981 = vector.shape_cast %swap3A_980 : vector<1x16xf32> to vector<16xf32>
      %swap3A_982 = vector.shape_cast %broadcast_in_dim3A_34 : vector<16xf32> to vector<1x16xf32>
      tpu.vector_store %arg8[%swap3A_978, %swap3A_979], %swap3A_982 {strides = array<i32>} : memref<640x32xf32, #tpu.memory_space<vmem>>, vector<1x16xf32>,
      %mul3A_983 = arith.constant 4 : i32
      %mul3A_984 = arith.muli %scan3A_920, %mul3A_983 : i32
      %add3A_985 = arith.constant 3 : i32
      %add3A_986 = arith.addi %mul3A_984, %add3A_985 : i32
      %swap3A_987 = arith.index_cast %add3A_986 : i32 to index
      %swap3A_988 = arith.constant 16 : index
      %swap3A_989 = tpu.vector_load %arg8[%swap3A_987, %swap3A_988] {strides = array<i32>} : memref<640x32xf32, #tpu.memory_space<vmem>>, vector<1x16xf32>,
      %swap3A_990 = vector.shape_cast %swap3A_989 : vector<1x16xf32> to vector<16xf32>
      %swap3A_991 = vector.shape_cast %broadcast_in_dim3A_34 : vector<16xf32> to vector<1x16xf32>
      tpu.vector_store %arg8[%swap3A_987, %swap3A_988], %swap3A_991 {strides = array<i32>} : memref<640x32xf32, #tpu.memory_space<vmem>>, vector<1x16xf32>,
    }
    %scan3A_39 = arith.constant 160 : i32
    %dma_wait3A = arith.constant 0 : i32
    %dma_wait3A_40 = arith.constant 0 : i32
    %dma_wait3A_41 = arith.constant 0 : i32
    %dma_wait3A_42 = tpu.memref_slice %arg3[%dma_wait3A, %dma_wait3A_41] : memref<2x320000xi32, #tpu.memory_space<hbm>> -> memref<1x320000xi32, #tpu.memory_space<hbm>>
    %dma_wait3A_43 = tpu.memref_squeeze %dma_wait3A_42 : memref<1x320000xi32, #tpu.memory_space<hbm>> -> memref<320000xi32, #tpu.memory_space<hbm>>
    %dma_wait3A_44 = tpu.memref_slice %dma_wait3A_43[%multiple_of3A] : memref<320000xi32, #tpu.memory_space<hbm>> -> memref<10000xi32, #tpu.memory_space<hbm>>
    %dma_wait3A_45 = tpu.memref_slice %arg11[%dma_wait3A_40] : memref<10x!tpu.dma_semaphore, #tpu.memory_space<semaphore_mem>> -> memref<1x!tpu.dma_semaphore, #tpu.memory_space<semaphore_mem>>
    %dma_wait3A_46 = tpu.memref_squeeze %dma_wait3A_45 : memref<1x!tpu.dma_semaphore, #tpu.memory_space<semaphore_mem>> -> memref<!tpu.dma_semaphore, #tpu.memory_space<semaphore_mem>>
    %dma_wait3A_47 = arith.constant 0 : i32
    %dma_wait3A_48 = tpu.memref_slice %arg3[%dma_wait3A, %dma_wait3A_47] : memref<2x320000xi32, #tpu.memory_space<hbm>> -> memref<1x320000xi32, #tpu.memory_space<hbm>>
    %dma_wait3A_49 = tpu.memref_squeeze %dma_wait3A_48 : memref<1x320000xi32, #tpu.memory_space<hbm>> -> memref<320000xi32, #tpu.memory_space<hbm>>
    %dma_wait3A_50 = tpu.memref_slice %dma_wait3A_49[%multiple_of3A] : memref<320000xi32, #tpu.memory_space<hbm>> -> memref<10000xi32, #tpu.memory_space<hbm>>
    tpu.wait_dma2 semaphore(%dma_wait3A_46 : memref<!tpu.dma_semaphore, #tpu.memory_space<semaphore_mem>>) src(%dma_wait3A_50 : memref<10000xi32, #tpu.memory_space<hbm>>) dst(%arg5 : memref<10000xi32, #tpu.memory_space<vmem>>)
    %dma_wait3A_51 = arith.constant 1 : i32
    %dma_wait3A_52 = arith.constant 1 : i32
    %dma_wait3A_53 = arith.constant 0 : i32
    %dma_wait3A_54 = tpu.memref_slice %arg3[%dma_wait3A_51, %dma_wait3A_53] : memref<2x320000xi32, #tpu.memory_space<hbm>> -> memref<1x320000xi32, #tpu.memory_space<hbm>>
    %dma_wait3A_55 = tpu.memref_squeeze %dma_wait3A_54 : memref<1x320000xi32, #tpu.memory_space<hbm>> -> memref<320000xi32, #tpu.memory_space<hbm>>
    %dma_wait3A_56 = tpu.memref_slice %dma_wait3A_55[%multiple_of3A] : memref<320000xi32, #tpu.memory_space<hbm>> -> memref<10000xi32, #tpu.memory_space<hbm>>
    %dma_wait3A_57 = tpu.memref_slice %arg11[%dma_wait3A_52] : memref<10x!tpu.dma_semaphore, #tpu.memory_space<semaphore_mem>> -> memref<1x!tpu.dma_semaphore, #tpu.memory_space<semaphore_mem>>
    %dma_wait3A_58 = tpu.memref_squeeze %dma_wait3A_57 : memref<1x!tpu.dma_semaphore, #tpu.memory_space<semaphore_mem>> -> memref<!tpu.dma_semaphore, #tpu.memory_space<semaphore_mem>>
    %dma_wait3A_59 = arith.constant 0 : i32
    %dma_wait3A_60 = tpu.memref_slice %arg3[%dma_wait3A_51, %dma_wait3A_59] : memref<2x320000xi32, #tpu.memory_space<hbm>> -> memref<1x320000xi32, #tpu.memory_space<hbm>>
    %dma_wait3A_61 = tpu.memref_squeeze %dma_wait3A_60 : memref<1x320000xi32, #tpu.memory_space<hbm>> -> memref<320000xi32, #tpu.memory_space<hbm>>
    %dma_wait3A_62 = tpu.memref_slice %dma_wait3A_61[%multiple_of3A] : memref<320000xi32, #tpu.memory_space<hbm>> -> memref<10000xi32, #tpu.memory_space<hbm>>
    tpu.wait_dma2 semaphore(%dma_wait3A_58 : memref<!tpu.dma_semaphore, #tpu.memory_space<semaphore_mem>>) src(%dma_wait3A_62 : memref<10000xi32, #tpu.memory_space<hbm>>) dst(%arg6 : memref<10000xi32, #tpu.memory_space<vmem>>)
    %dma_wait3A_63 = arith.constant 0 : i32
    %dma_wait3A_64 = tpu.memref_slice %arg10[%mul3A_29, %dma_wait3A_63] : memref<10240x32xf32, #tpu.memory_space<vmem_shared>> -> memref<640x32xf32, #tpu.memory_space<vmem_shared>>
    %dma_wait3A_65 = arith.constant 0 : i32
    %dma_wait3A_66 = tpu.memref_slice %arg2[%mul3A_27, %dma_wait3A_65] : memref<10240x32xf32, #tpu.memory_space<hbm>> -> memref<640x32xf32, #tpu.memory_space<hbm>>
    tpu.wait_dma2 semaphore(%arg13 : memref<!tpu.dma_semaphore, #tpu.memory_space<semaphore_mem>>) src(%dma_wait3A_66 : memref<640x32xf32, #tpu.memory_space<hbm>>) dst(%dma_wait3A_64 : memref<640x32xf32, #tpu.memory_space<vmem_shared>>)
    %mul3A_67 = arith.constant 640 : i32
    %mul3A_68 = arith.muli %arg1, %mul3A_67 : i32
    "tpu.region"() ({
      %run_scoped3A = tpu.sem_alloc : memref<!tpu.dma_semaphore, #tpu.memory_space<semaphore_mem>>
      %dma_start3A_920 = arith.constant 0 : i32
      %dma_start3A_921 = tpu.memref_slice %arg9[%mul3A_68, %dma_start3A_920] : memref<10240x32xf32, #tpu.memory_space<vmem_shared>> -> memref<640x32xf32, #tpu.memory_space<vmem_shared>>
      %dma_start3A_922 = arith.constant 0 : i32
      %dma_start3A_923 = tpu.memref_slice %arg9[%mul3A_68, %dma_start3A_922] : memref<10240x32xf32, #tpu.memory_space<vmem_shared>> -> memref<640x32xf32, #tpu.memory_space<vmem_shared>>
      tpu.enqueue_dma source(%arg8 : memref<640x32xf32, #tpu.memory_space<vmem>>) target(%dma_start3A_923 : memref<640x32xf32, #tpu.memory_space<vmem_shared>>) target_semaphore(%run_scoped3A : memref<!tpu.dma_semaphore, #tpu.memory_space<semaphore_mem>>)
      %dma_wait3A_924 = arith.constant 0 : i32
      %dma_wait3A_925 = tpu.memref_slice %arg9[%mul3A_68, %dma_wait3A_924] : memref<10240x32xf32, #tpu.memory_space<vmem_shared>> -> memref<640x32xf32, #tpu.memory_space<vmem_shared>>
      %dma_wait3A_926 = arith.constant 0 : i32
      %dma_wait3A_927 = tpu.memref_slice %arg9[%mul3A_68, %dma_wait3A_926] : memref<10240x32xf32, #tpu.memory_space<vmem_shared>> -> memref<640x32xf32, #tpu.memory_space<vmem_shared>>
      tpu.wait_dma2 semaphore(%run_scoped3A : memref<!tpu.dma_semaphore, #tpu.memory_space<semaphore_mem>>) src(%arg8 : memref<640x32xf32, #tpu.memory_space<vmem>>) dst(%dma_wait3A_927 : memref<640x32xf32, #tpu.memory_space<vmem_shared>>)
      tpu.yield
    }) : () -> ()
    %barrier3A = arith.constant 0 : index
    tpu.barrier barrier_id(%barrier3A)
    %multiple_of3A_69 = arith.constant 0 : i32
    %multiple_of3A_70 = tpu.assume_multiple %multiple_of3A_69, 8 : i32
    %dma_start3A_71 = arith.constant 0 : i32
    %dma_start3A_72 = arith.constant 0 : i32
    %dma_start3A_73 = arith.constant 0 : i32
    %dma_start3A_74 = arith.constant 0 : i32
    %dma_start3A_75 = tpu.memref_slice %arg7[%dma_start3A_71, %dma_start3A_73, %dma_start3A_74] : memref<10x80x32xf32, #tpu.memory_space<vmem>> -> memref<1x80x32xf32, #tpu.memory_space<vmem>>
    %dma_start3A_76 = tpu.memref_squeeze %dma_start3A_75 : memref<1x80x32xf32, #tpu.memory_space<vmem>> -> memref<80x32xf32, #tpu.memory_space<vmem>>
    %dma_start3A_77 = tpu.memref_slice %arg5[%multiple_of3A_70] : memref<10000xi32, #tpu.memory_space<vmem>> -> memref<80xi32, #tpu.memory_space<vmem>>
    %dma_start3A_78 = arith.constant 0 : i32
    %dma_start3A_79 = arith.constant 0 : i32
    %dma_start3A_80 = tpu.memref_slice %arg10[%dma_start3A_78, %dma_start3A_79] : memref<10240x32xf32, #tpu.memory_space<vmem_shared>> -> memref<10240x32xf32, #tpu.memory_space<vmem_shared>>
    %dma_start3A_81 = tpu.memref_slice %arg11[%dma_start3A_72] : memref<10x!tpu.dma_semaphore, #tpu.memory_space<semaphore_mem>> -> memref<1x!tpu.dma_semaphore, #tpu.memory_space<semaphore_mem>>
    %dma_start3A_82 = tpu.memref_squeeze %dma_start3A_81 : memref<1x!tpu.dma_semaphore, #tpu.memory_space<semaphore_mem>> -> memref<!tpu.dma_semaphore, #tpu.memory_space<semaphore_mem>>
    tpu.enqueue_indirect_dma source(%dma_start3A_80 : memref<10240x32xf32, #tpu.memory_space<vmem_shared>>) target(%dma_start3A_76 : memref<80x32xf32, #tpu.memory_space<vmem>>) offsets(%dma_start3A_77 : memref<80xi32, #tpu.memory_space<vmem>>) semaphore(%dma_start3A_82 : memref<!tpu.dma_semaphore, #tpu.memory_space<semaphore_mem>>)
    %multiple_of3A_83 = arith.constant 80 : i32
    %multiple_of3A_84 = tpu.assume_multiple %multiple_of3A_83, 8 : i32
    %dma_start3A_85 = arith.constant 1 : i32
    %dma_start3A_86 = arith.constant 1 : i32
    %dma_start3A_87 = arith.constant 0 : i32
    %dma_start3A_88 = arith.constant 0 : i32
    %dma_start3A_89 = tpu.memref_slice %arg7[%dma_start3A_85, %dma_start3A_87, %dma_start3A_88] : memref<10x80x32xf32, #tpu.memory_space<vmem>> -> memref<1x80x32xf32, #tpu.memory_space<vmem>>
    %dma_start3A_90 = tpu.memref_squeeze %dma_start3A_89 : memref<1x80x32xf32, #tpu.memory_space<vmem>> -> memref<80x32xf32, #tpu.memory_space<vmem>>
    %dma_start3A_91 = tpu.memref_slice %arg5[%multiple_of3A_84] : memref<10000xi32, #tpu.memory_space<vmem>> -> memref<80xi32, #tpu.memory_space<vmem>>
    %dma_start3A_92 = arith.constant 0 : i32
    %dma_start3A_93 = arith.constant 0 : i32
    %dma_start3A_94 = tpu.memref_slice %arg10[%dma_start3A_92, %dma_start3A_93] : memref<10240x32xf32, #tpu.memory_space<vmem_shared>> -> memref<10240x32xf32, #tpu.memory_space<vmem_shared>>
    %dma_start3A_95 = tpu.memref_slice %arg11[%dma_start3A_86] : memref<10x!tpu.dma_semaphore, #tpu.memory_space<semaphore_mem>> -> memref<1x!tpu.dma_semaphore, #tpu.memory_space<semaphore_mem>>
    %dma_start3A_96 = tpu.memref_squeeze %dma_start3A_95 : memref<1x!tpu.dma_semaphore, #tpu.memory_space<semaphore_mem>> -> memref<!tpu.dma_semaphore, #tpu.memory_space<semaphore_mem>>
    tpu.enqueue_indirect_dma source(%dma_start3A_94 : memref<10240x32xf32, #tpu.memory_space<vmem_shared>>) target(%dma_start3A_90 : memref<80x32xf32, #tpu.memory_space<vmem>>) offsets(%dma_start3A_91 : memref<80xi32, #tpu.memory_space<vmem>>) semaphore(%dma_start3A_96 : memref<!tpu.dma_semaphore, #tpu.memory_space<semaphore_mem>>)
    %multiple_of3A_97 = arith.constant 160 : i32
    %multiple_of3A_98 = tpu.assume_multiple %multiple_of3A_97, 8 : i32
    %dma_start3A_99 = arith.constant 2 : i32
    %dma_start3A_100 = arith.constant 2 : i32
    %dma_start3A_101 = arith.constant 0 : i32
    %dma_start3A_102 = arith.constant 0 : i32
    %dma_start3A_103 = tpu.memref_slice %arg7[%dma_start3A_99, %dma_start3A_101, %dma_start3A_102] : memref<10x80x32xf32, #tpu.memory_space<vmem>> -> memref<1x80x32xf32, #tpu.memory_space<vmem>>
    %dma_start3A_104 = tpu.memref_squeeze %dma_start3A_103 : memref<1x80x32xf32, #tpu.memory_space<vmem>> -> memref<80x32xf32, #tpu.memory_space<vmem>>
    %dma_start3A_105 = tpu.memref_slice %arg5[%multiple_of3A_98] : memref<10000xi32, #tpu.memory_space<vmem>> -> memref<80xi32, #tpu.memory_space<vmem>>
    %dma_start3A_106 = arith.constant 0 : i32
    %dma_start3A_107 = arith.constant 0 : i32
    %dma_start3A_108 = tpu.memref_slice %arg10[%dma_start3A_106, %dma_start3A_107] : memref<10240x32xf32, #tpu.memory_space<vmem_shared>> -> memref<10240x32xf32, #tpu.memory_space<vmem_shared>>
    %dma_start3A_109 = tpu.memref_slice %arg11[%dma_start3A_100] : memref<10x!tpu.dma_semaphore, #tpu.memory_space<semaphore_mem>> -> memref<1x!tpu.dma_semaphore, #tpu.memory_space<semaphore_mem>>
    %dma_start3A_110 = tpu.memref_squeeze %dma_start3A_109 : memref<1x!tpu.dma_semaphore, #tpu.memory_space<semaphore_mem>> -> memref<!tpu.dma_semaphore, #tpu.memory_space<semaphore_mem>>
    tpu.enqueue_indirect_dma source(%dma_start3A_108 : memref<10240x32xf32, #tpu.memory_space<vmem_shared>>) target(%dma_start3A_104 : memref<80x32xf32, #tpu.memory_space<vmem>>) offsets(%dma_start3A_105 : memref<80xi32, #tpu.memory_space<vmem>>) semaphore(%dma_start3A_110 : memref<!tpu.dma_semaphore, #tpu.memory_space<semaphore_mem>>)
    %multiple_of3A_111 = arith.constant 240 : i32
    %multiple_of3A_112 = tpu.assume_multiple %multiple_of3A_111, 8 : i32
    %dma_start3A_113 = arith.constant 3 : i32
    %dma_start3A_114 = arith.constant 3 : i32
    %dma_start3A_115 = arith.constant 0 : i32
    %dma_start3A_116 = arith.constant 0 : i32
    %dma_start3A_117 = tpu.memref_slice %arg7[%dma_start3A_113, %dma_start3A_115, %dma_start3A_116] : memref<10x80x32xf32, #tpu.memory_space<vmem>> -> memref<1x80x32xf32, #tpu.memory_space<vmem>>
    %dma_start3A_118 = tpu.memref_squeeze %dma_start3A_117 : memref<1x80x32xf32, #tpu.memory_space<vmem>> -> memref<80x32xf32, #tpu.memory_space<vmem>>
    %dma_start3A_119 = tpu.memref_slice %arg5[%multiple_of3A_112] : memref<10000xi32, #tpu.memory_space<vmem>> -> memref<80xi32, #tpu.memory_space<vmem>>
    %dma_start3A_120 = arith.constant 0 : i32
    %dma_start3A_121 = arith.constant 0 : i32
    %dma_start3A_122 = tpu.memref_slice %arg10[%dma_start3A_120, %dma_start3A_121] : memref<10240x32xf32, #tpu.memory_space<vmem_shared>> -> memref<10240x32xf32, #tpu.memory_space<vmem_shared>>
    %dma_start3A_123 = tpu.memref_slice %arg11[%dma_start3A_114] : memref<10x!tpu.dma_semaphore, #tpu.memory_space<semaphore_mem>> -> memref<1x!tpu.dma_semaphore, #tpu.memory_space<semaphore_mem>>
    %dma_start3A_124 = tpu.memref_squeeze %dma_start3A_123 : memref<1x!tpu.dma_semaphore, #tpu.memory_space<semaphore_mem>> -> memref<!tpu.dma_semaphore, #tpu.memory_space<semaphore_mem>>
    tpu.enqueue_indirect_dma source(%dma_start3A_122 : memref<10240x32xf32, #tpu.memory_space<vmem_shared>>) target(%dma_start3A_118 : memref<80x32xf32, #tpu.memory_space<vmem>>) offsets(%dma_start3A_119 : memref<80xi32, #tpu.memory_space<vmem>>) semaphore(%dma_start3A_124 : memref<!tpu.dma_semaphore, #tpu.memory_space<semaphore_mem>>)
    %multiple_of3A_125 = arith.constant 320 : i32
    %multiple_of3A_126 = tpu.assume_multiple %multiple_of3A_125, 8 : i32
    %dma_start3A_127 = arith.constant 4 : i32
    %dma_start3A_128 = arith.constant 4 : i32
    %dma_start3A_129 = arith.constant 0 : i32
    %dma_start3A_130 = arith.constant 0 : i32
    %dma_start3A_131 = tpu.memref_slice %arg7[%dma_start3A_127, %dma_start3A_129, %dma_start3A_130] : memref<10x80x32xf32, #tpu.memory_space<vmem>> -> memref<1x80x32xf32, #tpu.memory_space<vmem>>
    %dma_start3A_132 = tpu.memref_squeeze %dma_start3A_131 : memref<1x80x32xf32, #tpu.memory_space<vmem>> -> memref<80x32xf32, #tpu.memory_space<vmem>>
    %dma_start3A_133 = tpu.memref_slice %arg5[%multiple_of3A_126] : memref<10000xi32, #tpu.memory_space<vmem>> -> memref<80xi32, #tpu.memory_space<vmem>>
    %dma_start3A_134 = arith.constant 0 : i32
    %dma_start3A_135 = arith.constant 0 : i32
    %dma_start3A_136 = tpu.memref_slice %arg10[%dma_start3A_134, %dma_start3A_135] : memref<10240x32xf32, #tpu.memory_space<vmem_shared>> -> memref<10240x32xf32, #tpu.memory_space<vmem_shared>>
    %dma_start3A_137 = tpu.memref_slice %arg11[%dma_start3A_128] : memref<10x!tpu.dma_semaphore, #tpu.memory_space<semaphore_mem>> -> memref<1x!tpu.dma_semaphore, #tpu.memory_space<semaphore_mem>>
    %dma_start3A_138 = tpu.memref_squeeze %dma_start3A_137 : memref<1x!tpu.dma_semaphore, #tpu.memory_space<semaphore_mem>> -> memref<!tpu.dma_semaphore, #tpu.memory_space<semaphore_mem>>
    tpu.enqueue_indirect_dma source(%dma_start3A_136 : memref<10240x32xf32, #tpu.memory_space<vmem_shared>>) target(%dma_start3A_132 : memref<80x32xf32, #tpu.memory_space<vmem>>) offsets(%dma_start3A_133 : memref<80xi32, #tpu.memory_space<vmem>>) semaphore(%dma_start3A_138 : memref<!tpu.dma_semaphore, #tpu.memory_space<semaphore_mem>>)
    %multiple_of3A_139 = arith.constant 0 : i32
    %multiple_of3A_140 = tpu.assume_multiple %multiple_of3A_139, 8 : i32
    %dma_wait3A_141 = arith.constant 0 : i32
    %dma_wait3A_142 = arith.constant 0 : i32
    %dma_wait3A_143 = arith.constant 0 : i32
    %dma_wait3A_144 = arith.constant 0 : i32
    %dma_wait3A_145 = tpu.memref_slice %arg7[%dma_wait3A_141, %dma_wait3A_143, %dma_wait3A_144] : memref<10x80x32xf32, #tpu.memory_space<vmem>> -> memref<1x80x32xf32, #tpu.memory_space<vmem>>
    %dma_wait3A_146 = tpu.memref_squeeze %dma_wait3A_145 : memref<1x80x32xf32, #tpu.memory_space<vmem>> -> memref<80x32xf32, #tpu.memory_space<vmem>>
    %dma_wait3A_147 = tpu.memref_slice %arg5[%multiple_of3A_140] : memref<10000xi32, #tpu.memory_space<vmem>> -> memref<80xi32, #tpu.memory_space<vmem>>
    %dma_wait3A_148 = arith.constant 0 : i32
    %dma_wait3A_149 = arith.constant 0 : i32
    %dma_wait3A_150 = tpu.memref_slice %arg10[%dma_wait3A_148, %dma_wait3A_149] : memref<10240x32xf32, #tpu.memory_space<vmem_shared>> -> memref<10240x32xf32, #tpu.memory_space<vmem_shared>>
    %dma_wait3A_151 = tpu.memref_slice %arg11[%dma_wait3A_142] : memref<10x!tpu.dma_semaphore, #tpu.memory_space<semaphore_mem>> -> memref<1x!tpu.dma_semaphore, #tpu.memory_space<semaphore_mem>>
    %dma_wait3A_152 = tpu.memref_squeeze %dma_wait3A_151 : memref<1x!tpu.dma_semaphore, #tpu.memory_space<semaphore_mem>> -> memref<!tpu.dma_semaphore, #tpu.memory_space<semaphore_mem>>
    tpu.wait_indirect_dma semaphore(%dma_wait3A_152 : memref<!tpu.dma_semaphore, #tpu.memory_space<semaphore_mem>>) src(%dma_wait3A_150 : memref<10240x32xf32, #tpu.memory_space<vmem_shared>>) dst(%dma_wait3A_146 : memref<80x32xf32, #tpu.memory_space<vmem>>)
    %multiple_of3A_153 = arith.constant 0 : i32
    %multiple_of3A_154 = tpu.assume_multiple %multiple_of3A_153, 8 : i32
    %dma_start3A_155 = arith.constant 0 : i32
    %dma_start3A_156 = arith.constant 0 : i32
    %dma_start3A_157 = arith.constant 0 : i32
    %dma_start3A_158 = arith.constant 0 : i32
    %dma_start3A_159 = tpu.memref_slice %arg7[%dma_start3A_155, %dma_start3A_157, %dma_start3A_158] : memref<10x80x32xf32, #tpu.memory_space<vmem>> -> memref<1x80x32xf32, #tpu.memory_space<vmem>>
    %dma_start3A_160 = tpu.memref_squeeze %dma_start3A_159 : memref<1x80x32xf32, #tpu.memory_space<vmem>> -> memref<80x32xf32, #tpu.memory_space<vmem>>
    %dma_start3A_161 = tpu.memref_slice %arg6[%multiple_of3A_154] : memref<10000xi32, #tpu.memory_space<vmem>> -> memref<80xi32, #tpu.memory_space<vmem>>
    %dma_start3A_162 = arith.constant 0 : i32
    %dma_start3A_163 = arith.constant 0 : i32
    %dma_start3A_164 = tpu.memref_slice %arg9[%dma_start3A_162, %dma_start3A_163] : memref<10240x32xf32, #tpu.memory_space<vmem_shared>> -> memref<10240x32xf32, #tpu.memory_space<vmem_shared>>
    %dma_start3A_165 = tpu.memref_slice %arg12[%dma_start3A_156] : memref<10x!tpu.dma_semaphore, #tpu.memory_space<semaphore_mem>> -> memref<1x!tpu.dma_semaphore, #tpu.memory_space<semaphore_mem>>
    %dma_start3A_166 = tpu.memref_squeeze %dma_start3A_165 : memref<1x!tpu.dma_semaphore, #tpu.memory_space<semaphore_mem>> -> memref<!tpu.dma_semaphore, #tpu.memory_space<semaphore_mem>>
    tpu.enqueue_indirect_dma source(%dma_start3A_160 : memref<80x32xf32, #tpu.memory_space<vmem>>) target(%dma_start3A_164 : memref<10240x32xf32, #tpu.memory_space<vmem_shared>>) offsets(%dma_start3A_161 : memref<80xi32, #tpu.memory_space<vmem>>) semaphore(%dma_start3A_166 : memref<!tpu.dma_semaphore, #tpu.memory_space<semaphore_mem>>) {add = true}
    %multiple_of3A_167 = arith.constant 400 : i32
    %multiple_of3A_168 = tpu.assume_multiple %multiple_of3A_167, 8 : i32
    %dma_start3A_169 = arith.constant 5 : i32
    %dma_start3A_170 = arith.constant 5 : i32
    %dma_start3A_171 = arith.constant 0 : i32
    %dma_start3A_172 = arith.constant 0 : i32
    %dma_start3A_173 = tpu.memref_slice %arg7[%dma_start3A_169, %dma_start3A_171, %dma_start3A_172] : memref<10x80x32xf32, #tpu.memory_space<vmem>> -> memref<1x80x32xf32, #tpu.memory_space<vmem>>
    %dma_start3A_174 = tpu.memref_squeeze %dma_start3A_173 : memref<1x80x32xf32, #tpu.memory_space<vmem>> -> memref<80x32xf32, #tpu.memory_space<vmem>>
    %dma_start3A_175 = tpu.memref_slice %arg5[%multiple_of3A_168] : memref<10000xi32, #tpu.memory_space<vmem>> -> memref<80xi32, #tpu.memory_space<vmem>>
    %dma_start3A_176 = arith.constant 0 : i32
    %dma_start3A_177 = arith.constant 0 : i32
    %dma_start3A_178 = tpu.memref_slice %arg10[%dma_start3A_176, %dma_start3A_177] : memref<10240x32xf32, #tpu.memory_space<vmem_shared>> -> memref<10240x32xf32, #tpu.memory_space<vmem_shared>>
    %dma_start3A_179 = tpu.memref_slice %arg11[%dma_start3A_170] : memref<10x!tpu.dma_semaphore, #tpu.memory_space<semaphore_mem>> -> memref<1x!tpu.dma_semaphore, #tpu.memory_space<semaphore_mem>>
    %dma_start3A_180 = tpu.memref_squeeze %dma_start3A_179 : memref<1x!tpu.dma_semaphore, #tpu.memory_space<semaphore_mem>> -> memref<!tpu.dma_semaphore, #tpu.memory_space<semaphore_mem>>
    tpu.enqueue_indirect_dma source(%dma_start3A_178 : memref<10240x32xf32, #tpu.memory_space<vmem_shared>>) target(%dma_start3A_174 : memref<80x32xf32, #tpu.memory_space<vmem>>) offsets(%dma_start3A_175 : memref<80xi32, #tpu.memory_space<vmem>>) semaphore(%dma_start3A_180 : memref<!tpu.dma_semaphore, #tpu.memory_space<semaphore_mem>>)
    %multiple_of3A_181 = arith.constant 0 : i32
    %multiple_of3A_182 = tpu.assume_multiple %multiple_of3A_181, 8 : i32
    %dma_wait3A_183 = arith.constant 1 : i32
    %dma_wait3A_184 = arith.constant 1 : i32
    %dma_wait3A_185 = arith.constant 0 : i32
    %dma_wait3A_186 = arith.constant 0 : i32
    %dma_wait3A_187 = tpu.memref_slice %arg7[%dma_wait3A_183, %dma_wait3A_185, %dma_wait3A_186] : memref<10x80x32xf32, #tpu.memory_space<vmem>> -> memref<1x80x32xf32, #tpu.memory_space<vmem>>
    %dma_wait3A_188 = tpu.memref_squeeze %dma_wait3A_187 : memref<1x80x32xf32, #tpu.memory_space<vmem>> -> memref<80x32xf32, #tpu.memory_space<vmem>>
    %dma_wait3A_189 = tpu.memref_slice %arg5[%multiple_of3A_182] : memref<10000xi32, #tpu.memory_space<vmem>> -> memref<80xi32, #tpu.memory_space<vmem>>
    %dma_wait3A_190 = arith.constant 0 : i32
    %dma_wait3A_191 = arith.constant 0 : i32
    %dma_wait3A_192 = tpu.memref_slice %arg10[%dma_wait3A_190, %dma_wait3A_191] : memref<10240x32xf32, #tpu.memory_space<vmem_shared>> -> memref<10240x32xf32, #tpu.memory_space<vmem_shared>>
    %dma_wait3A_193 = tpu.memref_slice %arg11[%dma_wait3A_184] : memref<10x!tpu.dma_semaphore, #tpu.memory_space<semaphore_mem>> -> memref<1x!tpu.dma_semaphore, #tpu.memory_space<semaphore_mem>>
    %dma_wait3A_194 = tpu.memref_squeeze %dma_wait3A_193 : memref<1x!tpu.dma_semaphore, #tpu.memory_space<semaphore_mem>> -> memref<!tpu.dma_semaphore, #tpu.memory_space<semaphore_mem>>
    tpu.wait_indirect_dma semaphore(%dma_wait3A_194 : memref<!tpu.dma_semaphore, #tpu.memory_space<semaphore_mem>>) src(%dma_wait3A_192 : memref<10240x32xf32, #tpu.memory_space<vmem_shared>>) dst(%dma_wait3A_188 : memref<80x32xf32, #tpu.memory_space<vmem>>)
    %multiple_of3A_195 = arith.constant 80 : i32
    %multiple_of3A_196 = tpu.assume_multiple %multiple_of3A_195, 8 : i32
    %dma_start3A_197 = arith.constant 1 : i32
    %dma_start3A_198 = arith.constant 1 : i32
    %dma_start3A_199 = arith.constant 0 : i32
    %dma_start3A_200 = arith.constant 0 : i32
    %dma_start3A_201 = tpu.memref_slice %arg7[%dma_start3A_197, %dma_start3A_199, %dma_start3A_200] : memref<10x80x32xf32, #tpu.memory_space<vmem>> -> memref<1x80x32xf32, #tpu.memory_space<vmem>>
    %dma_start3A_202 = tpu.memref_squeeze %dma_start3A_201 : memref<1x80x32xf32, #tpu.memory_space<vmem>> -> memref<80x32xf32, #tpu.memory_space<vmem>>
    %dma_start3A_203 = tpu.memref_slice %arg6[%multiple_of3A_196] : memref<10000xi32, #tpu.memory_space<vmem>> -> memref<80xi32, #tpu.memory_space<vmem>>
    %dma_start3A_204 = arith.constant 0 : i32
    %dma_start3A_205 = arith.constant 0 : i32
    %dma_start3A_206 = tpu.memref_slice %arg9[%dma_start3A_204, %dma_start3A_205] : memref<10240x32xf32, #tpu.memory_space<vmem_shared>> -> memref<10240x32xf32, #tpu.memory_space<vmem_shared>>
    %dma_start3A_207 = tpu.memref_slice %arg12[%dma_start3A_198] : memref<10x!tpu.dma_semaphore, #tpu.memory_space<semaphore_mem>> -> memref<1x!tpu.dma_semaphore, #tpu.memory_space<semaphore_mem>>
    %dma_start3A_208 = tpu.memref_squeeze %dma_start3A_207 : memref<1x!tpu.dma_semaphore, #tpu.memory_space<semaphore_mem>> -> memref<!tpu.dma_semaphore, #tpu.memory_space<semaphore_mem>>
    tpu.enqueue_indirect_dma source(%dma_start3A_202 : memref<80x32xf32, #tpu.memory_space<vmem>>) target(%dma_start3A_206 : memref<10240x32xf32, #tpu.memory_space<vmem_shared>>) offsets(%dma_start3A_203 : memref<80xi32, #tpu.memory_space<vmem>>) semaphore(%dma_start3A_208 : memref<!tpu.dma_semaphore, #tpu.memory_space<semaphore_mem>>) {add = true}
    %multiple_of3A_209 = arith.constant 480 : i32
    %multiple_of3A_210 = tpu.assume_multiple %multiple_of3A_209, 8 : i32
    %dma_start3A_211 = arith.constant 6 : i32
    %dma_start3A_212 = arith.constant 6 : i32
    %dma_start3A_213 = arith.constant 0 : i32
    %dma_start3A_214 = arith.constant 0 : i32
    %dma_start3A_215 = tpu.memref_slice %arg7[%dma_start3A_211, %dma_start3A_213, %dma_start3A_214] : memref<10x80x32xf32, #tpu.memory_space<vmem>> -> memref<1x80x32xf32, #tpu.memory_space<vmem>>
    %dma_start3A_216 = tpu.memref_squeeze %dma_start3A_215 : memref<1x80x32xf32, #tpu.memory_space<vmem>> -> memref<80x32xf32, #tpu.memory_space<vmem>>
    %dma_start3A_217 = tpu.memref_slice %arg5[%multiple_of3A_210] : memref<10000xi32, #tpu.memory_space<vmem>> -> memref<80xi32, #tpu.memory_space<vmem>>
    %dma_start3A_218 = arith.constant 0 : i32
    %dma_start3A_219 = arith.constant 0 : i32
    %dma_start3A_220 = tpu.memref_slice %arg10[%dma_start3A_218, %dma_start3A_219] : memref<10240x32xf32, #tpu.memory_space<vmem_shared>> -> memref<10240x32xf32, #tpu.memory_space<vmem_shared>>
    %dma_start3A_221 = tpu.memref_slice %arg11[%dma_start3A_212] : memref<10x!tpu.dma_semaphore, #tpu.memory_space<semaphore_mem>> -> memref<1x!tpu.dma_semaphore, #tpu.memory_space<semaphore_mem>>
    %dma_start3A_222 = tpu.memref_squeeze %dma_start3A_221 : memref<1x!tpu.dma_semaphore, #tpu.memory_space<semaphore_mem>> -> memref<!tpu.dma_semaphore, #tpu.memory_space<semaphore_mem>>
    tpu.enqueue_indirect_dma source(%dma_start3A_220 : memref<10240x32xf32, #tpu.memory_space<vmem_shared>>) target(%dma_start3A_216 : memref<80x32xf32, #tpu.memory_space<vmem>>) offsets(%dma_start3A_217 : memref<80xi32, #tpu.memory_space<vmem>>) semaphore(%dma_start3A_222 : memref<!tpu.dma_semaphore, #tpu.memory_space<semaphore_mem>>)
    %multiple_of3A_223 = arith.constant 0 : i32
    %multiple_of3A_224 = tpu.assume_multiple %multiple_of3A_223, 8 : i32
    %dma_wait3A_225 = arith.constant 2 : i32
    %dma_wait3A_226 = arith.constant 2 : i32
    %dma_wait3A_227 = arith.constant 0 : i32
    %dma_wait3A_228 = arith.constant 0 : i32
    %dma_wait3A_229 = tpu.memref_slice %arg7[%dma_wait3A_225, %dma_wait3A_227, %dma_wait3A_228] : memref<10x80x32xf32, #tpu.memory_space<vmem>> -> memref<1x80x32xf32, #tpu.memory_space<vmem>>
    %dma_wait3A_230 = tpu.memref_squeeze %dma_wait3A_229 : memref<1x80x32xf32, #tpu.memory_space<vmem>> -> memref<80x32xf32, #tpu.memory_space<vmem>>
    %dma_wait3A_231 = tpu.memref_slice %arg5[%multiple_of3A_224] : memref<10000xi32, #tpu.memory_space<vmem>> -> memref<80xi32, #tpu.memory_space<vmem>>
    %dma_wait3A_232 = arith.constant 0 : i32
    %dma_wait3A_233 = arith.constant 0 : i32
    %dma_wait3A_234 = tpu.memref_slice %arg10[%dma_wait3A_232, %dma_wait3A_233] : memref<10240x32xf32, #tpu.memory_space<vmem_shared>> -> memref<10240x32xf32, #tpu.memory_space<vmem_shared>>
    %dma_wait3A_235 = tpu.memref_slice %arg11[%dma_wait3A_226] : memref<10x!tpu.dma_semaphore, #tpu.memory_space<semaphore_mem>> -> memref<1x!tpu.dma_semaphore, #tpu.memory_space<semaphore_mem>>
    %dma_wait3A_236 = tpu.memref_squeeze %dma_wait3A_235 : memref<1x!tpu.dma_semaphore, #tpu.memory_space<semaphore_mem>> -> memref<!tpu.dma_semaphore, #tpu.memory_space<semaphore_mem>>
    tpu.wait_indirect_dma semaphore(%dma_wait3A_236 : memref<!tpu.dma_semaphore, #tpu.memory_space<semaphore_mem>>) src(%dma_wait3A_234 : memref<10240x32xf32, #tpu.memory_space<vmem_shared>>) dst(%dma_wait3A_230 : memref<80x32xf32, #tpu.memory_space<vmem>>)
    %multiple_of3A_237 = arith.constant 160 : i32
    %multiple_of3A_238 = tpu.assume_multiple %multiple_of3A_237, 8 : i32
    %dma_start3A_239 = arith.constant 2 : i32
    %dma_start3A_240 = arith.constant 2 : i32
    %dma_start3A_241 = arith.constant 0 : i32
    %dma_start3A_242 = arith.constant 0 : i32
    %dma_start3A_243 = tpu.memref_slice %arg7[%dma_start3A_239, %dma_start3A_241, %dma_start3A_242] : memref<10x80x32xf32, #tpu.memory_space<vmem>> -> memref<1x80x32xf32, #tpu.memory_space<vmem>>
    %dma_start3A_244 = tpu.memref_squeeze %dma_start3A_243 : memref<1x80x32xf32, #tpu.memory_space<vmem>> -> memref<80x32xf32, #tpu.memory_space<vmem>>
    %dma_start3A_245 = tpu.memref_slice %arg6[%multiple_of3A_238] : memref<10000xi32, #tpu.memory_space<vmem>> -> memref<80xi32, #tpu.memory_space<vmem>>
    %dma_start3A_246 = arith.constant 0 : i32
    %dma_start3A_247 = arith.constant 0 : i32
    %dma_start3A_248 = tpu.memref_slice %arg9[%dma_start3A_246, %dma_start3A_247] : memref<10240x32xf32, #tpu.memory_space<vmem_shared>> -> memref<10240x32xf32, #tpu.memory_space<vmem_shared>>
    %dma_start3A_249 = tpu.memref_slice %arg12[%dma_start3A_240] : memref<10x!tpu.dma_semaphore, #tpu.memory_space<semaphore_mem>> -> memref<1x!tpu.dma_semaphore, #tpu.memory_space<semaphore_mem>>
    %dma_start3A_250 = tpu.memref_squeeze %dma_start3A_249 : memref<1x!tpu.dma_semaphore, #tpu.memory_space<semaphore_mem>> -> memref<!tpu.dma_semaphore, #tpu.memory_space<semaphore_mem>>
    tpu.enqueue_indirect_dma source(%dma_start3A_244 : memref<80x32xf32, #tpu.memory_space<vmem>>) target(%dma_start3A_248 : memref<10240x32xf32, #tpu.memory_space<vmem_shared>>) offsets(%dma_start3A_245 : memref<80xi32, #tpu.memory_space<vmem>>) semaphore(%dma_start3A_250 : memref<!tpu.dma_semaphore, #tpu.memory_space<semaphore_mem>>) {add = true}
    %multiple_of3A_251 = arith.constant 560 : i32
    %multiple_of3A_252 = tpu.assume_multiple %multiple_of3A_251, 8 : i32
    %dma_start3A_253 = arith.constant 7 : i32
    %dma_start3A_254 = arith.constant 7 : i32
    %dma_start3A_255 = arith.constant 0 : i32
    %dma_start3A_256 = arith.constant 0 : i32
    %dma_start3A_257 = tpu.memref_slice %arg7[%dma_start3A_253, %dma_start3A_255, %dma_start3A_256] : memref<10x80x32xf32, #tpu.memory_space<vmem>> -> memref<1x80x32xf32, #tpu.memory_space<vmem>>
    %dma_start3A_258 = tpu.memref_squeeze %dma_start3A_257 : memref<1x80x32xf32, #tpu.memory_space<vmem>> -> memref<80x32xf32, #tpu.memory_space<vmem>>
    %dma_start3A_259 = tpu.memref_slice %arg5[%multiple_of3A_252] : memref<10000xi32, #tpu.memory_space<vmem>> -> memref<80xi32, #tpu.memory_space<vmem>>
    %dma_start3A_260 = arith.constant 0 : i32
    %dma_start3A_261 = arith.constant 0 : i32
    %dma_start3A_262 = tpu.memref_slice %arg10[%dma_start3A_260, %dma_start3A_261] : memref<10240x32xf32, #tpu.memory_space<vmem_shared>> -> memref<10240x32xf32, #tpu.memory_space<vmem_shared>>
    %dma_start3A_263 = tpu.memref_slice %arg11[%dma_start3A_254] : memref<10x!tpu.dma_semaphore, #tpu.memory_space<semaphore_mem>> -> memref<1x!tpu.dma_semaphore, #tpu.memory_space<semaphore_mem>>
    %dma_start3A_264 = tpu.memref_squeeze %dma_start3A_263 : memref<1x!tpu.dma_semaphore, #tpu.memory_space<semaphore_mem>> -> memref<!tpu.dma_semaphore, #tpu.memory_space<semaphore_mem>>
    tpu.enqueue_indirect_dma source(%dma_start3A_262 : memref<10240x32xf32, #tpu.memory_space<vmem_shared>>) target(%dma_start3A_258 : memref<80x32xf32, #tpu.memory_space<vmem>>) offsets(%dma_start3A_259 : memref<80xi32, #tpu.memory_space<vmem>>) semaphore(%dma_start3A_264 : memref<!tpu.dma_semaphore, #tpu.memory_space<semaphore_mem>>)
    %multiple_of3A_265 = arith.constant 0 : i32
    %multiple_of3A_266 = tpu.assume_multiple %multiple_of3A_265, 8 : i32
    %dma_wait3A_267 = arith.constant 3 : i32
    %dma_wait3A_268 = arith.constant 3 : i32
    %dma_wait3A_269 = arith.constant 0 : i32
    %dma_wait3A_270 = arith.constant 0 : i32
    %dma_wait3A_271 = tpu.memref_slice %arg7[%dma_wait3A_267, %dma_wait3A_269, %dma_wait3A_270] : memref<10x80x32xf32, #tpu.memory_space<vmem>> -> memref<1x80x32xf32, #tpu.memory_space<vmem>>
    %dma_wait3A_272 = tpu.memref_squeeze %dma_wait3A_271 : memref<1x80x32xf32, #tpu.memory_space<vmem>> -> memref<80x32xf32, #tpu.memory_space<vmem>>
    %dma_wait3A_273 = tpu.memref_slice %arg5[%multiple_of3A_266] : memref<10000xi32, #tpu.memory_space<vmem>> -> memref<80xi32, #tpu.memory_space<vmem>>
    %dma_wait3A_274 = arith.constant 0 : i32
    %dma_wait3A_275 = arith.constant 0 : i32
    %dma_wait3A_276 = tpu.memref_slice %arg10[%dma_wait3A_274, %dma_wait3A_275] : memref<10240x32xf32, #tpu.memory_space<vmem_shared>> -> memref<10240x32xf32, #tpu.memory_space<vmem_shared>>
    %dma_wait3A_277 = tpu.memref_slice %arg11[%dma_wait3A_268] : memref<10x!tpu.dma_semaphore, #tpu.memory_space<semaphore_mem>> -> memref<1x!tpu.dma_semaphore, #tpu.memory_space<semaphore_mem>>
    %dma_wait3A_278 = tpu.memref_squeeze %dma_wait3A_277 : memref<1x!tpu.dma_semaphore, #tpu.memory_space<semaphore_mem>> -> memref<!tpu.dma_semaphore, #tpu.memory_space<semaphore_mem>>
    tpu.wait_indirect_dma semaphore(%dma_wait3A_278 : memref<!tpu.dma_semaphore, #tpu.memory_space<semaphore_mem>>) src(%dma_wait3A_276 : memref<10240x32xf32, #tpu.memory_space<vmem_shared>>) dst(%dma_wait3A_272 : memref<80x32xf32, #tpu.memory_space<vmem>>)
    %multiple_of3A_279 = arith.constant 240 : i32
    %multiple_of3A_280 = tpu.assume_multiple %multiple_of3A_279, 8 : i32
    %dma_start3A_281 = arith.constant 3 : i32
    %dma_start3A_282 = arith.constant 3 : i32
    %dma_start3A_283 = arith.constant 0 : i32
    %dma_start3A_284 = arith.constant 0 : i32
    %dma_start3A_285 = tpu.memref_slice %arg7[%dma_start3A_281, %dma_start3A_283, %dma_start3A_284] : memref<10x80x32xf32, #tpu.memory_space<vmem>> -> memref<1x80x32xf32, #tpu.memory_space<vmem>>
    %dma_start3A_286 = tpu.memref_squeeze %dma_start3A_285 : memref<1x80x32xf32, #tpu.memory_space<vmem>> -> memref<80x32xf32, #tpu.memory_space<vmem>>
    %dma_start3A_287 = tpu.memref_slice %arg6[%multiple_of3A_280] : memref<10000xi32, #tpu.memory_space<vmem>> -> memref<80xi32, #tpu.memory_space<vmem>>
    %dma_start3A_288 = arith.constant 0 : i32
    %dma_start3A_289 = arith.constant 0 : i32
    %dma_start3A_290 = tpu.memref_slice %arg9[%dma_start3A_288, %dma_start3A_289] : memref<10240x32xf32, #tpu.memory_space<vmem_shared>> -> memref<10240x32xf32, #tpu.memory_space<vmem_shared>>
    %dma_start3A_291 = tpu.memref_slice %arg12[%dma_start3A_282] : memref<10x!tpu.dma_semaphore, #tpu.memory_space<semaphore_mem>> -> memref<1x!tpu.dma_semaphore, #tpu.memory_space<semaphore_mem>>
    %dma_start3A_292 = tpu.memref_squeeze %dma_start3A_291 : memref<1x!tpu.dma_semaphore, #tpu.memory_space<semaphore_mem>> -> memref<!tpu.dma_semaphore, #tpu.memory_space<semaphore_mem>>
    tpu.enqueue_indirect_dma source(%dma_start3A_286 : memref<80x32xf32, #tpu.memory_space<vmem>>) target(%dma_start3A_290 : memref<10240x32xf32, #tpu.memory_space<vmem_shared>>) offsets(%dma_start3A_287 : memref<80xi32, #tpu.memory_space<vmem>>) semaphore(%dma_start3A_292 : memref<!tpu.dma_semaphore, #tpu.memory_space<semaphore_mem>>) {add = true}
    %multiple_of3A_293 = arith.constant 640 : i32
    %multiple_of3A_294 = tpu.assume_multiple %multiple_of3A_293, 8 : i32
    %dma_start3A_295 = arith.constant 8 : i32
    %dma_start3A_296 = arith.constant 8 : i32
    %dma_start3A_297 = arith.constant 0 : i32
    %dma_start3A_298 = arith.constant 0 : i32
    %dma_start3A_299 = tpu.memref_slice %arg7[%dma_start3A_295, %dma_start3A_297, %dma_start3A_298] : memref<10x80x32xf32, #tpu.memory_space<vmem>> -> memref<1x80x32xf32, #tpu.memory_space<vmem>>
    %dma_start3A_300 = tpu.memref_squeeze %dma_start3A_299 : memref<1x80x32xf32, #tpu.memory_space<vmem>> -> memref<80x32xf32, #tpu.memory_space<vmem>>
    %dma_start3A_301 = tpu.memref_slice %arg5[%multiple_of3A_294] : memref<10000xi32, #tpu.memory_space<vmem>> -> memref<80xi32, #tpu.memory_space<vmem>>
    %dma_start3A_302 = arith.constant 0 : i32
    %dma_start3A_303 = arith.constant 0 : i32
    %dma_start3A_304 = tpu.memref_slice %arg10[%dma_start3A_302, %dma_start3A_303] : memref<10240x32xf32, #tpu.memory_space<vmem_shared>> -> memref<10240x32xf32, #tpu.memory_space<vmem_shared>>
    %dma_start3A_305 = tpu.memref_slice %arg11[%dma_start3A_296] : memref<10x!tpu.dma_semaphore, #tpu.memory_space<semaphore_mem>> -> memref<1x!tpu.dma_semaphore, #tpu.memory_space<semaphore_mem>>
    %dma_start3A_306 = tpu.memref_squeeze %dma_start3A_305 : memref<1x!tpu.dma_semaphore, #tpu.memory_space<semaphore_mem>> -> memref<!tpu.dma_semaphore, #tpu.memory_space<semaphore_mem>>
    tpu.enqueue_indirect_dma source(%dma_start3A_304 : memref<10240x32xf32, #tpu.memory_space<vmem_shared>>) target(%dma_start3A_300 : memref<80x32xf32, #tpu.memory_space<vmem>>) offsets(%dma_start3A_301 : memref<80xi32, #tpu.memory_space<vmem>>) semaphore(%dma_start3A_306 : memref<!tpu.dma_semaphore, #tpu.memory_space<semaphore_mem>>)
    %multiple_of3A_307 = arith.constant 0 : i32
    %multiple_of3A_308 = tpu.assume_multiple %multiple_of3A_307, 8 : i32
    %dma_wait3A_309 = arith.constant 4 : i32
    %dma_wait3A_310 = arith.constant 4 : i32
    %dma_wait3A_311 = arith.constant 0 : i32
    %dma_wait3A_312 = arith.constant 0 : i32
    %dma_wait3A_313 = tpu.memref_slice %arg7[%dma_wait3A_309, %dma_wait3A_311, %dma_wait3A_312] : memref<10x80x32xf32, #tpu.memory_space<vmem>> -> memref<1x80x32xf32, #tpu.memory_space<vmem>>
    %dma_wait3A_314 = tpu.memref_squeeze %dma_wait3A_313 : memref<1x80x32xf32, #tpu.memory_space<vmem>> -> memref<80x32xf32, #tpu.memory_space<vmem>>
    %dma_wait3A_315 = tpu.memref_slice %arg5[%multiple_of3A_308] : memref<10000xi32, #tpu.memory_space<vmem>> -> memref<80xi32, #tpu.memory_space<vmem>>
    %dma_wait3A_316 = arith.constant 0 : i32
    %dma_wait3A_317 = arith.constant 0 : i32
    %dma_wait3A_318 = tpu.memref_slice %arg10[%dma_wait3A_316, %dma_wait3A_317] : memref<10240x32xf32, #tpu.memory_space<vmem_shared>> -> memref<10240x32xf32, #tpu.memory_space<vmem_shared>>
    %dma_wait3A_319 = tpu.memref_slice %arg11[%dma_wait3A_310] : memref<10x!tpu.dma_semaphore, #tpu.memory_space<semaphore_mem>> -> memref<1x!tpu.dma_semaphore, #tpu.memory_space<semaphore_mem>>
    %dma_wait3A_320 = tpu.memref_squeeze %dma_wait3A_319 : memref<1x!tpu.dma_semaphore, #tpu.memory_space<semaphore_mem>> -> memref<!tpu.dma_semaphore, #tpu.memory_space<semaphore_mem>>
    tpu.wait_indirect_dma semaphore(%dma_wait3A_320 : memref<!tpu.dma_semaphore, #tpu.memory_space<semaphore_mem>>) src(%dma_wait3A_318 : memref<10240x32xf32, #tpu.memory_space<vmem_shared>>) dst(%dma_wait3A_314 : memref<80x32xf32, #tpu.memory_space<vmem>>)
    %multiple_of3A_321 = arith.constant 320 : i32
    %multiple_of3A_322 = tpu.assume_multiple %multiple_of3A_321, 8 : i32
    %dma_start3A_323 = arith.constant 4 : i32
    %dma_start3A_324 = arith.constant 4 : i32
    %dma_start3A_325 = arith.constant 0 : i32
    %dma_start3A_326 = arith.constant 0 : i32
    %dma_start3A_327 = tpu.memref_slice %arg7[%dma_start3A_323, %dma_start3A_325, %dma_start3A_326] : memref<10x80x32xf32, #tpu.memory_space<vmem>> -> memref<1x80x32xf32, #tpu.memory_space<vmem>>
    %dma_start3A_328 = tpu.memref_squeeze %dma_start3A_327 : memref<1x80x32xf32, #tpu.memory_space<vmem>> -> memref<80x32xf32, #tpu.memory_space<vmem>>
    %dma_start3A_329 = tpu.memref_slice %arg6[%multiple_of3A_322] : memref<10000xi32, #tpu.memory_space<vmem>> -> memref<80xi32, #tpu.memory_space<vmem>>
    %dma_start3A_330 = arith.constant 0 : i32
    %dma_start3A_331 = arith.constant 0 : i32
    %dma_start3A_332 = tpu.memref_slice %arg9[%dma_start3A_330, %dma_start3A_331] : memref<10240x32xf32, #tpu.memory_space<vmem_shared>> -> memref<10240x32xf32, #tpu.memory_space<vmem_shared>>
    %dma_start3A_333 = tpu.memref_slice %arg12[%dma_start3A_324] : memref<10x!tpu.dma_semaphore, #tpu.memory_space<semaphore_mem>> -> memref<1x!tpu.dma_semaphore, #tpu.memory_space<semaphore_mem>>
    %dma_start3A_334 = tpu.memref_squeeze %dma_start3A_333 : memref<1x!tpu.dma_semaphore, #tpu.memory_space<semaphore_mem>> -> memref<!tpu.dma_semaphore, #tpu.memory_space<semaphore_mem>>
    tpu.enqueue_indirect_dma source(%dma_start3A_328 : memref<80x32xf32, #tpu.memory_space<vmem>>) target(%dma_start3A_332 : memref<10240x32xf32, #tpu.memory_space<vmem_shared>>) offsets(%dma_start3A_329 : memref<80xi32, #tpu.memory_space<vmem>>) semaphore(%dma_start3A_334 : memref<!tpu.dma_semaphore, #tpu.memory_space<semaphore_mem>>) {add = true}
    %multiple_of3A_335 = arith.constant 720 : i32
    %multiple_of3A_336 = tpu.assume_multiple %multiple_of3A_335, 8 : i32
    %dma_start3A_337 = arith.constant 9 : i32
    %dma_start3A_338 = arith.constant 9 : i32
    %dma_start3A_339 = arith.constant 0 : i32
    %dma_start3A_340 = arith.constant 0 : i32
    %dma_start3A_341 = tpu.memref_slice %arg7[%dma_start3A_337, %dma_start3A_339, %dma_start3A_340] : memref<10x80x32xf32, #tpu.memory_space<vmem>> -> memref<1x80x32xf32, #tpu.memory_space<vmem>>
    %dma_start3A_342 = tpu.memref_squeeze %dma_start3A_341 : memref<1x80x32xf32, #tpu.memory_space<vmem>> -> memref<80x32xf32, #tpu.memory_space<vmem>>
    %dma_start3A_343 = tpu.memref_slice %arg5[%multiple_of3A_336] : memref<10000xi32, #tpu.memory_space<vmem>> -> memref<80xi32, #tpu.memory_space<vmem>>
    %dma_start3A_344 = arith.constant 0 : i32
    %dma_start3A_345 = arith.constant 0 : i32
    %dma_start3A_346 = tpu.memref_slice %arg10[%dma_start3A_344, %dma_start3A_345] : memref<10240x32xf32, #tpu.memory_space<vmem_shared>> -> memref<10240x32xf32, #tpu.memory_space<vmem_shared>>
    %dma_start3A_347 = tpu.memref_slice %arg11[%dma_start3A_338] : memref<10x!tpu.dma_semaphore, #tpu.memory_space<semaphore_mem>> -> memref<1x!tpu.dma_semaphore, #tpu.memory_space<semaphore_mem>>
    %dma_start3A_348 = tpu.memref_squeeze %dma_start3A_347 : memref<1x!tpu.dma_semaphore, #tpu.memory_space<semaphore_mem>> -> memref<!tpu.dma_semaphore, #tpu.memory_space<semaphore_mem>>
    tpu.enqueue_indirect_dma source(%dma_start3A_346 : memref<10240x32xf32, #tpu.memory_space<vmem_shared>>) target(%dma_start3A_342 : memref<80x32xf32, #tpu.memory_space<vmem>>) offsets(%dma_start3A_343 : memref<80xi32, #tpu.memory_space<vmem>>) semaphore(%dma_start3A_348 : memref<!tpu.dma_semaphore, #tpu.memory_space<semaphore_mem>>)
    %scan3A_349 = arith.constant 0 : i32
    %scan3A_350 = arith.constant 0 : i32
    %scan3A_351 = arith.constant 11 : i32
    %scan3A_352 = arith.addi %scan3A_350, %scan3A_351 : i32
    %scan3A_353 = arith.constant 1 : i32
    scf.for %scan3A_920 = %scan3A_350 to %scan3A_352 step %scan3A_353  : i32 {
      %mul3A_921 = arith.constant 10 : i32
      %mul3A_922 = arith.muli %scan3A_920, %mul3A_921 : i32
      %add3A_923 = arith.constant 5 : i32
      %add3A_924 = arith.addi %add3A_923, %mul3A_922 : i32
      %add3A_925 = arith.constant 0 : i32
      %add3A_926 = arith.addi %add3A_924, %add3A_925 : i32
      %multiple_of3A_927 = arith.constant 0 : i32
      %multiple_of3A_928 = tpu.assume_multiple %multiple_of3A_927, 8 : i32
      %dma_wait3A_929 = arith.constant 5 : i32
      %dma_wait3A_930 = arith.constant 5 : i32
      %dma_wait3A_931 = arith.constant 0 : i32
      %dma_wait3A_932 = arith.constant 0 : i32
      %dma_wait3A_933 = tpu.memref_slice %arg7[%dma_wait3A_929, %dma_wait3A_931, %dma_wait3A_932] : memref<10x80x32xf32, #tpu.memory_space<vmem>> -> memref<1x80x32xf32, #tpu.memory_space<vmem>>
      %dma_wait3A_934 = tpu.memref_squeeze %dma_wait3A_933 : memref<1x80x32xf32, #tpu.memory_space<vmem>> -> memref<80x32xf32, #tpu.memory_space<vmem>>
      %dma_wait3A_935 = tpu.memref_slice %arg5[%multiple_of3A_928] : memref<10000xi32, #tpu.memory_space<vmem>> -> memref<80xi32, #tpu.memory_space<vmem>>
      %dma_wait3A_936 = arith.constant 0 : i32
      %dma_wait3A_937 = arith.constant 0 : i32
      %dma_wait3A_938 = tpu.memref_slice %arg10[%dma_wait3A_936, %dma_wait3A_937] : memref<10240x32xf32, #tpu.memory_space<vmem_shared>> -> memref<10240x32xf32, #tpu.memory_space<vmem_shared>>
      %dma_wait3A_939 = tpu.memref_slice %arg11[%dma_wait3A_930] : memref<10x!tpu.dma_semaphore, #tpu.memory_space<semaphore_mem>> -> memref<1x!tpu.dma_semaphore, #tpu.memory_space<semaphore_mem>>
      %dma_wait3A_940 = tpu.memref_squeeze %dma_wait3A_939 : memref<1x!tpu.dma_semaphore, #tpu.memory_space<semaphore_mem>> -> memref<!tpu.dma_semaphore, #tpu.memory_space<semaphore_mem>>
      tpu.wait_indirect_dma semaphore(%dma_wait3A_940 : memref<!tpu.dma_semaphore, #tpu.memory_space<semaphore_mem>>) src(%dma_wait3A_938 : memref<10240x32xf32, #tpu.memory_space<vmem_shared>>) dst(%dma_wait3A_934 : memref<80x32xf32, #tpu.memory_space<vmem>>)
      %mul3A_941 = arith.constant 80 : i32
      %mul3A_942 = arith.muli %add3A_926, %mul3A_941 : i32
      %multiple_of3A_943 = tpu.assume_multiple %mul3A_942, 8 : i32
      %dma_start3A_944 = arith.constant 5 : i32
      %dma_start3A_945 = arith.constant 5 : i32
      %dma_start3A_946 = arith.constant 0 : i32
      %dma_start3A_947 = arith.constant 0 : i32
      %dma_start3A_948 = tpu.memref_slice %arg7[%dma_start3A_944, %dma_start3A_946, %dma_start3A_947] : memref<10x80x32xf32, #tpu.memory_space<vmem>> -> memref<1x80x32xf32, #tpu.memory_space<vmem>>
      %dma_start3A_949 = tpu.memref_squeeze %dma_start3A_948 : memref<1x80x32xf32, #tpu.memory_space<vmem>> -> memref<80x32xf32, #tpu.memory_space<vmem>>
      %dma_start3A_950 = tpu.memref_slice %arg6[%multiple_of3A_943] : memref<10000xi32, #tpu.memory_space<vmem>> -> memref<80xi32, #tpu.memory_space<vmem>>
      %dma_start3A_951 = arith.constant 0 : i32
      %dma_start3A_952 = arith.constant 0 : i32
      %dma_start3A_953 = tpu.memref_slice %arg9[%dma_start3A_951, %dma_start3A_952] : memref<10240x32xf32, #tpu.memory_space<vmem_shared>> -> memref<10240x32xf32, #tpu.memory_space<vmem_shared>>
      %dma_start3A_954 = tpu.memref_slice %arg12[%dma_start3A_945] : memref<10x!tpu.dma_semaphore, #tpu.memory_space<semaphore_mem>> -> memref<1x!tpu.dma_semaphore, #tpu.memory_space<semaphore_mem>>
      %dma_start3A_955 = tpu.memref_squeeze %dma_start3A_954 : memref<1x!tpu.dma_semaphore, #tpu.memory_space<semaphore_mem>> -> memref<!tpu.dma_semaphore, #tpu.memory_space<semaphore_mem>>
      tpu.enqueue_indirect_dma source(%dma_start3A_949 : memref<80x32xf32, #tpu.memory_space<vmem>>) target(%dma_start3A_953 : memref<10240x32xf32, #tpu.memory_space<vmem_shared>>) offsets(%dma_start3A_950 : memref<80xi32, #tpu.memory_space<vmem>>) semaphore(%dma_start3A_955 : memref<!tpu.dma_semaphore, #tpu.memory_space<semaphore_mem>>) {add = true}
      %multiple_of3A_956 = arith.constant 0 : i32
      %multiple_of3A_957 = tpu.assume_multiple %multiple_of3A_956, 8 : i32
      %dma_wait3A_958 = arith.constant 0 : i32
      %dma_wait3A_959 = arith.constant 0 : i32
      %dma_wait3A_960 = arith.constant 0 : i32
      %dma_wait3A_961 = arith.constant 0 : i32
      %dma_wait3A_962 = tpu.memref_slice %arg7[%dma_wait3A_958, %dma_wait3A_960, %dma_wait3A_961] : memref<10x80x32xf32, #tpu.memory_space<vmem>> -> memref<1x80x32xf32, #tpu.memory_space<vmem>>
      %dma_wait3A_963 = tpu.memref_squeeze %dma_wait3A_962 : memref<1x80x32xf32, #tpu.memory_space<vmem>> -> memref<80x32xf32, #tpu.memory_space<vmem>>
      %dma_wait3A_964 = tpu.memref_slice %arg6[%multiple_of3A_957] : memref<10000xi32, #tpu.memory_space<vmem>> -> memref<80xi32, #tpu.memory_space<vmem>>
      %dma_wait3A_965 = arith.constant 0 : i32
      %dma_wait3A_966 = arith.constant 0 : i32
      %dma_wait3A_967 = tpu.memref_slice %arg9[%dma_wait3A_965, %dma_wait3A_966] : memref<10240x32xf32, #tpu.memory_space<vmem_shared>> -> memref<10240x32xf32, #tpu.memory_space<vmem_shared>>
      %dma_wait3A_968 = tpu.memref_slice %arg12[%dma_wait3A_959] : memref<10x!tpu.dma_semaphore, #tpu.memory_space<semaphore_mem>> -> memref<1x!tpu.dma_semaphore, #tpu.memory_space<semaphore_mem>>
      %dma_wait3A_969 = tpu.memref_squeeze %dma_wait3A_968 : memref<1x!tpu.dma_semaphore, #tpu.memory_space<semaphore_mem>> -> memref<!tpu.dma_semaphore, #tpu.memory_space<semaphore_mem>>
      tpu.wait_indirect_dma semaphore(%dma_wait3A_969 : memref<!tpu.dma_semaphore, #tpu.memory_space<semaphore_mem>>) src(%dma_wait3A_963 : memref<80x32xf32, #tpu.memory_space<vmem>>) dst(%dma_wait3A_967 : memref<10240x32xf32, #tpu.memory_space<vmem_shared>>)
      %add3A_970 = arith.constant 5 : i32
      %add3A_971 = arith.addi %add3A_926, %add3A_970 : i32
      %mul3A_972 = arith.constant 80 : i32
      %mul3A_973 = arith.muli %add3A_971, %mul3A_972 : i32
      %multiple_of3A_974 = tpu.assume_multiple %mul3A_973, 8 : i32
      %dma_start3A_975 = arith.constant 0 : i32
      %dma_start3A_976 = arith.constant 0 : i32
      %dma_start3A_977 = arith.constant 0 : i32
      %dma_start3A_978 = arith.constant 0 : i32
      %dma_start3A_979 = tpu.memref_slice %arg7[%dma_start3A_975, %dma_start3A_977, %dma_start3A_978] : memref<10x80x32xf32, #tpu.memory_space<vmem>> -> memref<1x80x32xf32, #tpu.memory_space<vmem>>
      %dma_start3A_980 = tpu.memref_squeeze %dma_start3A_979 : memref<1x80x32xf32, #tpu.memory_space<vmem>> -> memref<80x32xf32, #tpu.memory_space<vmem>>
      %dma_start3A_981 = tpu.memref_slice %arg5[%multiple_of3A_974] : memref<10000xi32, #tpu.memory_space<vmem>> -> memref<80xi32, #tpu.memory_space<vmem>>
      %dma_start3A_982 = arith.constant 0 : i32
      %dma_start3A_983 = arith.constant 0 : i32
      %dma_start3A_984 = tpu.memref_slice %arg10[%dma_start3A_982, %dma_start3A_983] : memref<10240x32xf32, #tpu.memory_space<vmem_shared>> -> memref<10240x32xf32, #tpu.memory_space<vmem_shared>>
      %dma_start3A_985 = tpu.memref_slice %arg11[%dma_start3A_976] : memref<10x!tpu.dma_semaphore, #tpu.memory_space<semaphore_mem>> -> memref<1x!tpu.dma_semaphore, #tpu.memory_space<semaphore_mem>>
      %dma_start3A_986 = tpu.memref_squeeze %dma_start3A_985 : memref<1x!tpu.dma_semaphore, #tpu.memory_space<semaphore_mem>> -> memref<!tpu.dma_semaphore, #tpu.memory_space<semaphore_mem>>
      tpu.enqueue_indirect_dma source(%dma_start3A_984 : memref<10240x32xf32, #tpu.memory_space<vmem_shared>>) target(%dma_start3A_980 : memref<80x32xf32, #tpu.memory_space<vmem>>) offsets(%dma_start3A_981 : memref<80xi32, #tpu.memory_space<vmem>>) semaphore(%dma_start3A_986 : memref<!tpu.dma_semaphore, #tpu.memory_space<semaphore_mem>>)
      %mul3A_987 = arith.constant 10 : i32
      %mul3A_988 = arith.muli %scan3A_920, %mul3A_987 : i32
      %add3A_989 = arith.constant 5 : i32
      %add3A_990 = arith.addi %add3A_989, %mul3A_988 : i32
      %add3A_991 = arith.constant 1 : i32
      %add3A_992 = arith.addi %add3A_990, %add3A_991 : i32
      %multiple_of3A_993 = arith.constant 0 : i32
      %multiple_of3A_994 = tpu.assume_multiple %multiple_of3A_993, 8 : i32
      %dma_wait3A_995 = arith.constant 6 : i32
      %dma_wait3A_996 = arith.constant 6 : i32
      %dma_wait3A_997 = arith.constant 0 : i32
      %dma_wait3A_998 = arith.constant 0 : i32
      %dma_wait3A_999 = tpu.memref_slice %arg7[%dma_wait3A_995, %dma_wait3A_997, %dma_wait3A_998] : memref<10x80x32xf32, #tpu.memory_space<vmem>> -> memref<1x80x32xf32, #tpu.memory_space<vmem>>
      %dma_wait3A_1000 = tpu.memref_squeeze %dma_wait3A_999 : memref<1x80x32xf32, #tpu.memory_space<vmem>> -> memref<80x32xf32, #tpu.memory_space<vmem>>
      %dma_wait3A_1001 = tpu.memref_slice %arg5[%multiple_of3A_994] : memref<10000xi32, #tpu.memory_space<vmem>> -> memref<80xi32, #tpu.memory_space<vmem>>
      %dma_wait3A_1002 = arith.constant 0 : i32
      %dma_wait3A_1003 = arith.constant 0 : i32
      %dma_wait3A_1004 = tpu.memref_slice %arg10[%dma_wait3A_1002, %dma_wait3A_1003] : memref<10240x32xf32, #tpu.memory_space<vmem_shared>> -> memref<10240x32xf32, #tpu.memory_space<vmem_shared>>
      %dma_wait3A_1005 = tpu.memref_slice %arg11[%dma_wait3A_996] : memref<10x!tpu.dma_semaphore, #tpu.memory_space<semaphore_mem>> -> memref<1x!tpu.dma_semaphore, #tpu.memory_space<semaphore_mem>>
      %dma_wait3A_1006 = tpu.memref_squeeze %dma_wait3A_1005 : memref<1x!tpu.dma_semaphore, #tpu.memory_space<semaphore_mem>> -> memref<!tpu.dma_semaphore, #tpu.memory_space<semaphore_mem>>
      tpu.wait_indirect_dma semaphore(%dma_wait3A_1006 : memref<!tpu.dma_semaphore, #tpu.memory_space<semaphore_mem>>) src(%dma_wait3A_1004 : memref<10240x32xf32, #tpu.memory_space<vmem_shared>>) dst(%dma_wait3A_1000 : memref<80x32xf32, #tpu.memory_space<vmem>>)
      %mul3A_1007 = arith.constant 80 : i32
      %mul3A_1008 = arith.muli %add3A_992, %mul3A_1007 : i32
      %multiple_of3A_1009 = tpu.assume_multiple %mul3A_1008, 8 : i32
      %dma_start3A_1010 = arith.constant 6 : i32
      %dma_start3A_1011 = arith.constant 6 : i32
      %dma_start3A_1012 = arith.constant 0 : i32
      %dma_start3A_1013 = arith.constant 0 : i32
      %dma_start3A_1014 = tpu.memref_slice %arg7[%dma_start3A_1010, %dma_start3A_1012, %dma_start3A_1013] : memref<10x80x32xf32, #tpu.memory_space<vmem>> -> memref<1x80x32xf32, #tpu.memory_space<vmem>>
      %dma_start3A_1015 = tpu.memref_squeeze %dma_start3A_1014 : memref<1x80x32xf32, #tpu.memory_space<vmem>> -> memref<80x32xf32, #tpu.memory_space<vmem>>
      %dma_start3A_1016 = tpu.memref_slice %arg6[%multiple_of3A_1009] : memref<10000xi32, #tpu.memory_space<vmem>> -> memref<80xi32, #tpu.memory_space<vmem>>
      %dma_start3A_1017 = arith.constant 0 : i32
      %dma_start3A_1018 = arith.constant 0 : i32
      %dma_start3A_1019 = tpu.memref_slice %arg9[%dma_start3A_1017, %dma_start3A_1018] : memref<10240x32xf32, #tpu.memory_space<vmem_shared>> -> memref<10240x32xf32, #tpu.memory_space<vmem_shared>>
      %dma_start3A_1020 = tpu.memref_slice %arg12[%dma_start3A_1011] : memref<10x!tpu.dma_semaphore, #tpu.memory_space<semaphore_mem>> -> memref<1x!tpu.dma_semaphore, #tpu.memory_space<semaphore_mem>>
      %dma_start3A_1021 = tpu.memref_squeeze %dma_start3A_1020 : memref<1x!tpu.dma_semaphore, #tpu.memory_space<semaphore_mem>> -> memref<!tpu.dma_semaphore, #tpu.memory_space<semaphore_mem>>
      tpu.enqueue_indirect_dma source(%dma_start3A_1015 : memref<80x32xf32, #tpu.memory_space<vmem>>) target(%dma_start3A_1019 : memref<10240x32xf32, #tpu.memory_space<vmem_shared>>) offsets(%dma_start3A_1016 : memref<80xi32, #tpu.memory_space<vmem>>) semaphore(%dma_start3A_1021 : memref<!tpu.dma_semaphore, #tpu.memory_space<semaphore_mem>>) {add = true}
      %multiple_of3A_1022 = arith.constant 0 : i32
      %multiple_of3A_1023 = tpu.assume_multiple %multiple_of3A_1022, 8 : i32
      %dma_wait3A_1024 = arith.constant 1 : i32
      %dma_wait3A_1025 = arith.constant 1 : i32
      %dma_wait3A_1026 = arith.constant 0 : i32
      %dma_wait3A_1027 = arith.constant 0 : i32
      %dma_wait3A_1028 = tpu.memref_slice %arg7[%dma_wait3A_1024, %dma_wait3A_1026, %dma_wait3A_1027] : memref<10x80x32xf32, #tpu.memory_space<vmem>> -> memref<1x80x32xf32, #tpu.memory_space<vmem>>
      %dma_wait3A_1029 = tpu.memref_squeeze %dma_wait3A_1028 : memref<1x80x32xf32, #tpu.memory_space<vmem>> -> memref<80x32xf32, #tpu.memory_space<vmem>>
      %dma_wait3A_1030 = tpu.memref_slice %arg6[%multiple_of3A_1023] : memref<10000xi32, #tpu.memory_space<vmem>> -> memref<80xi32, #tpu.memory_space<vmem>>
      %dma_wait3A_1031 = arith.constant 0 : i32
      %dma_wait3A_1032 = arith.constant 0 : i32
      %dma_wait3A_1033 = tpu.memref_slice %arg9[%dma_wait3A_1031, %dma_wait3A_1032] : memref<10240x32xf32, #tpu.memory_space<vmem_shared>> -> memref<10240x32xf32, #tpu.memory_space<vmem_shared>>
      %dma_wait3A_1034 = tpu.memref_slice %arg12[%dma_wait3A_1025] : memref<10x!tpu.dma_semaphore, #tpu.memory_space<semaphore_mem>> -> memref<1x!tpu.dma_semaphore, #tpu.memory_space<semaphore_mem>>
      %dma_wait3A_1035 = tpu.memref_squeeze %dma_wait3A_1034 : memref<1x!tpu.dma_semaphore, #tpu.memory_space<semaphore_mem>> -> memref<!tpu.dma_semaphore, #tpu.memory_space<semaphore_mem>>
      tpu.wait_indirect_dma semaphore(%dma_wait3A_1035 : memref<!tpu.dma_semaphore, #tpu.memory_space<semaphore_mem>>) src(%dma_wait3A_1029 : memref<80x32xf32, #tpu.memory_space<vmem>>) dst(%dma_wait3A_1033 : memref<10240x32xf32, #tpu.memory_space<vmem_shared>>)
      %add3A_1036 = arith.constant 5 : i32
      %add3A_1037 = arith.addi %add3A_992, %add3A_1036 : i32
      %mul3A_1038 = arith.constant 80 : i32
      %mul3A_1039 = arith.muli %add3A_1037, %mul3A_1038 : i32
      %multiple_of3A_1040 = tpu.assume_multiple %mul3A_1039, 8 : i32
      %dma_start3A_1041 = arith.constant 1 : i32
      %dma_start3A_1042 = arith.constant 1 : i32
      %dma_start3A_1043 = arith.constant 0 : i32
      %dma_start3A_1044 = arith.constant 0 : i32
      %dma_start3A_1045 = tpu.memref_slice %arg7[%dma_start3A_1041, %dma_start3A_1043, %dma_start3A_1044] : memref<10x80x32xf32, #tpu.memory_space<vmem>> -> memref<1x80x32xf32, #tpu.memory_space<vmem>>
      %dma_start3A_1046 = tpu.memref_squeeze %dma_start3A_1045 : memref<1x80x32xf32, #tpu.memory_space<vmem>> -> memref<80x32xf32, #tpu.memory_space<vmem>>
      %dma_start3A_1047 = tpu.memref_slice %arg5[%multiple_of3A_1040] : memref<10000xi32, #tpu.memory_space<vmem>> -> memref<80xi32, #tpu.memory_space<vmem>>
      %dma_start3A_1048 = arith.constant 0 : i32
      %dma_start3A_1049 = arith.constant 0 : i32
      %dma_start3A_1050 = tpu.memref_slice %arg10[%dma_start3A_1048, %dma_start3A_1049] : memref<10240x32xf32, #tpu.memory_space<vmem_shared>> -> memref<10240x32xf32, #tpu.memory_space<vmem_shared>>
      %dma_start3A_1051 = tpu.memref_slice %arg11[%dma_start3A_1042] : memref<10x!tpu.dma_semaphore, #tpu.memory_space<semaphore_mem>> -> memref<1x!tpu.dma_semaphore, #tpu.memory_space<semaphore_mem>>
      %dma_start3A_1052 = tpu.memref_squeeze %dma_start3A_1051 : memref<1x!tpu.dma_semaphore, #tpu.memory_space<semaphore_mem>> -> memref<!tpu.dma_semaphore, #tpu.memory_space<semaphore_mem>>
      tpu.enqueue_indirect_dma source(%dma_start3A_1050 : memref<10240x32xf32, #tpu.memory_space<vmem_shared>>) target(%dma_start3A_1046 : memref<80x32xf32, #tpu.memory_space<vmem>>) offsets(%dma_start3A_1047 : memref<80xi32, #tpu.memory_space<vmem>>) semaphore(%dma_start3A_1052 : memref<!tpu.dma_semaphore, #tpu.memory_space<semaphore_mem>>)
      %mul3A_1053 = arith.constant 10 : i32
      %mul3A_1054 = arith.muli %scan3A_920, %mul3A_1053 : i32
      %add3A_1055 = arith.constant 5 : i32
      %add3A_1056 = arith.addi %add3A_1055, %mul3A_1054 : i32
      %add3A_1057 = arith.constant 2 : i32
      %add3A_1058 = arith.addi %add3A_1056, %add3A_1057 : i32
      %multiple_of3A_1059 = arith.constant 0 : i32
      %multiple_of3A_1060 = tpu.assume_multiple %multiple_of3A_1059, 8 : i32
      %dma_wait3A_1061 = arith.constant 7 : i32
      %dma_wait3A_1062 = arith.constant 7 : i32
      %dma_wait3A_1063 = arith.constant 0 : i32
      %dma_wait3A_1064 = arith.constant 0 : i32
      %dma_wait3A_1065 = tpu.memref_slice %arg7[%dma_wait3A_1061, %dma_wait3A_1063, %dma_wait3A_1064] : memref<10x80x32xf32, #tpu.memory_space<vmem>> -> memref<1x80x32xf32, #tpu.memory_space<vmem>>
      %dma_wait3A_1066 = tpu.memref_squeeze %dma_wait3A_1065 : memref<1x80x32xf32, #tpu.memory_space<vmem>> -> memref<80x32xf32, #tpu.memory_space<vmem>>
      %dma_wait3A_1067 = tpu.memref_slice %arg5[%multiple_of3A_1060] : memref<10000xi32, #tpu.memory_space<vmem>> -> memref<80xi32, #tpu.memory_space<vmem>>
      %dma_wait3A_1068 = arith.constant 0 : i32
      %dma_wait3A_1069 = arith.constant 0 : i32
      %dma_wait3A_1070 = tpu.memref_slice %arg10[%dma_wait3A_1068, %dma_wait3A_1069] : memref<10240x32xf32, #tpu.memory_space<vmem_shared>> -> memref<10240x32xf32, #tpu.memory_space<vmem_shared>>
      %dma_wait3A_1071 = tpu.memref_slice %arg11[%dma_wait3A_1062] : memref<10x!tpu.dma_semaphore, #tpu.memory_space<semaphore_mem>> -> memref<1x!tpu.dma_semaphore, #tpu.memory_space<semaphore_mem>>
      %dma_wait3A_1072 = tpu.memref_squeeze %dma_wait3A_1071 : memref<1x!tpu.dma_semaphore, #tpu.memory_space<semaphore_mem>> -> memref<!tpu.dma_semaphore, #tpu.memory_space<semaphore_mem>>
      tpu.wait_indirect_dma semaphore(%dma_wait3A_1072 : memref<!tpu.dma_semaphore, #tpu.memory_space<semaphore_mem>>) src(%dma_wait3A_1070 : memref<10240x32xf32, #tpu.memory_space<vmem_shared>>) dst(%dma_wait3A_1066 : memref<80x32xf32, #tpu.memory_space<vmem>>)
      %mul3A_1073 = arith.constant 80 : i32
      %mul3A_1074 = arith.muli %add3A_1058, %mul3A_1073 : i32
      %multiple_of3A_1075 = tpu.assume_multiple %mul3A_1074, 8 : i32
      %dma_start3A_1076 = arith.constant 7 : i32
      %dma_start3A_1077 = arith.constant 7 : i32
      %dma_start3A_1078 = arith.constant 0 : i32
      %dma_start3A_1079 = arith.constant 0 : i32
      %dma_start3A_1080 = tpu.memref_slice %arg7[%dma_start3A_1076, %dma_start3A_1078, %dma_start3A_1079] : memref<10x80x32xf32, #tpu.memory_space<vmem>> -> memref<1x80x32xf32, #tpu.memory_space<vmem>>
      %dma_start3A_1081 = tpu.memref_squeeze %dma_start3A_1080 : memref<1x80x32xf32, #tpu.memory_space<vmem>> -> memref<80x32xf32, #tpu.memory_space<vmem>>
      %dma_start3A_1082 = tpu.memref_slice %arg6[%multiple_of3A_1075] : memref<10000xi32, #tpu.memory_space<vmem>> -> memref<80xi32, #tpu.memory_space<vmem>>
      %dma_start3A_1083 = arith.constant 0 : i32
      %dma_start3A_1084 = arith.constant 0 : i32
      %dma_start3A_1085 = tpu.memref_slice %arg9[%dma_start3A_1083, %dma_start3A_1084] : memref<10240x32xf32, #tpu.memory_space<vmem_shared>> -> memref<10240x32xf32, #tpu.memory_space<vmem_shared>>
      %dma_start3A_1086 = tpu.memref_slice %arg12[%dma_start3A_1077] : memref<10x!tpu.dma_semaphore, #tpu.memory_space<semaphore_mem>> -> memref<1x!tpu.dma_semaphore, #tpu.memory_space<semaphore_mem>>
      %dma_start3A_1087 = tpu.memref_squeeze %dma_start3A_1086 : memref<1x!tpu.dma_semaphore, #tpu.memory_space<semaphore_mem>> -> memref<!tpu.dma_semaphore, #tpu.memory_space<semaphore_mem>>
      tpu.enqueue_indirect_dma source(%dma_start3A_1081 : memref<80x32xf32, #tpu.memory_space<vmem>>) target(%dma_start3A_1085 : memref<10240x32xf32, #tpu.memory_space<vmem_shared>>) offsets(%dma_start3A_1082 : memref<80xi32, #tpu.memory_space<vmem>>) semaphore(%dma_start3A_1087 : memref<!tpu.dma_semaphore, #tpu.memory_space<semaphore_mem>>) {add = true}
      %multiple_of3A_1088 = arith.constant 0 : i32
      %multiple_of3A_1089 = tpu.assume_multiple %multiple_of3A_1088, 8 : i32
      %dma_wait3A_1090 = arith.constant 2 : i32
      %dma_wait3A_1091 = arith.constant 2 : i32
      %dma_wait3A_1092 = arith.constant 0 : i32
      %dma_wait3A_1093 = arith.constant 0 : i32
      %dma_wait3A_1094 = tpu.memref_slice %arg7[%dma_wait3A_1090, %dma_wait3A_1092, %dma_wait3A_1093] : memref<10x80x32xf32, #tpu.memory_space<vmem>> -> memref<1x80x32xf32, #tpu.memory_space<vmem>>
      %dma_wait3A_1095 = tpu.memref_squeeze %dma_wait3A_1094 : memref<1x80x32xf32, #tpu.memory_space<vmem>> -> memref<80x32xf32, #tpu.memory_space<vmem>>
      %dma_wait3A_1096 = tpu.memref_slice %arg6[%multiple_of3A_1089] : memref<10000xi32, #tpu.memory_space<vmem>> -> memref<80xi32, #tpu.memory_space<vmem>>
      %dma_wait3A_1097 = arith.constant 0 : i32
      %dma_wait3A_1098 = arith.constant 0 : i32
      %dma_wait3A_1099 = tpu.memref_slice %arg9[%dma_wait3A_1097, %dma_wait3A_1098] : memref<10240x32xf32, #tpu.memory_space<vmem_shared>> -> memref<10240x32xf32, #tpu.memory_space<vmem_shared>>
      %dma_wait3A_1100 = tpu.memref_slice %arg12[%dma_wait3A_1091] : memref<10x!tpu.dma_semaphore, #tpu.memory_space<semaphore_mem>> -> memref<1x!tpu.dma_semaphore, #tpu.memory_space<semaphore_mem>>
      %dma_wait3A_1101 = tpu.memref_squeeze %dma_wait3A_1100 : memref<1x!tpu.dma_semaphore, #tpu.memory_space<semaphore_mem>> -> memref<!tpu.dma_semaphore, #tpu.memory_space<semaphore_mem>>
      tpu.wait_indirect_dma semaphore(%dma_wait3A_1101 : memref<!tpu.dma_semaphore, #tpu.memory_space<semaphore_mem>>) src(%dma_wait3A_1095 : memref<80x32xf32, #tpu.memory_space<vmem>>) dst(%dma_wait3A_1099 : memref<10240x32xf32, #tpu.memory_space<vmem_shared>>)
      %add3A_1102 = arith.constant 5 : i32
      %add3A_1103 = arith.addi %add3A_1058, %add3A_1102 : i32
      %mul3A_1104 = arith.constant 80 : i32
      %mul3A_1105 = arith.muli %add3A_1103, %mul3A_1104 : i32
      %multiple_of3A_1106 = tpu.assume_multiple %mul3A_1105, 8 : i32
      %dma_start3A_1107 = arith.constant 2 : i32
      %dma_start3A_1108 = arith.constant 2 : i32
      %dma_start3A_1109 = arith.constant 0 : i32
      %dma_start3A_1110 = arith.constant 0 : i32
      %dma_start3A_1111 = tpu.memref_slice %arg7[%dma_start3A_1107, %dma_start3A_1109, %dma_start3A_1110] : memref<10x80x32xf32, #tpu.memory_space<vmem>> -> memref<1x80x32xf32, #tpu.memory_space<vmem>>
      %dma_start3A_1112 = tpu.memref_squeeze %dma_start3A_1111 : memref<1x80x32xf32, #tpu.memory_space<vmem>> -> memref<80x32xf32, #tpu.memory_space<vmem>>
      %dma_start3A_1113 = tpu.memref_slice %arg5[%multiple_of3A_1106] : memref<10000xi32, #tpu.memory_space<vmem>> -> memref<80xi32, #tpu.memory_space<vmem>>
      %dma_start3A_1114 = arith.constant 0 : i32
      %dma_start3A_1115 = arith.constant 0 : i32
      %dma_start3A_1116 = tpu.memref_slice %arg10[%dma_start3A_1114, %dma_start3A_1115] : memref<10240x32xf32, #tpu.memory_space<vmem_shared>> -> memref<10240x32xf32, #tpu.memory_space<vmem_shared>>
      %dma_start3A_1117 = tpu.memref_slice %arg11[%dma_start3A_1108] : memref<10x!tpu.dma_semaphore, #tpu.memory_space<semaphore_mem>> -> memref<1x!tpu.dma_semaphore, #tpu.memory_space<semaphore_mem>>
      %dma_start3A_1118 = tpu.memref_squeeze %dma_start3A_1117 : memref<1x!tpu.dma_semaphore, #tpu.memory_space<semaphore_mem>> -> memref<!tpu.dma_semaphore, #tpu.memory_space<semaphore_mem>>
      tpu.enqueue_indirect_dma source(%dma_start3A_1116 : memref<10240x32xf32, #tpu.memory_space<vmem_shared>>) target(%dma_start3A_1112 : memref<80x32xf32, #tpu.memory_space<vmem>>) offsets(%dma_start3A_1113 : memref<80xi32, #tpu.memory_space<vmem>>) semaphore(%dma_start3A_1118 : memref<!tpu.dma_semaphore, #tpu.memory_space<semaphore_mem>>)
      %mul3A_1119 = arith.constant 10 : i32
      %mul3A_1120 = arith.muli %scan3A_920, %mul3A_1119 : i32
      %add3A_1121 = arith.constant 5 : i32
      %add3A_1122 = arith.addi %add3A_1121, %mul3A_1120 : i32
      %add3A_1123 = arith.constant 3 : i32
      %add3A_1124 = arith.addi %add3A_1122, %add3A_1123 : i32
      %multiple_of3A_1125 = arith.constant 0 : i32
      %multiple_of3A_1126 = tpu.assume_multiple %multiple_of3A_1125, 8 : i32
      %dma_wait3A_1127 = arith.constant 8 : i32
      %dma_wait3A_1128 = arith.constant 8 : i32
      %dma_wait3A_1129 = arith.constant 0 : i32
      %dma_wait3A_1130 = arith.constant 0 : i32
      %dma_wait3A_1131 = tpu.memref_slice %arg7[%dma_wait3A_1127, %dma_wait3A_1129, %dma_wait3A_1130] : memref<10x80x32xf32, #tpu.memory_space<vmem>> -> memref<1x80x32xf32, #tpu.memory_space<vmem>>
      %dma_wait3A_1132 = tpu.memref_squeeze %dma_wait3A_1131 : memref<1x80x32xf32, #tpu.memory_space<vmem>> -> memref<80x32xf32, #tpu.memory_space<vmem>>
      %dma_wait3A_1133 = tpu.memref_slice %arg5[%multiple_of3A_1126] : memref<10000xi32, #tpu.memory_space<vmem>> -> memref<80xi32, #tpu.memory_space<vmem>>
      %dma_wait3A_1134 = arith.constant 0 : i32
      %dma_wait3A_1135 = arith.constant 0 : i32
      %dma_wait3A_1136 = tpu.memref_slice %arg10[%dma_wait3A_1134, %dma_wait3A_1135] : memref<10240x32xf32, #tpu.memory_space<vmem_shared>> -> memref<10240x32xf32, #tpu.memory_space<vmem_shared>>
      %dma_wait3A_1137 = tpu.memref_slice %arg11[%dma_wait3A_1128] : memref<10x!tpu.dma_semaphore, #tpu.memory_space<semaphore_mem>> -> memref<1x!tpu.dma_semaphore, #tpu.memory_space<semaphore_mem>>
      %dma_wait3A_1138 = tpu.memref_squeeze %dma_wait3A_1137 : memref<1x!tpu.dma_semaphore, #tpu.memory_space<semaphore_mem>> -> memref<!tpu.dma_semaphore, #tpu.memory_space<semaphore_mem>>
      tpu.wait_indirect_dma semaphore(%dma_wait3A_1138 : memref<!tpu.dma_semaphore, #tpu.memory_space<semaphore_mem>>) src(%dma_wait3A_1136 : memref<10240x32xf32, #tpu.memory_space<vmem_shared>>) dst(%dma_wait3A_1132 : memref<80x32xf32, #tpu.memory_space<vmem>>)
      %mul3A_1139 = arith.constant 80 : i32
      %mul3A_1140 = arith.muli %add3A_1124, %mul3A_1139 : i32
      %multiple_of3A_1141 = tpu.assume_multiple %mul3A_1140, 8 : i32
      %dma_start3A_1142 = arith.constant 8 : i32
      %dma_start3A_1143 = arith.constant 8 : i32
      %dma_start3A_1144 = arith.constant 0 : i32
      %dma_start3A_1145 = arith.constant 0 : i32
      %dma_start3A_1146 = tpu.memref_slice %arg7[%dma_start3A_1142, %dma_start3A_1144, %dma_start3A_1145] : memref<10x80x32xf32, #tpu.memory_space<vmem>> -> memref<1x80x32xf32, #tpu.memory_space<vmem>>
      %dma_start3A_1147 = tpu.memref_squeeze %dma_start3A_1146 : memref<1x80x32xf32, #tpu.memory_space<vmem>> -> memref<80x32xf32, #tpu.memory_space<vmem>>
      %dma_start3A_1148 = tpu.memref_slice %arg6[%multiple_of3A_1141] : memref<10000xi32, #tpu.memory_space<vmem>> -> memref<80xi32, #tpu.memory_space<vmem>>
      %dma_start3A_1149 = arith.constant 0 : i32
      %dma_start3A_1150 = arith.constant 0 : i32
      %dma_start3A_1151 = tpu.memref_slice %arg9[%dma_start3A_1149, %dma_start3A_1150] : memref<10240x32xf32, #tpu.memory_space<vmem_shared>> -> memref<10240x32xf32, #tpu.memory_space<vmem_shared>>
      %dma_start3A_1152 = tpu.memref_slice %arg12[%dma_start3A_1143] : memref<10x!tpu.dma_semaphore, #tpu.memory_space<semaphore_mem>> -> memref<1x!tpu.dma_semaphore, #tpu.memory_space<semaphore_mem>>
      %dma_start3A_1153 = tpu.memref_squeeze %dma_start3A_1152 : memref<1x!tpu.dma_semaphore, #tpu.memory_space<semaphore_mem>> -> memref<!tpu.dma_semaphore, #tpu.memory_space<semaphore_mem>>
      tpu.enqueue_indirect_dma source(%dma_start3A_1147 : memref<80x32xf32, #tpu.memory_space<vmem>>) target(%dma_start3A_1151 : memref<10240x32xf32, #tpu.memory_space<vmem_shared>>) offsets(%dma_start3A_1148 : memref<80xi32, #tpu.memory_space<vmem>>) semaphore(%dma_start3A_1153 : memref<!tpu.dma_semaphore, #tpu.memory_space<semaphore_mem>>) {add = true}
      %multiple_of3A_1154 = arith.constant 0 : i32
      %multiple_of3A_1155 = tpu.assume_multiple %multiple_of3A_1154, 8 : i32
      %dma_wait3A_1156 = arith.constant 3 : i32
      %dma_wait3A_1157 = arith.constant 3 : i32
      %dma_wait3A_1158 = arith.constant 0 : i32
      %dma_wait3A_1159 = arith.constant 0 : i32
      %dma_wait3A_1160 = tpu.memref_slice %arg7[%dma_wait3A_1156, %dma_wait3A_1158, %dma_wait3A_1159] : memref<10x80x32xf32, #tpu.memory_space<vmem>> -> memref<1x80x32xf32, #tpu.memory_space<vmem>>
      %dma_wait3A_1161 = tpu.memref_squeeze %dma_wait3A_1160 : memref<1x80x32xf32, #tpu.memory_space<vmem>> -> memref<80x32xf32, #tpu.memory_space<vmem>>
      %dma_wait3A_1162 = tpu.memref_slice %arg6[%multiple_of3A_1155] : memref<10000xi32, #tpu.memory_space<vmem>> -> memref<80xi32, #tpu.memory_space<vmem>>
      %dma_wait3A_1163 = arith.constant 0 : i32
      %dma_wait3A_1164 = arith.constant 0 : i32
      %dma_wait3A_1165 = tpu.memref_slice %arg9[%dma_wait3A_1163, %dma_wait3A_1164] : memref<10240x32xf32, #tpu.memory_space<vmem_shared>> -> memref<10240x32xf32, #tpu.memory_space<vmem_shared>>
      %dma_wait3A_1166 = tpu.memref_slice %arg12[%dma_wait3A_1157] : memref<10x!tpu.dma_semaphore, #tpu.memory_space<semaphore_mem>> -> memref<1x!tpu.dma_semaphore, #tpu.memory_space<semaphore_mem>>
      %dma_wait3A_1167 = tpu.memref_squeeze %dma_wait3A_1166 : memref<1x!tpu.dma_semaphore, #tpu.memory_space<semaphore_mem>> -> memref<!tpu.dma_semaphore, #tpu.memory_space<semaphore_mem>>
      tpu.wait_indirect_dma semaphore(%dma_wait3A_1167 : memref<!tpu.dma_semaphore, #tpu.memory_space<semaphore_mem>>) src(%dma_wait3A_1161 : memref<80x32xf32, #tpu.memory_space<vmem>>) dst(%dma_wait3A_1165 : memref<10240x32xf32, #tpu.memory_space<vmem_shared>>)
      %add3A_1168 = arith.constant 5 : i32
      %add3A_1169 = arith.addi %add3A_1124, %add3A_1168 : i32
      %mul3A_1170 = arith.constant 80 : i32
      %mul3A_1171 = arith.muli %add3A_1169, %mul3A_1170 : i32
      %multiple_of3A_1172 = tpu.assume_multiple %mul3A_1171, 8 : i32
      %dma_start3A_1173 = arith.constant 3 : i32
      %dma_start3A_1174 = arith.constant 3 : i32
      %dma_start3A_1175 = arith.constant 0 : i32
      %dma_start3A_1176 = arith.constant 0 : i32
      %dma_start3A_1177 = tpu.memref_slice %arg7[%dma_start3A_1173, %dma_start3A_1175, %dma_start3A_1176] : memref<10x80x32xf32, #tpu.memory_space<vmem>> -> memref<1x80x32xf32, #tpu.memory_space<vmem>>
      %dma_start3A_1178 = tpu.memref_squeeze %dma_start3A_1177 : memref<1x80x32xf32, #tpu.memory_space<vmem>> -> memref<80x32xf32, #tpu.memory_space<vmem>>
      %dma_start3A_1179 = tpu.memref_slice %arg5[%multiple_of3A_1172] : memref<10000xi32, #tpu.memory_space<vmem>> -> memref<80xi32, #tpu.memory_space<vmem>>
      %dma_start3A_1180 = arith.constant 0 : i32
      %dma_start3A_1181 = arith.constant 0 : i32
      %dma_start3A_1182 = tpu.memref_slice %arg10[%dma_start3A_1180, %dma_start3A_1181] : memref<10240x32xf32, #tpu.memory_space<vmem_shared>> -> memref<10240x32xf32, #tpu.memory_space<vmem_shared>>
      %dma_start3A_1183 = tpu.memref_slice %arg11[%dma_start3A_1174] : memref<10x!tpu.dma_semaphore, #tpu.memory_space<semaphore_mem>> -> memref<1x!tpu.dma_semaphore, #tpu.memory_space<semaphore_mem>>
      %dma_start3A_1184 = tpu.memref_squeeze %dma_start3A_1183 : memref<1x!tpu.dma_semaphore, #tpu.memory_space<semaphore_mem>> -> memref<!tpu.dma_semaphore, #tpu.memory_space<semaphore_mem>>
      tpu.enqueue_indirect_dma source(%dma_start3A_1182 : memref<10240x32xf32, #tpu.memory_space<vmem_shared>>) target(%dma_start3A_1178 : memref<80x32xf32, #tpu.memory_space<vmem>>) offsets(%dma_start3A_1179 : memref<80xi32, #tpu.memory_space<vmem>>) semaphore(%dma_start3A_1184 : memref<!tpu.dma_semaphore, #tpu.memory_space<semaphore_mem>>)
      %mul3A_1185 = arith.constant 10 : i32
      %mul3A_1186 = arith.muli %scan3A_920, %mul3A_1185 : i32
      %add3A_1187 = arith.constant 5 : i32
      %add3A_1188 = arith.addi %add3A_1187, %mul3A_1186 : i32
      %add3A_1189 = arith.constant 4 : i32
      %add3A_1190 = arith.addi %add3A_1188, %add3A_1189 : i32
      %multiple_of3A_1191 = arith.constant 0 : i32
      %multiple_of3A_1192 = tpu.assume_multiple %multiple_of3A_1191, 8 : i32
      %dma_wait3A_1193 = arith.constant 9 : i32
      %dma_wait3A_1194 = arith.constant 9 : i32
      %dma_wait3A_1195 = arith.constant 0 : i32
      %dma_wait3A_1196 = arith.constant 0 : i32
      %dma_wait3A_1197 = tpu.memref_slice %arg7[%dma_wait3A_1193, %dma_wait3A_1195, %dma_wait3A_1196] : memref<10x80x32xf32, #tpu.memory_space<vmem>> -> memref<1x80x32xf32, #tpu.memory_space<vmem>>
      %dma_wait3A_1198 = tpu.memref_squeeze %dma_wait3A_1197 : memref<1x80x32xf32, #tpu.memory_space<vmem>> -> memref<80x32xf32, #tpu.memory_space<vmem>>
      %dma_wait3A_1199 = tpu.memref_slice %arg5[%multiple_of3A_1192] : memref<10000xi32, #tpu.memory_space<vmem>> -> memref<80xi32, #tpu.memory_space<vmem>>
      %dma_wait3A_1200 = arith.constant 0 : i32
      %dma_wait3A_1201 = arith.constant 0 : i32
      %dma_wait3A_1202 = tpu.memref_slice %arg10[%dma_wait3A_1200, %dma_wait3A_1201] : memref<10240x32xf32, #tpu.memory_space<vmem_shared>> -> memref<10240x32xf32, #tpu.memory_space<vmem_shared>>
      %dma_wait3A_1203 = tpu.memref_slice %arg11[%dma_wait3A_1194] : memref<10x!tpu.dma_semaphore, #tpu.memory_space<semaphore_mem>> -> memref<1x!tpu.dma_semaphore, #tpu.memory_space<semaphore_mem>>
      %dma_wait3A_1204 = tpu.memref_squeeze %dma_wait3A_1203 : memref<1x!tpu.dma_semaphore, #tpu.memory_space<semaphore_mem>> -> memref<!tpu.dma_semaphore, #tpu.memory_space<semaphore_mem>>
      tpu.wait_indirect_dma semaphore(%dma_wait3A_1204 : memref<!tpu.dma_semaphore, #tpu.memory_space<semaphore_mem>>) src(%dma_wait3A_1202 : memref<10240x32xf32, #tpu.memory_space<vmem_shared>>) dst(%dma_wait3A_1198 : memref<80x32xf32, #tpu.memory_space<vmem>>)
      %mul3A_1205 = arith.constant 80 : i32
      %mul3A_1206 = arith.muli %add3A_1190, %mul3A_1205 : i32
      %multiple_of3A_1207 = tpu.assume_multiple %mul3A_1206, 8 : i32
      %dma_start3A_1208 = arith.constant 9 : i32
      %dma_start3A_1209 = arith.constant 9 : i32
      %dma_start3A_1210 = arith.constant 0 : i32
      %dma_start3A_1211 = arith.constant 0 : i32
      %dma_start3A_1212 = tpu.memref_slice %arg7[%dma_start3A_1208, %dma_start3A_1210, %dma_start3A_1211] : memref<10x80x32xf32, #tpu.memory_space<vmem>> -> memref<1x80x32xf32, #tpu.memory_space<vmem>>
      %dma_start3A_1213 = tpu.memref_squeeze %dma_start3A_1212 : memref<1x80x32xf32, #tpu.memory_space<vmem>> -> memref<80x32xf32, #tpu.memory_space<vmem>>
      %dma_start3A_1214 = tpu.memref_slice %arg6[%multiple_of3A_1207] : memref<10000xi32, #tpu.memory_space<vmem>> -> memref<80xi32, #tpu.memory_space<vmem>>
      %dma_start3A_1215 = arith.constant 0 : i32
      %dma_start3A_1216 = arith.constant 0 : i32
      %dma_start3A_1217 = tpu.memref_slice %arg9[%dma_start3A_1215, %dma_start3A_1216] : memref<10240x32xf32, #tpu.memory_space<vmem_shared>> -> memref<10240x32xf32, #tpu.memory_space<vmem_shared>>
      %dma_start3A_1218 = tpu.memref_slice %arg12[%dma_start3A_1209] : memref<10x!tpu.dma_semaphore, #tpu.memory_space<semaphore_mem>> -> memref<1x!tpu.dma_semaphore, #tpu.memory_space<semaphore_mem>>
      %dma_start3A_1219 = tpu.memref_squeeze %dma_start3A_1218 : memref<1x!tpu.dma_semaphore, #tpu.memory_space<semaphore_mem>> -> memref<!tpu.dma_semaphore, #tpu.memory_space<semaphore_mem>>
      tpu.enqueue_indirect_dma source(%dma_start3A_1213 : memref<80x32xf32, #tpu.memory_space<vmem>>) target(%dma_start3A_1217 : memref<10240x32xf32, #tpu.memory_space<vmem_shared>>) offsets(%dma_start3A_1214 : memref<80xi32, #tpu.memory_space<vmem>>) semaphore(%dma_start3A_1219 : memref<!tpu.dma_semaphore, #tpu.memory_space<semaphore_mem>>) {add = true}
      %multiple_of3A_1220 = arith.constant 0 : i32
      %multiple_of3A_1221 = tpu.assume_multiple %multiple_of3A_1220, 8 : i32
      %dma_wait3A_1222 = arith.constant 4 : i32
      %dma_wait3A_1223 = arith.constant 4 : i32
      %dma_wait3A_1224 = arith.constant 0 : i32
      %dma_wait3A_1225 = arith.constant 0 : i32
      %dma_wait3A_1226 = tpu.memref_slice %arg7[%dma_wait3A_1222, %dma_wait3A_1224, %dma_wait3A_1225] : memref<10x80x32xf32, #tpu.memory_space<vmem>> -> memref<1x80x32xf32, #tpu.memory_space<vmem>>
      %dma_wait3A_1227 = tpu.memref_squeeze %dma_wait3A_1226 : memref<1x80x32xf32, #tpu.memory_space<vmem>> -> memref<80x32xf32, #tpu.memory_space<vmem>>
      %dma_wait3A_1228 = tpu.memref_slice %arg6[%multiple_of3A_1221] : memref<10000xi32, #tpu.memory_space<vmem>> -> memref<80xi32, #tpu.memory_space<vmem>>
      %dma_wait3A_1229 = arith.constant 0 : i32
      %dma_wait3A_1230 = arith.constant 0 : i32
      %dma_wait3A_1231 = tpu.memref_slice %arg9[%dma_wait3A_1229, %dma_wait3A_1230] : memref<10240x32xf32, #tpu.memory_space<vmem_shared>> -> memref<10240x32xf32, #tpu.memory_space<vmem_shared>>
      %dma_wait3A_1232 = tpu.memref_slice %arg12[%dma_wait3A_1223] : memref<10x!tpu.dma_semaphore, #tpu.memory_space<semaphore_mem>> -> memref<1x!tpu.dma_semaphore, #tpu.memory_space<semaphore_mem>>
      %dma_wait3A_1233 = tpu.memref_squeeze %dma_wait3A_1232 : memref<1x!tpu.dma_semaphore, #tpu.memory_space<semaphore_mem>> -> memref<!tpu.dma_semaphore, #tpu.memory_space<semaphore_mem>>
      tpu.wait_indirect_dma semaphore(%dma_wait3A_1233 : memref<!tpu.dma_semaphore, #tpu.memory_space<semaphore_mem>>) src(%dma_wait3A_1227 : memref<80x32xf32, #tpu.memory_space<vmem>>) dst(%dma_wait3A_1231 : memref<10240x32xf32, #tpu.memory_space<vmem_shared>>)
      %add3A_1234 = arith.constant 5 : i32
      %add3A_1235 = arith.addi %add3A_1190, %add3A_1234 : i32
      %mul3A_1236 = arith.constant 80 : i32
      %mul3A_1237 = arith.muli %add3A_1235, %mul3A_1236 : i32
      %multiple_of3A_1238 = tpu.assume_multiple %mul3A_1237, 8 : i32
      %dma_start3A_1239 = arith.constant 4 : i32
      %dma_start3A_1240 = arith.constant 4 : i32
      %dma_start3A_1241 = arith.constant 0 : i32
      %dma_start3A_1242 = arith.constant 0 : i32
      %dma_start3A_1243 = tpu.memref_slice %arg7[%dma_start3A_1239, %dma_start3A_1241, %dma_start3A_1242] : memref<10x80x32xf32, #tpu.memory_space<vmem>> -> memref<1x80x32xf32, #tpu.memory_space<vmem>>
      %dma_start3A_1244 = tpu.memref_squeeze %dma_start3A_1243 : memref<1x80x32xf32, #tpu.memory_space<vmem>> -> memref<80x32xf32, #tpu.memory_space<vmem>>
      %dma_start3A_1245 = tpu.memref_slice %arg5[%multiple_of3A_1238] : memref<10000xi32, #tpu.memory_space<vmem>> -> memref<80xi32, #tpu.memory_space<vmem>>
      %dma_start3A_1246 = arith.constant 0 : i32
      %dma_start3A_1247 = arith.constant 0 : i32
      %dma_start3A_1248 = tpu.memref_slice %arg10[%dma_start3A_1246, %dma_start3A_1247] : memref<10240x32xf32, #tpu.memory_space<vmem_shared>> -> memref<10240x32xf32, #tpu.memory_space<vmem_shared>>
      %dma_start3A_1249 = tpu.memref_slice %arg11[%dma_start3A_1240] : memref<10x!tpu.dma_semaphore, #tpu.memory_space<semaphore_mem>> -> memref<1x!tpu.dma_semaphore, #tpu.memory_space<semaphore_mem>>
      %dma_start3A_1250 = tpu.memref_squeeze %dma_start3A_1249 : memref<1x!tpu.dma_semaphore, #tpu.memory_space<semaphore_mem>> -> memref<!tpu.dma_semaphore, #tpu.memory_space<semaphore_mem>>
      tpu.enqueue_indirect_dma source(%dma_start3A_1248 : memref<10240x32xf32, #tpu.memory_space<vmem_shared>>) target(%dma_start3A_1244 : memref<80x32xf32, #tpu.memory_space<vmem>>) offsets(%dma_start3A_1245 : memref<80xi32, #tpu.memory_space<vmem>>) semaphore(%dma_start3A_1250 : memref<!tpu.dma_semaphore, #tpu.memory_space<semaphore_mem>>)
      %mul3A_1251 = arith.constant 10 : i32
      %mul3A_1252 = arith.muli %scan3A_920, %mul3A_1251 : i32
      %add3A_1253 = arith.constant 5 : i32
      %add3A_1254 = arith.addi %add3A_1253, %mul3A_1252 : i32
      %add3A_1255 = arith.constant 5 : i32
      %add3A_1256 = arith.addi %add3A_1254, %add3A_1255 : i32
      %multiple_of3A_1257 = arith.constant 0 : i32
      %multiple_of3A_1258 = tpu.assume_multiple %multiple_of3A_1257, 8 : i32
      %dma_wait3A_1259 = arith.constant 0 : i32
      %dma_wait3A_1260 = arith.constant 0 : i32
      %dma_wait3A_1261 = arith.constant 0 : i32
      %dma_wait3A_1262 = arith.constant 0 : i32
      %dma_wait3A_1263 = tpu.memref_slice %arg7[%dma_wait3A_1259, %dma_wait3A_1261, %dma_wait3A_1262] : memref<10x80x32xf32, #tpu.memory_space<vmem>> -> memref<1x80x32xf32, #tpu.memory_space<vmem>>
      %dma_wait3A_1264 = tpu.memref_squeeze %dma_wait3A_1263 : memref<1x80x32xf32, #tpu.memory_space<vmem>> -> memref<80x32xf32, #tpu.memory_space<vmem>>
      %dma_wait3A_1265 = tpu.memref_slice %arg5[%multiple_of3A_1258] : memref<10000xi32, #tpu.memory_space<vmem>> -> memref<80xi32, #tpu.memory_space<vmem>>
      %dma_wait3A_1266 = arith.constant 0 : i32
      %dma_wait3A_1267 = arith.constant 0 : i32
      %dma_wait3A_1268 = tpu.memref_slice %arg10[%dma_wait3A_1266, %dma_wait3A_1267] : memref<10240x32xf32, #tpu.memory_space<vmem_shared>> -> memref<10240x32xf32, #tpu.memory_space<vmem_shared>>
      %dma_wait3A_1269 = tpu.memref_slice %arg11[%dma_wait3A_1260] : memref<10x!tpu.dma_semaphore, #tpu.memory_space<semaphore_mem>> -> memref<1x!tpu.dma_semaphore, #tpu.memory_space<semaphore_mem>>
      %dma_wait3A_1270 = tpu.memref_squeeze %dma_wait3A_1269 : memref<1x!tpu.dma_semaphore, #tpu.memory_space<semaphore_mem>> -> memref<!tpu.dma_semaphore, #tpu.memory_space<semaphore_mem>>
      tpu.wait_indirect_dma semaphore(%dma_wait3A_1270 : memref<!tpu.dma_semaphore, #tpu.memory_space<semaphore_mem>>) src(%dma_wait3A_1268 : memref<10240x32xf32, #tpu.memory_space<vmem_shared>>) dst(%dma_wait3A_1264 : memref<80x32xf32, #tpu.memory_space<vmem>>)
      %mul3A_1271 = arith.constant 80 : i32
      %mul3A_1272 = arith.muli %add3A_1256, %mul3A_1271 : i32
      %multiple_of3A_1273 = tpu.assume_multiple %mul3A_1272, 8 : i32
      %dma_start3A_1274 = arith.constant 0 : i32
      %dma_start3A_1275 = arith.constant 0 : i32
      %dma_start3A_1276 = arith.constant 0 : i32
      %dma_start3A_1277 = arith.constant 0 : i32
      %dma_start3A_1278 = tpu.memref_slice %arg7[%dma_start3A_1274, %dma_start3A_1276, %dma_start3A_1277] : memref<10x80x32xf32, #tpu.memory_space<vmem>> -> memref<1x80x32xf32, #tpu.memory_space<vmem>>
      %dma_start3A_1279 = tpu.memref_squeeze %dma_start3A_1278 : memref<1x80x32xf32, #tpu.memory_space<vmem>> -> memref<80x32xf32, #tpu.memory_space<vmem>>
      %dma_start3A_1280 = tpu.memref_slice %arg6[%multiple_of3A_1273] : memref<10000xi32, #tpu.memory_space<vmem>> -> memref<80xi32, #tpu.memory_space<vmem>>
      %dma_start3A_1281 = arith.constant 0 : i32
      %dma_start3A_1282 = arith.constant 0 : i32
      %dma_start3A_1283 = tpu.memref_slice %arg9[%dma_start3A_1281, %dma_start3A_1282] : memref<10240x32xf32, #tpu.memory_space<vmem_shared>> -> memref<10240x32xf32, #tpu.memory_space<vmem_shared>>
      %dma_start3A_1284 = tpu.memref_slice %arg12[%dma_start3A_1275] : memref<10x!tpu.dma_semaphore, #tpu.memory_space<semaphore_mem>> -> memref<1x!tpu.dma_semaphore, #tpu.memory_space<semaphore_mem>>
      %dma_start3A_1285 = tpu.memref_squeeze %dma_start3A_1284 : memref<1x!tpu.dma_semaphore, #tpu.memory_space<semaphore_mem>> -> memref<!tpu.dma_semaphore, #tpu.memory_space<semaphore_mem>>
      tpu.enqueue_indirect_dma source(%dma_start3A_1279 : memref<80x32xf32, #tpu.memory_space<vmem>>) target(%dma_start3A_1283 : memref<10240x32xf32, #tpu.memory_space<vmem_shared>>) offsets(%dma_start3A_1280 : memref<80xi32, #tpu.memory_space<vmem>>) semaphore(%dma_start3A_1285 : memref<!tpu.dma_semaphore, #tpu.memory_space<semaphore_mem>>) {add = true}
      %multiple_of3A_1286 = arith.constant 0 : i32
      %multiple_of3A_1287 = tpu.assume_multiple %multiple_of3A_1286, 8 : i32
      %dma_wait3A_1288 = arith.constant 5 : i32
      %dma_wait3A_1289 = arith.constant 5 : i32
      %dma_wait3A_1290 = arith.constant 0 : i32
      %dma_wait3A_1291 = arith.constant 0 : i32
      %dma_wait3A_1292 = tpu.memref_slice %arg7[%dma_wait3A_1288, %dma_wait3A_1290, %dma_wait3A_1291] : memref<10x80x32xf32, #tpu.memory_space<vmem>> -> memref<1x80x32xf32, #tpu.memory_space<vmem>>
      %dma_wait3A_1293 = tpu.memref_squeeze %dma_wait3A_1292 : memref<1x80x32xf32, #tpu.memory_space<vmem>> -> memref<80x32xf32, #tpu.memory_space<vmem>>
      %dma_wait3A_1294 = tpu.memref_slice %arg6[%multiple_of3A_1287] : memref<10000xi32, #tpu.memory_space<vmem>> -> memref<80xi32, #tpu.memory_space<vmem>>
      %dma_wait3A_1295 = arith.constant 0 : i32
      %dma_wait3A_1296 = arith.constant 0 : i32
      %dma_wait3A_1297 = tpu.memref_slice %arg9[%dma_wait3A_1295, %dma_wait3A_1296] : memref<10240x32xf32, #tpu.memory_space<vmem_shared>> -> memref<10240x32xf32, #tpu.memory_space<vmem_shared>>
      %dma_wait3A_1298 = tpu.memref_slice %arg12[%dma_wait3A_1289] : memref<10x!tpu.dma_semaphore, #tpu.memory_space<semaphore_mem>> -> memref<1x!tpu.dma_semaphore, #tpu.memory_space<semaphore_mem>>
      %dma_wait3A_1299 = tpu.memref_squeeze %dma_wait3A_1298 : memref<1x!tpu.dma_semaphore, #tpu.memory_space<semaphore_mem>> -> memref<!tpu.dma_semaphore, #tpu.memory_space<semaphore_mem>>
      tpu.wait_indirect_dma semaphore(%dma_wait3A_1299 : memref<!tpu.dma_semaphore, #tpu.memory_space<semaphore_mem>>) src(%dma_wait3A_1293 : memref<80x32xf32, #tpu.memory_space<vmem>>) dst(%dma_wait3A_1297 : memref<10240x32xf32, #tpu.memory_space<vmem_shared>>)
      %add3A_1300 = arith.constant 5 : i32
      %add3A_1301 = arith.addi %add3A_1256, %add3A_1300 : i32
      %mul3A_1302 = arith.constant 80 : i32
      %mul3A_1303 = arith.muli %add3A_1301, %mul3A_1302 : i32
      %multiple_of3A_1304 = tpu.assume_multiple %mul3A_1303, 8 : i32
      %dma_start3A_1305 = arith.constant 5 : i32
      %dma_start3A_1306 = arith.constant 5 : i32
      %dma_start3A_1307 = arith.constant 0 : i32
      %dma_start3A_1308 = arith.constant 0 : i32
      %dma_start3A_1309 = tpu.memref_slice %arg7[%dma_start3A_1305, %dma_start3A_1307, %dma_start3A_1308] : memref<10x80x32xf32, #tpu.memory_space<vmem>> -> memref<1x80x32xf32, #tpu.memory_space<vmem>>
      %dma_start3A_1310 = tpu.memref_squeeze %dma_start3A_1309 : memref<1x80x32xf32, #tpu.memory_space<vmem>> -> memref<80x32xf32, #tpu.memory_space<vmem>>
      %dma_start3A_1311 = tpu.memref_slice %arg5[%multiple_of3A_1304] : memref<10000xi32, #tpu.memory_space<vmem>> -> memref<80xi32, #tpu.memory_space<vmem>>
      %dma_start3A_1312 = arith.constant 0 : i32
      %dma_start3A_1313 = arith.constant 0 : i32
      %dma_start3A_1314 = tpu.memref_slice %arg10[%dma_start3A_1312, %dma_start3A_1313] : memref<10240x32xf32, #tpu.memory_space<vmem_shared>> -> memref<10240x32xf32, #tpu.memory_space<vmem_shared>>
      %dma_start3A_1315 = tpu.memref_slice %arg11[%dma_start3A_1306] : memref<10x!tpu.dma_semaphore, #tpu.memory_space<semaphore_mem>> -> memref<1x!tpu.dma_semaphore, #tpu.memory_space<semaphore_mem>>
      %dma_start3A_1316 = tpu.memref_squeeze %dma_start3A_1315 : memref<1x!tpu.dma_semaphore, #tpu.memory_space<semaphore_mem>> -> memref<!tpu.dma_semaphore, #tpu.memory_space<semaphore_mem>>
      tpu.enqueue_indirect_dma source(%dma_start3A_1314 : memref<10240x32xf32, #tpu.memory_space<vmem_shared>>) target(%dma_start3A_1310 : memref<80x32xf32, #tpu.memory_space<vmem>>) offsets(%dma_start3A_1311 : memref<80xi32, #tpu.memory_space<vmem>>) semaphore(%dma_start3A_1316 : memref<!tpu.dma_semaphore, #tpu.memory_space<semaphore_mem>>)
      %mul3A_1317 = arith.constant 10 : i32
      %mul3A_1318 = arith.muli %scan3A_920, %mul3A_1317 : i32
      %add3A_1319 = arith.constant 5 : i32
      %add3A_1320 = arith.addi %add3A_1319, %mul3A_1318 : i32
      %add3A_1321 = arith.constant 6 : i32
      %add3A_1322 = arith.addi %add3A_1320, %add3A_1321 : i32
      %multiple_of3A_1323 = arith.constant 0 : i32
      %multiple_of3A_1324 = tpu.assume_multiple %multiple_of3A_1323, 8 : i32
      %dma_wait3A_1325 = arith.constant 1 : i32
      %dma_wait3A_1326 = arith.constant 1 : i32
      %dma_wait3A_1327 = arith.constant 0 : i32
      %dma_wait3A_1328 = arith.constant 0 : i32
      %dma_wait3A_1329 = tpu.memref_slice %arg7[%dma_wait3A_1325, %dma_wait3A_1327, %dma_wait3A_1328] : memref<10x80x32xf32, #tpu.memory_space<vmem>> -> memref<1x80x32xf32, #tpu.memory_space<vmem>>
      %dma_wait3A_1330 = tpu.memref_squeeze %dma_wait3A_1329 : memref<1x80x32xf32, #tpu.memory_space<vmem>> -> memref<80x32xf32, #tpu.memory_space<vmem>>
      %dma_wait3A_1331 = tpu.memref_slice %arg5[%multiple_of3A_1324] : memref<10000xi32, #tpu.memory_space<vmem>> -> memref<80xi32, #tpu.memory_space<vmem>>
      %dma_wait3A_1332 = arith.constant 0 : i32
      %dma_wait3A_1333 = arith.constant 0 : i32
      %dma_wait3A_1334 = tpu.memref_slice %arg10[%dma_wait3A_1332, %dma_wait3A_1333] : memref<10240x32xf32, #tpu.memory_space<vmem_shared>> -> memref<10240x32xf32, #tpu.memory_space<vmem_shared>>
      %dma_wait3A_1335 = tpu.memref_slice %arg11[%dma_wait3A_1326] : memref<10x!tpu.dma_semaphore, #tpu.memory_space<semaphore_mem>> -> memref<1x!tpu.dma_semaphore, #tpu.memory_space<semaphore_mem>>
      %dma_wait3A_1336 = tpu.memref_squeeze %dma_wait3A_1335 : memref<1x!tpu.dma_semaphore, #tpu.memory_space<semaphore_mem>> -> memref<!tpu.dma_semaphore, #tpu.memory_space<semaphore_mem>>
      tpu.wait_indirect_dma semaphore(%dma_wait3A_1336 : memref<!tpu.dma_semaphore, #tpu.memory_space<semaphore_mem>>) src(%dma_wait3A_1334 : memref<10240x32xf32, #tpu.memory_space<vmem_shared>>) dst(%dma_wait3A_1330 : memref<80x32xf32, #tpu.memory_space<vmem>>)
      %mul3A_1337 = arith.constant 80 : i32
      %mul3A_1338 = arith.muli %add3A_1322, %mul3A_1337 : i32
      %multiple_of3A_1339 = tpu.assume_multiple %mul3A_1338, 8 : i32
      %dma_start3A_1340 = arith.constant 1 : i32
      %dma_start3A_1341 = arith.constant 1 : i32
      %dma_start3A_1342 = arith.constant 0 : i32
      %dma_start3A_1343 = arith.constant 0 : i32
      %dma_start3A_1344 = tpu.memref_slice %arg7[%dma_start3A_1340, %dma_start3A_1342, %dma_start3A_1343] : memref<10x80x32xf32, #tpu.memory_space<vmem>> -> memref<1x80x32xf32, #tpu.memory_space<vmem>>
      %dma_start3A_1345 = tpu.memref_squeeze %dma_start3A_1344 : memref<1x80x32xf32, #tpu.memory_space<vmem>> -> memref<80x32xf32, #tpu.memory_space<vmem>>
      %dma_start3A_1346 = tpu.memref_slice %arg6[%multiple_of3A_1339] : memref<10000xi32, #tpu.memory_space<vmem>> -> memref<80xi32, #tpu.memory_space<vmem>>
      %dma_start3A_1347 = arith.constant 0 : i32
      %dma_start3A_1348 = arith.constant 0 : i32
      %dma_start3A_1349 = tpu.memref_slice %arg9[%dma_start3A_1347, %dma_start3A_1348] : memref<10240x32xf32, #tpu.memory_space<vmem_shared>> -> memref<10240x32xf32, #tpu.memory_space<vmem_shared>>
      %dma_start3A_1350 = tpu.memref_slice %arg12[%dma_start3A_1341] : memref<10x!tpu.dma_semaphore, #tpu.memory_space<semaphore_mem>> -> memref<1x!tpu.dma_semaphore, #tpu.memory_space<semaphore_mem>>
      %dma_start3A_1351 = tpu.memref_squeeze %dma_start3A_1350 : memref<1x!tpu.dma_semaphore, #tpu.memory_space<semaphore_mem>> -> memref<!tpu.dma_semaphore, #tpu.memory_space<semaphore_mem>>
      tpu.enqueue_indirect_dma source(%dma_start3A_1345 : memref<80x32xf32, #tpu.memory_space<vmem>>) target(%dma_start3A_1349 : memref<10240x32xf32, #tpu.memory_space<vmem_shared>>) offsets(%dma_start3A_1346 : memref<80xi32, #tpu.memory_space<vmem>>) semaphore(%dma_start3A_1351 : memref<!tpu.dma_semaphore, #tpu.memory_space<semaphore_mem>>) {add = true}
      %multiple_of3A_1352 = arith.constant 0 : i32
      %multiple_of3A_1353 = tpu.assume_multiple %multiple_of3A_1352, 8 : i32
      %dma_wait3A_1354 = arith.constant 6 : i32
      %dma_wait3A_1355 = arith.constant 6 : i32
      %dma_wait3A_1356 = arith.constant 0 : i32
      %dma_wait3A_1357 = arith.constant 0 : i32
      %dma_wait3A_1358 = tpu.memref_slice %arg7[%dma_wait3A_1354, %dma_wait3A_1356, %dma_wait3A_1357] : memref<10x80x32xf32, #tpu.memory_space<vmem>> -> memref<1x80x32xf32, #tpu.memory_space<vmem>>
      %dma_wait3A_1359 = tpu.memref_squeeze %dma_wait3A_1358 : memref<1x80x32xf32, #tpu.memory_space<vmem>> -> memref<80x32xf32, #tpu.memory_space<vmem>>
      %dma_wait3A_1360 = tpu.memref_slice %arg6[%multiple_of3A_1353] : memref<10000xi32, #tpu.memory_space<vmem>> -> memref<80xi32, #tpu.memory_space<vmem>>
      %dma_wait3A_1361 = arith.constant 0 : i32
      %dma_wait3A_1362 = arith.constant 0 : i32
      %dma_wait3A_1363 = tpu.memref_slice %arg9[%dma_wait3A_1361, %dma_wait3A_1362] : memref<10240x32xf32, #tpu.memory_space<vmem_shared>> -> memref<10240x32xf32, #tpu.memory_space<vmem_shared>>
      %dma_wait3A_1364 = tpu.memref_slice %arg12[%dma_wait3A_1355] : memref<10x!tpu.dma_semaphore, #tpu.memory_space<semaphore_mem>> -> memref<1x!tpu.dma_semaphore, #tpu.memory_space<semaphore_mem>>
      %dma_wait3A_1365 = tpu.memref_squeeze %dma_wait3A_1364 : memref<1x!tpu.dma_semaphore, #tpu.memory_space<semaphore_mem>> -> memref<!tpu.dma_semaphore, #tpu.memory_space<semaphore_mem>>
      tpu.wait_indirect_dma semaphore(%dma_wait3A_1365 : memref<!tpu.dma_semaphore, #tpu.memory_space<semaphore_mem>>) src(%dma_wait3A_1359 : memref<80x32xf32, #tpu.memory_space<vmem>>) dst(%dma_wait3A_1363 : memref<10240x32xf32, #tpu.memory_space<vmem_shared>>)
      %add3A_1366 = arith.constant 5 : i32
      %add3A_1367 = arith.addi %add3A_1322, %add3A_1366 : i32
      %mul3A_1368 = arith.constant 80 : i32
      %mul3A_1369 = arith.muli %add3A_1367, %mul3A_1368 : i32
      %multiple_of3A_1370 = tpu.assume_multiple %mul3A_1369, 8 : i32
      %dma_start3A_1371 = arith.constant 6 : i32
      %dma_start3A_1372 = arith.constant 6 : i32
      %dma_start3A_1373 = arith.constant 0 : i32
      %dma_start3A_1374 = arith.constant 0 : i32
      %dma_start3A_1375 = tpu.memref_slice %arg7[%dma_start3A_1371, %dma_start3A_1373, %dma_start3A_1374] : memref<10x80x32xf32, #tpu.memory_space<vmem>> -> memref<1x80x32xf32, #tpu.memory_space<vmem>>
      %dma_start3A_1376 = tpu.memref_squeeze %dma_start3A_1375 : memref<1x80x32xf32, #tpu.memory_space<vmem>> -> memref<80x32xf32, #tpu.memory_space<vmem>>
      %dma_start3A_1377 = tpu.memref_slice %arg5[%multiple_of3A_1370] : memref<10000xi32, #tpu.memory_space<vmem>> -> memref<80xi32, #tpu.memory_space<vmem>>
      %dma_start3A_1378 = arith.constant 0 : i32
      %dma_start3A_1379 = arith.constant 0 : i32
      %dma_start3A_1380 = tpu.memref_slice %arg10[%dma_start3A_1378, %dma_start3A_1379] : memref<10240x32xf32, #tpu.memory_space<vmem_shared>> -> memref<10240x32xf32, #tpu.memory_space<vmem_shared>>
      %dma_start3A_1381 = tpu.memref_slice %arg11[%dma_start3A_1372] : memref<10x!tpu.dma_semaphore, #tpu.memory_space<semaphore_mem>> -> memref<1x!tpu.dma_semaphore, #tpu.memory_space<semaphore_mem>>
      %dma_start3A_1382 = tpu.memref_squeeze %dma_start3A_1381 : memref<1x!tpu.dma_semaphore, #tpu.memory_space<semaphore_mem>> -> memref<!tpu.dma_semaphore, #tpu.memory_space<semaphore_mem>>
      tpu.enqueue_indirect_dma source(%dma_start3A_1380 : memref<10240x32xf32, #tpu.memory_space<vmem_shared>>) target(%dma_start3A_1376 : memref<80x32xf32, #tpu.memory_space<vmem>>) offsets(%dma_start3A_1377 : memref<80xi32, #tpu.memory_space<vmem>>) semaphore(%dma_start3A_1382 : memref<!tpu.dma_semaphore, #tpu.memory_space<semaphore_mem>>)
      %mul3A_1383 = arith.constant 10 : i32
      %mul3A_1384 = arith.muli %scan3A_920, %mul3A_1383 : i32
      %add3A_1385 = arith.constant 5 : i32
      %add3A_1386 = arith.addi %add3A_1385, %mul3A_1384 : i32
      %add3A_1387 = arith.constant 7 : i32
      %add3A_1388 = arith.addi %add3A_1386, %add3A_1387 : i32
      %multiple_of3A_1389 = arith.constant 0 : i32
      %multiple_of3A_1390 = tpu.assume_multiple %multiple_of3A_1389, 8 : i32
      %dma_wait3A_1391 = arith.constant 2 : i32
      %dma_wait3A_1392 = arith.constant 2 : i32
      %dma_wait3A_1393 = arith.constant 0 : i32
      %dma_wait3A_1394 = arith.constant 0 : i32
      %dma_wait3A_1395 = tpu.memref_slice %arg7[%dma_wait3A_1391, %dma_wait3A_1393, %dma_wait3A_1394] : memref<10x80x32xf32, #tpu.memory_space<vmem>> -> memref<1x80x32xf32, #tpu.memory_space<vmem>>
      %dma_wait3A_1396 = tpu.memref_squeeze %dma_wait3A_1395 : memref<1x80x32xf32, #tpu.memory_space<vmem>> -> memref<80x32xf32, #tpu.memory_space<vmem>>
      %dma_wait3A_1397 = tpu.memref_slice %arg5[%multiple_of3A_1390] : memref<10000xi32, #tpu.memory_space<vmem>> -> memref<80xi32, #tpu.memory_space<vmem>>
      %dma_wait3A_1398 = arith.constant 0 : i32
      %dma_wait3A_1399 = arith.constant 0 : i32
      %dma_wait3A_1400 = tpu.memref_slice %arg10[%dma_wait3A_1398, %dma_wait3A_1399] : memref<10240x32xf32, #tpu.memory_space<vmem_shared>> -> memref<10240x32xf32, #tpu.memory_space<vmem_shared>>
      %dma_wait3A_1401 = tpu.memref_slice %arg11[%dma_wait3A_1392] : memref<10x!tpu.dma_semaphore, #tpu.memory_space<semaphore_mem>> -> memref<1x!tpu.dma_semaphore, #tpu.memory_space<semaphore_mem>>
      %dma_wait3A_1402 = tpu.memref_squeeze %dma_wait3A_1401 : memref<1x!tpu.dma_semaphore, #tpu.memory_space<semaphore_mem>> -> memref<!tpu.dma_semaphore, #tpu.memory_space<semaphore_mem>>
      tpu.wait_indirect_dma semaphore(%dma_wait3A_1402 : memref<!tpu.dma_semaphore, #tpu.memory_space<semaphore_mem>>) src(%dma_wait3A_1400 : memref<10240x32xf32, #tpu.memory_space<vmem_shared>>) dst(%dma_wait3A_1396 : memref<80x32xf32, #tpu.memory_space<vmem>>)
      %mul3A_1403 = arith.constant 80 : i32
      %mul3A_1404 = arith.muli %add3A_1388, %mul3A_1403 : i32
      %multiple_of3A_1405 = tpu.assume_multiple %mul3A_1404, 8 : i32
      %dma_start3A_1406 = arith.constant 2 : i32
      %dma_start3A_1407 = arith.constant 2 : i32
      %dma_start3A_1408 = arith.constant 0 : i32
      %dma_start3A_1409 = arith.constant 0 : i32
      %dma_start3A_1410 = tpu.memref_slice %arg7[%dma_start3A_1406, %dma_start3A_1408, %dma_start3A_1409] : memref<10x80x32xf32, #tpu.memory_space<vmem>> -> memref<1x80x32xf32, #tpu.memory_space<vmem>>
      %dma_start3A_1411 = tpu.memref_squeeze %dma_start3A_1410 : memref<1x80x32xf32, #tpu.memory_space<vmem>> -> memref<80x32xf32, #tpu.memory_space<vmem>>
      %dma_start3A_1412 = tpu.memref_slice %arg6[%multiple_of3A_1405] : memref<10000xi32, #tpu.memory_space<vmem>> -> memref<80xi32, #tpu.memory_space<vmem>>
      %dma_start3A_1413 = arith.constant 0 : i32
      %dma_start3A_1414 = arith.constant 0 : i32
      %dma_start3A_1415 = tpu.memref_slice %arg9[%dma_start3A_1413, %dma_start3A_1414] : memref<10240x32xf32, #tpu.memory_space<vmem_shared>> -> memref<10240x32xf32, #tpu.memory_space<vmem_shared>>
      %dma_start3A_1416 = tpu.memref_slice %arg12[%dma_start3A_1407] : memref<10x!tpu.dma_semaphore, #tpu.memory_space<semaphore_mem>> -> memref<1x!tpu.dma_semaphore, #tpu.memory_space<semaphore_mem>>
      %dma_start3A_1417 = tpu.memref_squeeze %dma_start3A_1416 : memref<1x!tpu.dma_semaphore, #tpu.memory_space<semaphore_mem>> -> memref<!tpu.dma_semaphore, #tpu.memory_space<semaphore_mem>>
      tpu.enqueue_indirect_dma source(%dma_start3A_1411 : memref<80x32xf32, #tpu.memory_space<vmem>>) target(%dma_start3A_1415 : memref<10240x32xf32, #tpu.memory_space<vmem_shared>>) offsets(%dma_start3A_1412 : memref<80xi32, #tpu.memory_space<vmem>>) semaphore(%dma_start3A_1417 : memref<!tpu.dma_semaphore, #tpu.memory_space<semaphore_mem>>) {add = true}
      %multiple_of3A_1418 = arith.constant 0 : i32
      %multiple_of3A_1419 = tpu.assume_multiple %multiple_of3A_1418, 8 : i32
      %dma_wait3A_1420 = arith.constant 7 : i32
      %dma_wait3A_1421 = arith.constant 7 : i32
      %dma_wait3A_1422 = arith.constant 0 : i32
      %dma_wait3A_1423 = arith.constant 0 : i32
      %dma_wait3A_1424 = tpu.memref_slice %arg7[%dma_wait3A_1420, %dma_wait3A_1422, %dma_wait3A_1423] : memref<10x80x32xf32, #tpu.memory_space<vmem>> -> memref<1x80x32xf32, #tpu.memory_space<vmem>>
      %dma_wait3A_1425 = tpu.memref_squeeze %dma_wait3A_1424 : memref<1x80x32xf32, #tpu.memory_space<vmem>> -> memref<80x32xf32, #tpu.memory_space<vmem>>
      %dma_wait3A_1426 = tpu.memref_slice %arg6[%multiple_of3A_1419] : memref<10000xi32, #tpu.memory_space<vmem>> -> memref<80xi32, #tpu.memory_space<vmem>>
      %dma_wait3A_1427 = arith.constant 0 : i32
      %dma_wait3A_1428 = arith.constant 0 : i32
      %dma_wait3A_1429 = tpu.memref_slice %arg9[%dma_wait3A_1427, %dma_wait3A_1428] : memref<10240x32xf32, #tpu.memory_space<vmem_shared>> -> memref<10240x32xf32, #tpu.memory_space<vmem_shared>>
      %dma_wait3A_1430 = tpu.memref_slice %arg12[%dma_wait3A_1421] : memref<10x!tpu.dma_semaphore, #tpu.memory_space<semaphore_mem>> -> memref<1x!tpu.dma_semaphore, #tpu.memory_space<semaphore_mem>>
      %dma_wait3A_1431 = tpu.memref_squeeze %dma_wait3A_1430 : memref<1x!tpu.dma_semaphore, #tpu.memory_space<semaphore_mem>> -> memref<!tpu.dma_semaphore, #tpu.memory_space<semaphore_mem>>
      tpu.wait_indirect_dma semaphore(%dma_wait3A_1431 : memref<!tpu.dma_semaphore, #tpu.memory_space<semaphore_mem>>) src(%dma_wait3A_1425 : memref<80x32xf32, #tpu.memory_space<vmem>>) dst(%dma_wait3A_1429 : memref<10240x32xf32, #tpu.memory_space<vmem_shared>>)
      %add3A_1432 = arith.constant 5 : i32
      %add3A_1433 = arith.addi %add3A_1388, %add3A_1432 : i32
      %mul3A_1434 = arith.constant 80 : i32
      %mul3A_1435 = arith.muli %add3A_1433, %mul3A_1434 : i32
      %multiple_of3A_1436 = tpu.assume_multiple %mul3A_1435, 8 : i32
      %dma_start3A_1437 = arith.constant 7 : i32
      %dma_start3A_1438 = arith.constant 7 : i32
      %dma_start3A_1439 = arith.constant 0 : i32
      %dma_start3A_1440 = arith.constant 0 : i32
      %dma_start3A_1441 = tpu.memref_slice %arg7[%dma_start3A_1437, %dma_start3A_1439, %dma_start3A_1440] : memref<10x80x32xf32, #tpu.memory_space<vmem>> -> memref<1x80x32xf32, #tpu.memory_space<vmem>>
      %dma_start3A_1442 = tpu.memref_squeeze %dma_start3A_1441 : memref<1x80x32xf32, #tpu.memory_space<vmem>> -> memref<80x32xf32, #tpu.memory_space<vmem>>
      %dma_start3A_1443 = tpu.memref_slice %arg5[%multiple_of3A_1436] : memref<10000xi32, #tpu.memory_space<vmem>> -> memref<80xi32, #tpu.memory_space<vmem>>
      %dma_start3A_1444 = arith.constant 0 : i32
      %dma_start3A_1445 = arith.constant 0 : i32
      %dma_start3A_1446 = tpu.memref_slice %arg10[%dma_start3A_1444, %dma_start3A_1445] : memref<10240x32xf32, #tpu.memory_space<vmem_shared>> -> memref<10240x32xf32, #tpu.memory_space<vmem_shared>>
      %dma_start3A_1447 = tpu.memref_slice %arg11[%dma_start3A_1438] : memref<10x!tpu.dma_semaphore, #tpu.memory_space<semaphore_mem>> -> memref<1x!tpu.dma_semaphore, #tpu.memory_space<semaphore_mem>>
      %dma_start3A_1448 = tpu.memref_squeeze %dma_start3A_1447 : memref<1x!tpu.dma_semaphore, #tpu.memory_space<semaphore_mem>> -> memref<!tpu.dma_semaphore, #tpu.memory_space<semaphore_mem>>
      tpu.enqueue_indirect_dma source(%dma_start3A_1446 : memref<10240x32xf32, #tpu.memory_space<vmem_shared>>) target(%dma_start3A_1442 : memref<80x32xf32, #tpu.memory_space<vmem>>) offsets(%dma_start3A_1443 : memref<80xi32, #tpu.memory_space<vmem>>) semaphore(%dma_start3A_1448 : memref<!tpu.dma_semaphore, #tpu.memory_space<semaphore_mem>>)
      %mul3A_1449 = arith.constant 10 : i32
      %mul3A_1450 = arith.muli %scan3A_920, %mul3A_1449 : i32
      %add3A_1451 = arith.constant 5 : i32
      %add3A_1452 = arith.addi %add3A_1451, %mul3A_1450 : i32
      %add3A_1453 = arith.constant 8 : i32
      %add3A_1454 = arith.addi %add3A_1452, %add3A_1453 : i32
      %multiple_of3A_1455 = arith.constant 0 : i32
      %multiple_of3A_1456 = tpu.assume_multiple %multiple_of3A_1455, 8 : i32
      %dma_wait3A_1457 = arith.constant 3 : i32
      %dma_wait3A_1458 = arith.constant 3 : i32
      %dma_wait3A_1459 = arith.constant 0 : i32
      %dma_wait3A_1460 = arith.constant 0 : i32
      %dma_wait3A_1461 = tpu.memref_slice %arg7[%dma_wait3A_1457, %dma_wait3A_1459, %dma_wait3A_1460] : memref<10x80x32xf32, #tpu.memory_space<vmem>> -> memref<1x80x32xf32, #tpu.memory_space<vmem>>
      %dma_wait3A_1462 = tpu.memref_squeeze %dma_wait3A_1461 : memref<1x80x32xf32, #tpu.memory_space<vmem>> -> memref<80x32xf32, #tpu.memory_space<vmem>>
      %dma_wait3A_1463 = tpu.memref_slice %arg5[%multiple_of3A_1456] : memref<10000xi32, #tpu.memory_space<vmem>> -> memref<80xi32, #tpu.memory_space<vmem>>
      %dma_wait3A_1464 = arith.constant 0 : i32
      %dma_wait3A_1465 = arith.constant 0 : i32
      %dma_wait3A_1466 = tpu.memref_slice %arg10[%dma_wait3A_1464, %dma_wait3A_1465] : memref<10240x32xf32, #tpu.memory_space<vmem_shared>> -> memref<10240x32xf32, #tpu.memory_space<vmem_shared>>
      %dma_wait3A_1467 = tpu.memref_slice %arg11[%dma_wait3A_1458] : memref<10x!tpu.dma_semaphore, #tpu.memory_space<semaphore_mem>> -> memref<1x!tpu.dma_semaphore, #tpu.memory_space<semaphore_mem>>
      %dma_wait3A_1468 = tpu.memref_squeeze %dma_wait3A_1467 : memref<1x!tpu.dma_semaphore, #tpu.memory_space<semaphore_mem>> -> memref<!tpu.dma_semaphore, #tpu.memory_space<semaphore_mem>>
      tpu.wait_indirect_dma semaphore(%dma_wait3A_1468 : memref<!tpu.dma_semaphore, #tpu.memory_space<semaphore_mem>>) src(%dma_wait3A_1466 : memref<10240x32xf32, #tpu.memory_space<vmem_shared>>) dst(%dma_wait3A_1462 : memref<80x32xf32, #tpu.memory_space<vmem>>)
      %mul3A_1469 = arith.constant 80 : i32
      %mul3A_1470 = arith.muli %add3A_1454, %mul3A_1469 : i32
      %multiple_of3A_1471 = tpu.assume_multiple %mul3A_1470, 8 : i32
      %dma_start3A_1472 = arith.constant 3 : i32
      %dma_start3A_1473 = arith.constant 3 : i32
      %dma_start3A_1474 = arith.constant 0 : i32
      %dma_start3A_1475 = arith.constant 0 : i32
      %dma_start3A_1476 = tpu.memref_slice %arg7[%dma_start3A_1472, %dma_start3A_1474, %dma_start3A_1475] : memref<10x80x32xf32, #tpu.memory_space<vmem>> -> memref<1x80x32xf32, #tpu.memory_space<vmem>>
      %dma_start3A_1477 = tpu.memref_squeeze %dma_start3A_1476 : memref<1x80x32xf32, #tpu.memory_space<vmem>> -> memref<80x32xf32, #tpu.memory_space<vmem>>
      %dma_start3A_1478 = tpu.memref_slice %arg6[%multiple_of3A_1471] : memref<10000xi32, #tpu.memory_space<vmem>> -> memref<80xi32, #tpu.memory_space<vmem>>
      %dma_start3A_1479 = arith.constant 0 : i32
      %dma_start3A_1480 = arith.constant 0 : i32
      %dma_start3A_1481 = tpu.memref_slice %arg9[%dma_start3A_1479, %dma_start3A_1480] : memref<10240x32xf32, #tpu.memory_space<vmem_shared>> -> memref<10240x32xf32, #tpu.memory_space<vmem_shared>>
      %dma_start3A_1482 = tpu.memref_slice %arg12[%dma_start3A_1473] : memref<10x!tpu.dma_semaphore, #tpu.memory_space<semaphore_mem>> -> memref<1x!tpu.dma_semaphore, #tpu.memory_space<semaphore_mem>>
      %dma_start3A_1483 = tpu.memref_squeeze %dma_start3A_1482 : memref<1x!tpu.dma_semaphore, #tpu.memory_space<semaphore_mem>> -> memref<!tpu.dma_semaphore, #tpu.memory_space<semaphore_mem>>
      tpu.enqueue_indirect_dma source(%dma_start3A_1477 : memref<80x32xf32, #tpu.memory_space<vmem>>) target(%dma_start3A_1481 : memref<10240x32xf32, #tpu.memory_space<vmem_shared>>) offsets(%dma_start3A_1478 : memref<80xi32, #tpu.memory_space<vmem>>) semaphore(%dma_start3A_1483 : memref<!tpu.dma_semaphore, #tpu.memory_space<semaphore_mem>>) {add = true}
      %multiple_of3A_1484 = arith.constant 0 : i32
      %multiple_of3A_1485 = tpu.assume_multiple %multiple_of3A_1484, 8 : i32
      %dma_wait3A_1486 = arith.constant 8 : i32
      %dma_wait3A_1487 = arith.constant 8 : i32
      %dma_wait3A_1488 = arith.constant 0 : i32
      %dma_wait3A_1489 = arith.constant 0 : i32
      %dma_wait3A_1490 = tpu.memref_slice %arg7[%dma_wait3A_1486, %dma_wait3A_1488, %dma_wait3A_1489] : memref<10x80x32xf32, #tpu.memory_space<vmem>> -> memref<1x80x32xf32, #tpu.memory_space<vmem>>
      %dma_wait3A_1491 = tpu.memref_squeeze %dma_wait3A_1490 : memref<1x80x32xf32, #tpu.memory_space<vmem>> -> memref<80x32xf32, #tpu.memory_space<vmem>>
      %dma_wait3A_1492 = tpu.memref_slice %arg6[%multiple_of3A_1485] : memref<10000xi32, #tpu.memory_space<vmem>> -> memref<80xi32, #tpu.memory_space<vmem>>
      %dma_wait3A_1493 = arith.constant 0 : i32
      %dma_wait3A_1494 = arith.constant 0 : i32
      %dma_wait3A_1495 = tpu.memref_slice %arg9[%dma_wait3A_1493, %dma_wait3A_1494] : memref<10240x32xf32, #tpu.memory_space<vmem_shared>> -> memref<10240x32xf32, #tpu.memory_space<vmem_shared>>
      %dma_wait3A_1496 = tpu.memref_slice %arg12[%dma_wait3A_1487] : memref<10x!tpu.dma_semaphore, #tpu.memory_space<semaphore_mem>> -> memref<1x!tpu.dma_semaphore, #tpu.memory_space<semaphore_mem>>
      %dma_wait3A_1497 = tpu.memref_squeeze %dma_wait3A_1496 : memref<1x!tpu.dma_semaphore, #tpu.memory_space<semaphore_mem>> -> memref<!tpu.dma_semaphore, #tpu.memory_space<semaphore_mem>>
      tpu.wait_indirect_dma semaphore(%dma_wait3A_1497 : memref<!tpu.dma_semaphore, #tpu.memory_space<semaphore_mem>>) src(%dma_wait3A_1491 : memref<80x32xf32, #tpu.memory_space<vmem>>) dst(%dma_wait3A_1495 : memref<10240x32xf32, #tpu.memory_space<vmem_shared>>)
      %add3A_1498 = arith.constant 5 : i32
      %add3A_1499 = arith.addi %add3A_1454, %add3A_1498 : i32
      %mul3A_1500 = arith.constant 80 : i32
      %mul3A_1501 = arith.muli %add3A_1499, %mul3A_1500 : i32
      %multiple_of3A_1502 = tpu.assume_multiple %mul3A_1501, 8 : i32
      %dma_start3A_1503 = arith.constant 8 : i32
      %dma_start3A_1504 = arith.constant 8 : i32
      %dma_start3A_1505 = arith.constant 0 : i32
      %dma_start3A_1506 = arith.constant 0 : i32
      %dma_start3A_1507 = tpu.memref_slice %arg7[%dma_start3A_1503, %dma_start3A_1505, %dma_start3A_1506] : memref<10x80x32xf32, #tpu.memory_space<vmem>> -> memref<1x80x32xf32, #tpu.memory_space<vmem>>
      %dma_start3A_1508 = tpu.memref_squeeze %dma_start3A_1507 : memref<1x80x32xf32, #tpu.memory_space<vmem>> -> memref<80x32xf32, #tpu.memory_space<vmem>>
      %dma_start3A_1509 = tpu.memref_slice %arg5[%multiple_of3A_1502] : memref<10000xi32, #tpu.memory_space<vmem>> -> memref<80xi32, #tpu.memory_space<vmem>>
      %dma_start3A_1510 = arith.constant 0 : i32
      %dma_start3A_1511 = arith.constant 0 : i32
      %dma_start3A_1512 = tpu.memref_slice %arg10[%dma_start3A_1510, %dma_start3A_1511] : memref<10240x32xf32, #tpu.memory_space<vmem_shared>> -> memref<10240x32xf32, #tpu.memory_space<vmem_shared>>
      %dma_start3A_1513 = tpu.memref_slice %arg11[%dma_start3A_1504] : memref<10x!tpu.dma_semaphore, #tpu.memory_space<semaphore_mem>> -> memref<1x!tpu.dma_semaphore, #tpu.memory_space<semaphore_mem>>
      %dma_start3A_1514 = tpu.memref_squeeze %dma_start3A_1513 : memref<1x!tpu.dma_semaphore, #tpu.memory_space<semaphore_mem>> -> memref<!tpu.dma_semaphore, #tpu.memory_space<semaphore_mem>>
      tpu.enqueue_indirect_dma source(%dma_start3A_1512 : memref<10240x32xf32, #tpu.memory_space<vmem_shared>>) target(%dma_start3A_1508 : memref<80x32xf32, #tpu.memory_space<vmem>>) offsets(%dma_start3A_1509 : memref<80xi32, #tpu.memory_space<vmem>>) semaphore(%dma_start3A_1514 : memref<!tpu.dma_semaphore, #tpu.memory_space<semaphore_mem>>)
      %mul3A_1515 = arith.constant 10 : i32
      %mul3A_1516 = arith.muli %scan3A_920, %mul3A_1515 : i32
      %add3A_1517 = arith.constant 5 : i32
      %add3A_1518 = arith.addi %add3A_1517, %mul3A_1516 : i32
      %add3A_1519 = arith.constant 9 : i32
      %add3A_1520 = arith.addi %add3A_1518, %add3A_1519 : i32
      %multiple_of3A_1521 = arith.constant 0 : i32
      %multiple_of3A_1522 = tpu.assume_multiple %multiple_of3A_1521, 8 : i32
      %dma_wait3A_1523 = arith.constant 4 : i32
      %dma_wait3A_1524 = arith.constant 4 : i32
      %dma_wait3A_1525 = arith.constant 0 : i32
      %dma_wait3A_1526 = arith.constant 0 : i32
      %dma_wait3A_1527 = tpu.memref_slice %arg7[%dma_wait3A_1523, %dma_wait3A_1525, %dma_wait3A_1526] : memref<10x80x32xf32, #tpu.memory_space<vmem>> -> memref<1x80x32xf32, #tpu.memory_space<vmem>>
      %dma_wait3A_1528 = tpu.memref_squeeze %dma_wait3A_1527 : memref<1x80x32xf32, #tpu.memory_space<vmem>> -> memref<80x32xf32, #tpu.memory_space<vmem>>
      %dma_wait3A_1529 = tpu.memref_slice %arg5[%multiple_of3A_1522] : memref<10000xi32, #tpu.memory_space<vmem>> -> memref<80xi32, #tpu.memory_space<vmem>>
      %dma_wait3A_1530 = arith.constant 0 : i32
      %dma_wait3A_1531 = arith.constant 0 : i32
      %dma_wait3A_1532 = tpu.memref_slice %arg10[%dma_wait3A_1530, %dma_wait3A_1531] : memref<10240x32xf32, #tpu.memory_space<vmem_shared>> -> memref<10240x32xf32, #tpu.memory_space<vmem_shared>>
      %dma_wait3A_1533 = tpu.memref_slice %arg11[%dma_wait3A_1524] : memref<10x!tpu.dma_semaphore, #tpu.memory_space<semaphore_mem>> -> memref<1x!tpu.dma_semaphore, #tpu.memory_space<semaphore_mem>>
      %dma_wait3A_1534 = tpu.memref_squeeze %dma_wait3A_1533 : memref<1x!tpu.dma_semaphore, #tpu.memory_space<semaphore_mem>> -> memref<!tpu.dma_semaphore, #tpu.memory_space<semaphore_mem>>
      tpu.wait_indirect_dma semaphore(%dma_wait3A_1534 : memref<!tpu.dma_semaphore, #tpu.memory_space<semaphore_mem>>) src(%dma_wait3A_1532 : memref<10240x32xf32, #tpu.memory_space<vmem_shared>>) dst(%dma_wait3A_1528 : memref<80x32xf32, #tpu.memory_space<vmem>>)
      %mul3A_1535 = arith.constant 80 : i32
      %mul3A_1536 = arith.muli %add3A_1520, %mul3A_1535 : i32
      %multiple_of3A_1537 = tpu.assume_multiple %mul3A_1536, 8 : i32
      %dma_start3A_1538 = arith.constant 4 : i32
      %dma_start3A_1539 = arith.constant 4 : i32
      %dma_start3A_1540 = arith.constant 0 : i32
      %dma_start3A_1541 = arith.constant 0 : i32
      %dma_start3A_1542 = tpu.memref_slice %arg7[%dma_start3A_1538, %dma_start3A_1540, %dma_start3A_1541] : memref<10x80x32xf32, #tpu.memory_space<vmem>> -> memref<1x80x32xf32, #tpu.memory_space<vmem>>
      %dma_start3A_1543 = tpu.memref_squeeze %dma_start3A_1542 : memref<1x80x32xf32, #tpu.memory_space<vmem>> -> memref<80x32xf32, #tpu.memory_space<vmem>>
      %dma_start3A_1544 = tpu.memref_slice %arg6[%multiple_of3A_1537] : memref<10000xi32, #tpu.memory_space<vmem>> -> memref<80xi32, #tpu.memory_space<vmem>>
      %dma_start3A_1545 = arith.constant 0 : i32
      %dma_start3A_1546 = arith.constant 0 : i32
      %dma_start3A_1547 = tpu.memref_slice %arg9[%dma_start3A_1545, %dma_start3A_1546] : memref<10240x32xf32, #tpu.memory_space<vmem_shared>> -> memref<10240x32xf32, #tpu.memory_space<vmem_shared>>
      %dma_start3A_1548 = tpu.memref_slice %arg12[%dma_start3A_1539] : memref<10x!tpu.dma_semaphore, #tpu.memory_space<semaphore_mem>> -> memref<1x!tpu.dma_semaphore, #tpu.memory_space<semaphore_mem>>
      %dma_start3A_1549 = tpu.memref_squeeze %dma_start3A_1548 : memref<1x!tpu.dma_semaphore, #tpu.memory_space<semaphore_mem>> -> memref<!tpu.dma_semaphore, #tpu.memory_space<semaphore_mem>>
      tpu.enqueue_indirect_dma source(%dma_start3A_1543 : memref<80x32xf32, #tpu.memory_space<vmem>>) target(%dma_start3A_1547 : memref<10240x32xf32, #tpu.memory_space<vmem_shared>>) offsets(%dma_start3A_1544 : memref<80xi32, #tpu.memory_space<vmem>>) semaphore(%dma_start3A_1549 : memref<!tpu.dma_semaphore, #tpu.memory_space<semaphore_mem>>) {add = true}
      %multiple_of3A_1550 = arith.constant 0 : i32
      %multiple_of3A_1551 = tpu.assume_multiple %multiple_of3A_1550, 8 : i32
      %dma_wait3A_1552 = arith.constant 9 : i32
      %dma_wait3A_1553 = arith.constant 9 : i32
      %dma_wait3A_1554 = arith.constant 0 : i32
      %dma_wait3A_1555 = arith.constant 0 : i32
      %dma_wait3A_1556 = tpu.memref_slice %arg7[%dma_wait3A_1552, %dma_wait3A_1554, %dma_wait3A_1555] : memref<10x80x32xf32, #tpu.memory_space<vmem>> -> memref<1x80x32xf32, #tpu.memory_space<vmem>>
      %dma_wait3A_1557 = tpu.memref_squeeze %dma_wait3A_1556 : memref<1x80x32xf32, #tpu.memory_space<vmem>> -> memref<80x32xf32, #tpu.memory_space<vmem>>
      %dma_wait3A_1558 = tpu.memref_slice %arg6[%multiple_of3A_1551] : memref<10000xi32, #tpu.memory_space<vmem>> -> memref<80xi32, #tpu.memory_space<vmem>>
      %dma_wait3A_1559 = arith.constant 0 : i32
      %dma_wait3A_1560 = arith.constant 0 : i32
      %dma_wait3A_1561 = tpu.memref_slice %arg9[%dma_wait3A_1559, %dma_wait3A_1560] : memref<10240x32xf32, #tpu.memory_space<vmem_shared>> -> memref<10240x32xf32, #tpu.memory_space<vmem_shared>>
      %dma_wait3A_1562 = tpu.memref_slice %arg12[%dma_wait3A_1553] : memref<10x!tpu.dma_semaphore, #tpu.memory_space<semaphore_mem>> -> memref<1x!tpu.dma_semaphore, #tpu.memory_space<semaphore_mem>>
      %dma_wait3A_1563 = tpu.memref_squeeze %dma_wait3A_1562 : memref<1x!tpu.dma_semaphore, #tpu.memory_space<semaphore_mem>> -> memref<!tpu.dma_semaphore, #tpu.memory_space<semaphore_mem>>
      tpu.wait_indirect_dma semaphore(%dma_wait3A_1563 : memref<!tpu.dma_semaphore, #tpu.memory_space<semaphore_mem>>) src(%dma_wait3A_1557 : memref<80x32xf32, #tpu.memory_space<vmem>>) dst(%dma_wait3A_1561 : memref<10240x32xf32, #tpu.memory_space<vmem_shared>>)
      %add3A_1564 = arith.constant 5 : i32
      %add3A_1565 = arith.addi %add3A_1520, %add3A_1564 : i32
      %mul3A_1566 = arith.constant 80 : i32
      %mul3A_1567 = arith.muli %add3A_1565, %mul3A_1566 : i32
      %multiple_of3A_1568 = tpu.assume_multiple %mul3A_1567, 8 : i32
      %dma_start3A_1569 = arith.constant 9 : i32
      %dma_start3A_1570 = arith.constant 9 : i32
      %dma_start3A_1571 = arith.constant 0 : i32
      %dma_start3A_1572 = arith.constant 0 : i32
      %dma_start3A_1573 = tpu.memref_slice %arg7[%dma_start3A_1569, %dma_start3A_1571, %dma_start3A_1572] : memref<10x80x32xf32, #tpu.memory_space<vmem>> -> memref<1x80x32xf32, #tpu.memory_space<vmem>>
      %dma_start3A_1574 = tpu.memref_squeeze %dma_start3A_1573 : memref<1x80x32xf32, #tpu.memory_space<vmem>> -> memref<80x32xf32, #tpu.memory_space<vmem>>
      %dma_start3A_1575 = tpu.memref_slice %arg5[%multiple_of3A_1568] : memref<10000xi32, #tpu.memory_space<vmem>> -> memref<80xi32, #tpu.memory_space<vmem>>
      %dma_start3A_1576 = arith.constant 0 : i32
      %dma_start3A_1577 = arith.constant 0 : i32
      %dma_start3A_1578 = tpu.memref_slice %arg10[%dma_start3A_1576, %dma_start3A_1577] : memref<10240x32xf32, #tpu.memory_space<vmem_shared>> -> memref<10240x32xf32, #tpu.memory_space<vmem_shared>>
      %dma_start3A_1579 = tpu.memref_slice %arg11[%dma_start3A_1570] : memref<10x!tpu.dma_semaphore, #tpu.memory_space<semaphore_mem>> -> memref<1x!tpu.dma_semaphore, #tpu.memory_space<semaphore_mem>>
      %dma_start3A_1580 = tpu.memref_squeeze %dma_start3A_1579 : memref<1x!tpu.dma_semaphore, #tpu.memory_space<semaphore_mem>> -> memref<!tpu.dma_semaphore, #tpu.memory_space<semaphore_mem>>
      tpu.enqueue_indirect_dma source(%dma_start3A_1578 : memref<10240x32xf32, #tpu.memory_space<vmem_shared>>) target(%dma_start3A_1574 : memref<80x32xf32, #tpu.memory_space<vmem>>) offsets(%dma_start3A_1575 : memref<80xi32, #tpu.memory_space<vmem>>) semaphore(%dma_start3A_1580 : memref<!tpu.dma_semaphore, #tpu.memory_space<semaphore_mem>>)
    }
    %scan3A_354 = arith.constant 11 : i32
    %multiple_of3A_355 = arith.constant 0 : i32
    %multiple_of3A_356 = tpu.assume_multiple %multiple_of3A_355, 8 : i32
    %dma_wait3A_357 = arith.constant 5 : i32
    %dma_wait3A_358 = arith.constant 5 : i32
    %dma_wait3A_359 = arith.constant 0 : i32
    %dma_wait3A_360 = arith.constant 0 : i32
    %dma_wait3A_361 = tpu.memref_slice %arg7[%dma_wait3A_357, %dma_wait3A_359, %dma_wait3A_360] : memref<10x80x32xf32, #tpu.memory_space<vmem>> -> memref<1x80x32xf32, #tpu.memory_space<vmem>>
    %dma_wait3A_362 = tpu.memref_squeeze %dma_wait3A_361 : memref<1x80x32xf32, #tpu.memory_space<vmem>> -> memref<80x32xf32, #tpu.memory_space<vmem>>
    %dma_wait3A_363 = tpu.memref_slice %arg5[%multiple_of3A_356] : memref<10000xi32, #tpu.memory_space<vmem>> -> memref<80xi32, #tpu.memory_space<vmem>>
    %dma_wait3A_364 = arith.constant 0 : i32
    %dma_wait3A_365 = arith.constant 0 : i32
    %dma_wait3A_366 = tpu.memref_slice %arg10[%dma_wait3A_364, %dma_wait3A_365] : memref<10240x32xf32, #tpu.memory_space<vmem_shared>> -> memref<10240x32xf32, #tpu.memory_space<vmem_shared>>
    %dma_wait3A_367 = tpu.memref_slice %arg11[%dma_wait3A_358] : memref<10x!tpu.dma_semaphore, #tpu.memory_space<semaphore_mem>> -> memref<1x!tpu.dma_semaphore, #tpu.memory_space<semaphore_mem>>
    %dma_wait3A_368 = tpu.memref_squeeze %dma_wait3A_367 : memref<1x!tpu.dma_semaphore, #tpu.memory_space<semaphore_mem>> -> memref<!tpu.dma_semaphore, #tpu.memory_space<semaphore_mem>>
    tpu.wait_indirect_dma semaphore(%dma_wait3A_368 : memref<!tpu.dma_semaphore, #tpu.memory_space<semaphore_mem>>) src(%dma_wait3A_366 : memref<10240x32xf32, #tpu.memory_space<vmem_shared>>) dst(%dma_wait3A_362 : memref<80x32xf32, #tpu.memory_space<vmem>>)
    %multiple_of3A_369 = arith.constant 9200 : i32
    %multiple_of3A_370 = tpu.assume_multiple %multiple_of3A_369, 8 : i32
    %dma_start3A_371 = arith.constant 5 : i32
    %dma_start3A_372 = arith.constant 5 : i32
    %dma_start3A_373 = arith.constant 0 : i32
    %dma_start3A_374 = arith.constant 0 : i32
    %dma_start3A_375 = tpu.memref_slice %arg7[%dma_start3A_371, %dma_start3A_373, %dma_start3A_374] : memref<10x80x32xf32, #tpu.memory_space<vmem>> -> memref<1x80x32xf32, #tpu.memory_space<vmem>>
    %dma_start3A_376 = tpu.memref_squeeze %dma_start3A_375 : memref<1x80x32xf32, #tpu.memory_space<vmem>> -> memref<80x32xf32, #tpu.memory_space<vmem>>
    %dma_start3A_377 = tpu.memref_slice %arg6[%multiple_of3A_370] : memref<10000xi32, #tpu.memory_space<vmem>> -> memref<80xi32, #tpu.memory_space<vmem>>
    %dma_start3A_378 = arith.constant 0 : i32
    %dma_start3A_379 = arith.constant 0 : i32
    %dma_start3A_380 = tpu.memref_slice %arg9[%dma_start3A_378, %dma_start3A_379] : memref<10240x32xf32, #tpu.memory_space<vmem_shared>> -> memref<10240x32xf32, #tpu.memory_space<vmem_shared>>
    %dma_start3A_381 = tpu.memref_slice %arg12[%dma_start3A_372] : memref<10x!tpu.dma_semaphore, #tpu.memory_space<semaphore_mem>> -> memref<1x!tpu.dma_semaphore, #tpu.memory_space<semaphore_mem>>
    %dma_start3A_382 = tpu.memref_squeeze %dma_start3A_381 : memref<1x!tpu.dma_semaphore, #tpu.memory_space<semaphore_mem>> -> memref<!tpu.dma_semaphore, #tpu.memory_space<semaphore_mem>>
    tpu.enqueue_indirect_dma source(%dma_start3A_376 : memref<80x32xf32, #tpu.memory_space<vmem>>) target(%dma_start3A_380 : memref<10240x32xf32, #tpu.memory_space<vmem_shared>>) offsets(%dma_start3A_377 : memref<80xi32, #tpu.memory_space<vmem>>) semaphore(%dma_start3A_382 : memref<!tpu.dma_semaphore, #tpu.memory_space<semaphore_mem>>) {add = true}
    %multiple_of3A_383 = arith.constant 0 : i32
    %multiple_of3A_384 = tpu.assume_multiple %multiple_of3A_383, 8 : i32
    %dma_wait3A_385 = arith.constant 0 : i32
    %dma_wait3A_386 = arith.constant 0 : i32
    %dma_wait3A_387 = arith.constant 0 : i32
    %dma_wait3A_388 = arith.constant 0 : i32
    %dma_wait3A_389 = tpu.memref_slice %arg7[%dma_wait3A_385, %dma_wait3A_387, %dma_wait3A_388] : memref<10x80x32xf32, #tpu.memory_space<vmem>> -> memref<1x80x32xf32, #tpu.memory_space<vmem>>
    %dma_wait3A_390 = tpu.memref_squeeze %dma_wait3A_389 : memref<1x80x32xf32, #tpu.memory_space<vmem>> -> memref<80x32xf32, #tpu.memory_space<vmem>>
    %dma_wait3A_391 = tpu.memref_slice %arg6[%multiple_of3A_384] : memref<10000xi32, #tpu.memory_space<vmem>> -> memref<80xi32, #tpu.memory_space<vmem>>
    %dma_wait3A_392 = arith.constant 0 : i32
    %dma_wait3A_393 = arith.constant 0 : i32
    %dma_wait3A_394 = tpu.memref_slice %arg9[%dma_wait3A_392, %dma_wait3A_393] : memref<10240x32xf32, #tpu.memory_space<vmem_shared>> -> memref<10240x32xf32, #tpu.memory_space<vmem_shared>>
    %dma_wait3A_395 = tpu.memref_slice %arg12[%dma_wait3A_386] : memref<10x!tpu.dma_semaphore, #tpu.memory_space<semaphore_mem>> -> memref<1x!tpu.dma_semaphore, #tpu.memory_space<semaphore_mem>>
    %dma_wait3A_396 = tpu.memref_squeeze %dma_wait3A_395 : memref<1x!tpu.dma_semaphore, #tpu.memory_space<semaphore_mem>> -> memref<!tpu.dma_semaphore, #tpu.memory_space<semaphore_mem>>
    tpu.wait_indirect_dma semaphore(%dma_wait3A_396 : memref<!tpu.dma_semaphore, #tpu.memory_space<semaphore_mem>>) src(%dma_wait3A_390 : memref<80x32xf32, #tpu.memory_space<vmem>>) dst(%dma_wait3A_394 : memref<10240x32xf32, #tpu.memory_space<vmem_shared>>)
    %multiple_of3A_397 = arith.constant 9600 : i32
    %multiple_of3A_398 = tpu.assume_multiple %multiple_of3A_397, 8 : i32
    %dma_start3A_399 = arith.constant 0 : i32
    %dma_start3A_400 = arith.constant 0 : i32
    %dma_start3A_401 = arith.constant 0 : i32
    %dma_start3A_402 = arith.constant 0 : i32
    %dma_start3A_403 = tpu.memref_slice %arg7[%dma_start3A_399, %dma_start3A_401, %dma_start3A_402] : memref<10x80x32xf32, #tpu.memory_space<vmem>> -> memref<1x80x32xf32, #tpu.memory_space<vmem>>
    %dma_start3A_404 = tpu.memref_squeeze %dma_start3A_403 : memref<1x80x32xf32, #tpu.memory_space<vmem>> -> memref<80x32xf32, #tpu.memory_space<vmem>>
    %dma_start3A_405 = tpu.memref_slice %arg5[%multiple_of3A_398] : memref<10000xi32, #tpu.memory_space<vmem>> -> memref<80xi32, #tpu.memory_space<vmem>>
    %dma_start3A_406 = arith.constant 0 : i32
    %dma_start3A_407 = arith.constant 0 : i32
    %dma_start3A_408 = tpu.memref_slice %arg10[%dma_start3A_406, %dma_start3A_407] : memref<10240x32xf32, #tpu.memory_space<vmem_shared>> -> memref<10240x32xf32, #tpu.memory_space<vmem_shared>>
    %dma_start3A_409 = tpu.memref_slice %arg11[%dma_start3A_400] : memref<10x!tpu.dma_semaphore, #tpu.memory_space<semaphore_mem>> -> memref<1x!tpu.dma_semaphore, #tpu.memory_space<semaphore_mem>>
    %dma_start3A_410 = tpu.memref_squeeze %dma_start3A_409 : memref<1x!tpu.dma_semaphore, #tpu.memory_space<semaphore_mem>> -> memref<!tpu.dma_semaphore, #tpu.memory_space<semaphore_mem>>
    tpu.enqueue_indirect_dma source(%dma_start3A_408 : memref<10240x32xf32, #tpu.memory_space<vmem_shared>>) target(%dma_start3A_404 : memref<80x32xf32, #tpu.memory_space<vmem>>) offsets(%dma_start3A_405 : memref<80xi32, #tpu.memory_space<vmem>>) semaphore(%dma_start3A_410 : memref<!tpu.dma_semaphore, #tpu.memory_space<semaphore_mem>>)
    %multiple_of3A_411 = arith.constant 0 : i32
    %multiple_of3A_412 = tpu.assume_multiple %multiple_of3A_411, 8 : i32
    %dma_wait3A_413 = arith.constant 6 : i32
    %dma_wait3A_414 = arith.constant 6 : i32
    %dma_wait3A_415 = arith.constant 0 : i32
    %dma_wait3A_416 = arith.constant 0 : i32
    %dma_wait3A_417 = tpu.memref_slice %arg7[%dma_wait3A_413, %dma_wait3A_415, %dma_wait3A_416] : memref<10x80x32xf32, #tpu.memory_space<vmem>> -> memref<1x80x32xf32, #tpu.memory_space<vmem>>
    %dma_wait3A_418 = tpu.memref_squeeze %dma_wait3A_417 : memref<1x80x32xf32, #tpu.memory_space<vmem>> -> memref<80x32xf32, #tpu.memory_space<vmem>>
    %dma_wait3A_419 = tpu.memref_slice %arg5[%multiple_of3A_412] : memref<10000xi32, #tpu.memory_space<vmem>> -> memref<80xi32, #tpu.memory_space<vmem>>
    %dma_wait3A_420 = arith.constant 0 : i32
    %dma_wait3A_421 = arith.constant 0 : i32
    %dma_wait3A_422 = tpu.memref_slice %arg10[%dma_wait3A_420, %dma_wait3A_421] : memref<10240x32xf32, #tpu.memory_space<vmem_shared>> -> memref<10240x32xf32, #tpu.memory_space<vmem_shared>>
    %dma_wait3A_423 = tpu.memref_slice %arg11[%dma_wait3A_414] : memref<10x!tpu.dma_semaphore, #tpu.memory_space<semaphore_mem>> -> memref<1x!tpu.dma_semaphore, #tpu.memory_space<semaphore_mem>>
    %dma_wait3A_424 = tpu.memref_squeeze %dma_wait3A_423 : memref<1x!tpu.dma_semaphore, #tpu.memory_space<semaphore_mem>> -> memref<!tpu.dma_semaphore, #tpu.memory_space<semaphore_mem>>
    tpu.wait_indirect_dma semaphore(%dma_wait3A_424 : memref<!tpu.dma_semaphore, #tpu.memory_space<semaphore_mem>>) src(%dma_wait3A_422 : memref<10240x32xf32, #tpu.memory_space<vmem_shared>>) dst(%dma_wait3A_418 : memref<80x32xf32, #tpu.memory_space<vmem>>)
    %multiple_of3A_425 = arith.constant 9280 : i32
    %multiple_of3A_426 = tpu.assume_multiple %multiple_of3A_425, 8 : i32
    %dma_start3A_427 = arith.constant 6 : i32
    %dma_start3A_428 = arith.constant 6 : i32
    %dma_start3A_429 = arith.constant 0 : i32
    %dma_start3A_430 = arith.constant 0 : i32
    %dma_start3A_431 = tpu.memref_slice %arg7[%dma_start3A_427, %dma_start3A_429, %dma_start3A_430] : memref<10x80x32xf32, #tpu.memory_space<vmem>> -> memref<1x80x32xf32, #tpu.memory_space<vmem>>
    %dma_start3A_432 = tpu.memref_squeeze %dma_start3A_431 : memref<1x80x32xf32, #tpu.memory_space<vmem>> -> memref<80x32xf32, #tpu.memory_space<vmem>>
    %dma_start3A_433 = tpu.memref_slice %arg6[%multiple_of3A_426] : memref<10000xi32, #tpu.memory_space<vmem>> -> memref<80xi32, #tpu.memory_space<vmem>>
    %dma_start3A_434 = arith.constant 0 : i32
    %dma_start3A_435 = arith.constant 0 : i32
    %dma_start3A_436 = tpu.memref_slice %arg9[%dma_start3A_434, %dma_start3A_435] : memref<10240x32xf32, #tpu.memory_space<vmem_shared>> -> memref<10240x32xf32, #tpu.memory_space<vmem_shared>>
    %dma_start3A_437 = tpu.memref_slice %arg12[%dma_start3A_428] : memref<10x!tpu.dma_semaphore, #tpu.memory_space<semaphore_mem>> -> memref<1x!tpu.dma_semaphore, #tpu.memory_space<semaphore_mem>>
    %dma_start3A_438 = tpu.memref_squeeze %dma_start3A_437 : memref<1x!tpu.dma_semaphore, #tpu.memory_space<semaphore_mem>> -> memref<!tpu.dma_semaphore, #tpu.memory_space<semaphore_mem>>
    tpu.enqueue_indirect_dma source(%dma_start3A_432 : memref<80x32xf32, #tpu.memory_space<vmem>>) target(%dma_start3A_436 : memref<10240x32xf32, #tpu.memory_space<vmem_shared>>) offsets(%dma_start3A_433 : memref<80xi32, #tpu.memory_space<vmem>>) semaphore(%dma_start3A_438 : memref<!tpu.dma_semaphore, #tpu.memory_space<semaphore_mem>>) {add = true}
    %multiple_of3A_439 = arith.constant 0 : i32
    %multiple_of3A_440 = tpu.assume_multiple %multiple_of3A_439, 8 : i32
    %dma_wait3A_441 = arith.constant 1 : i32
    %dma_wait3A_442 = arith.constant 1 : i32
    %dma_wait3A_443 = arith.constant 0 : i32
    %dma_wait3A_444 = arith.constant 0 : i32
    %dma_wait3A_445 = tpu.memref_slice %arg7[%dma_wait3A_441, %dma_wait3A_443, %dma_wait3A_444] : memref<10x80x32xf32, #tpu.memory_space<vmem>> -> memref<1x80x32xf32, #tpu.memory_space<vmem>>
    %dma_wait3A_446 = tpu.memref_squeeze %dma_wait3A_445 : memref<1x80x32xf32, #tpu.memory_space<vmem>> -> memref<80x32xf32, #tpu.memory_space<vmem>>
    %dma_wait3A_447 = tpu.memref_slice %arg6[%multiple_of3A_440] : memref<10000xi32, #tpu.memory_space<vmem>> -> memref<80xi32, #tpu.memory_space<vmem>>
    %dma_wait3A_448 = arith.constant 0 : i32
    %dma_wait3A_449 = arith.constant 0 : i32
    %dma_wait3A_450 = tpu.memref_slice %arg9[%dma_wait3A_448, %dma_wait3A_449] : memref<10240x32xf32, #tpu.memory_space<vmem_shared>> -> memref<10240x32xf32, #tpu.memory_space<vmem_shared>>
    %dma_wait3A_451 = tpu.memref_slice %arg12[%dma_wait3A_442] : memref<10x!tpu.dma_semaphore, #tpu.memory_space<semaphore_mem>> -> memref<1x!tpu.dma_semaphore, #tpu.memory_space<semaphore_mem>>
    %dma_wait3A_452 = tpu.memref_squeeze %dma_wait3A_451 : memref<1x!tpu.dma_semaphore, #tpu.memory_space<semaphore_mem>> -> memref<!tpu.dma_semaphore, #tpu.memory_space<semaphore_mem>>
    tpu.wait_indirect_dma semaphore(%dma_wait3A_452 : memref<!tpu.dma_semaphore, #tpu.memory_space<semaphore_mem>>) src(%dma_wait3A_446 : memref<80x32xf32, #tpu.memory_space<vmem>>) dst(%dma_wait3A_450 : memref<10240x32xf32, #tpu.memory_space<vmem_shared>>)
    %multiple_of3A_453 = arith.constant 9680 : i32
    %multiple_of3A_454 = tpu.assume_multiple %multiple_of3A_453, 8 : i32
    %dma_start3A_455 = arith.constant 1 : i32
    %dma_start3A_456 = arith.constant 1 : i32
    %dma_start3A_457 = arith.constant 0 : i32
    %dma_start3A_458 = arith.constant 0 : i32
    %dma_start3A_459 = tpu.memref_slice %arg7[%dma_start3A_455, %dma_start3A_457, %dma_start3A_458] : memref<10x80x32xf32, #tpu.memory_space<vmem>> -> memref<1x80x32xf32, #tpu.memory_space<vmem>>
    %dma_start3A_460 = tpu.memref_squeeze %dma_start3A_459 : memref<1x80x32xf32, #tpu.memory_space<vmem>> -> memref<80x32xf32, #tpu.memory_space<vmem>>
    %dma_start3A_461 = tpu.memref_slice %arg5[%multiple_of3A_454] : memref<10000xi32, #tpu.memory_space<vmem>> -> memref<80xi32, #tpu.memory_space<vmem>>
    %dma_start3A_462 = arith.constant 0 : i32
    %dma_start3A_463 = arith.constant 0 : i32
    %dma_start3A_464 = tpu.memref_slice %arg10[%dma_start3A_462, %dma_start3A_463] : memref<10240x32xf32, #tpu.memory_space<vmem_shared>> -> memref<10240x32xf32, #tpu.memory_space<vmem_shared>>
    %dma_start3A_465 = tpu.memref_slice %arg11[%dma_start3A_456] : memref<10x!tpu.dma_semaphore, #tpu.memory_space<semaphore_mem>> -> memref<1x!tpu.dma_semaphore, #tpu.memory_space<semaphore_mem>>
    %dma_start3A_466 = tpu.memref_squeeze %dma_start3A_465 : memref<1x!tpu.dma_semaphore, #tpu.memory_space<semaphore_mem>> -> memref<!tpu.dma_semaphore, #tpu.memory_space<semaphore_mem>>
    tpu.enqueue_indirect_dma source(%dma_start3A_464 : memref<10240x32xf32, #tpu.memory_space<vmem_shared>>) target(%dma_start3A_460 : memref<80x32xf32, #tpu.memory_space<vmem>>) offsets(%dma_start3A_461 : memref<80xi32, #tpu.memory_space<vmem>>) semaphore(%dma_start3A_466 : memref<!tpu.dma_semaphore, #tpu.memory_space<semaphore_mem>>)
    %multiple_of3A_467 = arith.constant 0 : i32
    %multiple_of3A_468 = tpu.assume_multiple %multiple_of3A_467, 8 : i32
    %dma_wait3A_469 = arith.constant 7 : i32
    %dma_wait3A_470 = arith.constant 7 : i32
    %dma_wait3A_471 = arith.constant 0 : i32
    %dma_wait3A_472 = arith.constant 0 : i32
    %dma_wait3A_473 = tpu.memref_slice %arg7[%dma_wait3A_469, %dma_wait3A_471, %dma_wait3A_472] : memref<10x80x32xf32, #tpu.memory_space<vmem>> -> memref<1x80x32xf32, #tpu.memory_space<vmem>>
    %dma_wait3A_474 = tpu.memref_squeeze %dma_wait3A_473 : memref<1x80x32xf32, #tpu.memory_space<vmem>> -> memref<80x32xf32, #tpu.memory_space<vmem>>
    %dma_wait3A_475 = tpu.memref_slice %arg5[%multiple_of3A_468] : memref<10000xi32, #tpu.memory_space<vmem>> -> memref<80xi32, #tpu.memory_space<vmem>>
    %dma_wait3A_476 = arith.constant 0 : i32
    %dma_wait3A_477 = arith.constant 0 : i32
    %dma_wait3A_478 = tpu.memref_slice %arg10[%dma_wait3A_476, %dma_wait3A_477] : memref<10240x32xf32, #tpu.memory_space<vmem_shared>> -> memref<10240x32xf32, #tpu.memory_space<vmem_shared>>
    %dma_wait3A_479 = tpu.memref_slice %arg11[%dma_wait3A_470] : memref<10x!tpu.dma_semaphore, #tpu.memory_space<semaphore_mem>> -> memref<1x!tpu.dma_semaphore, #tpu.memory_space<semaphore_mem>>
    %dma_wait3A_480 = tpu.memref_squeeze %dma_wait3A_479 : memref<1x!tpu.dma_semaphore, #tpu.memory_space<semaphore_mem>> -> memref<!tpu.dma_semaphore, #tpu.memory_space<semaphore_mem>>
    tpu.wait_indirect_dma semaphore(%dma_wait3A_480 : memref<!tpu.dma_semaphore, #tpu.memory_space<semaphore_mem>>) src(%dma_wait3A_478 : memref<10240x32xf32, #tpu.memory_space<vmem_shared>>) dst(%dma_wait3A_474 : memref<80x32xf32, #tpu.memory_space<vmem>>)
    %multiple_of3A_481 = arith.constant 9360 : i32
    %multiple_of3A_482 = tpu.assume_multiple %multiple_of3A_481, 8 : i32
    %dma_start3A_483 = arith.constant 7 : i32
    %dma_start3A_484 = arith.constant 7 : i32
    %dma_start3A_485 = arith.constant 0 : i32
    %dma_start3A_486 = arith.constant 0 : i32
    %dma_start3A_487 = tpu.memref_slice %arg7[%dma_start3A_483, %dma_start3A_485, %dma_start3A_486] : memref<10x80x32xf32, #tpu.memory_space<vmem>> -> memref<1x80x32xf32, #tpu.memory_space<vmem>>
    %dma_start3A_488 = tpu.memref_squeeze %dma_start3A_487 : memref<1x80x32xf32, #tpu.memory_space<vmem>> -> memref<80x32xf32, #tpu.memory_space<vmem>>
    %dma_start3A_489 = tpu.memref_slice %arg6[%multiple_of3A_482] : memref<10000xi32, #tpu.memory_space<vmem>> -> memref<80xi32, #tpu.memory_space<vmem>>
    %dma_start3A_490 = arith.constant 0 : i32
    %dma_start3A_491 = arith.constant 0 : i32
    %dma_start3A_492 = tpu.memref_slice %arg9[%dma_start3A_490, %dma_start3A_491] : memref<10240x32xf32, #tpu.memory_space<vmem_shared>> -> memref<10240x32xf32, #tpu.memory_space<vmem_shared>>
    %dma_start3A_493 = tpu.memref_slice %arg12[%dma_start3A_484] : memref<10x!tpu.dma_semaphore, #tpu.memory_space<semaphore_mem>> -> memref<1x!tpu.dma_semaphore, #tpu.memory_space<semaphore_mem>>
    %dma_start3A_494 = tpu.memref_squeeze %dma_start3A_493 : memref<1x!tpu.dma_semaphore, #tpu.memory_space<semaphore_mem>> -> memref<!tpu.dma_semaphore, #tpu.memory_space<semaphore_mem>>
    tpu.enqueue_indirect_dma source(%dma_start3A_488 : memref<80x32xf32, #tpu.memory_space<vmem>>) target(%dma_start3A_492 : memref<10240x32xf32, #tpu.memory_space<vmem_shared>>) offsets(%dma_start3A_489 : memref<80xi32, #tpu.memory_space<vmem>>) semaphore(%dma_start3A_494 : memref<!tpu.dma_semaphore, #tpu.memory_space<semaphore_mem>>) {add = true}
    %multiple_of3A_495 = arith.constant 0 : i32
    %multiple_of3A_496 = tpu.assume_multiple %multiple_of3A_495, 8 : i32
    %dma_wait3A_497 = arith.constant 2 : i32
    %dma_wait3A_498 = arith.constant 2 : i32
    %dma_wait3A_499 = arith.constant 0 : i32
    %dma_wait3A_500 = arith.constant 0 : i32
    %dma_wait3A_501 = tpu.memref_slice %arg7[%dma_wait3A_497, %dma_wait3A_499, %dma_wait3A_500] : memref<10x80x32xf32, #tpu.memory_space<vmem>> -> memref<1x80x32xf32, #tpu.memory_space<vmem>>
    %dma_wait3A_502 = tpu.memref_squeeze %dma_wait3A_501 : memref<1x80x32xf32, #tpu.memory_space<vmem>> -> memref<80x32xf32, #tpu.memory_space<vmem>>
    %dma_wait3A_503 = tpu.memref_slice %arg6[%multiple_of3A_496] : memref<10000xi32, #tpu.memory_space<vmem>> -> memref<80xi32, #tpu.memory_space<vmem>>
    %dma_wait3A_504 = arith.constant 0 : i32
    %dma_wait3A_505 = arith.constant 0 : i32
    %dma_wait3A_506 = tpu.memref_slice %arg9[%dma_wait3A_504, %dma_wait3A_505] : memref<10240x32xf32, #tpu.memory_space<vmem_shared>> -> memref<10240x32xf32, #tpu.memory_space<vmem_shared>>
    %dma_wait3A_507 = tpu.memref_slice %arg12[%dma_wait3A_498] : memref<10x!tpu.dma_semaphore, #tpu.memory_space<semaphore_mem>> -> memref<1x!tpu.dma_semaphore, #tpu.memory_space<semaphore_mem>>
    %dma_wait3A_508 = tpu.memref_squeeze %dma_wait3A_507 : memref<1x!tpu.dma_semaphore, #tpu.memory_space<semaphore_mem>> -> memref<!tpu.dma_semaphore, #tpu.memory_space<semaphore_mem>>
    tpu.wait_indirect_dma semaphore(%dma_wait3A_508 : memref<!tpu.dma_semaphore, #tpu.memory_space<semaphore_mem>>) src(%dma_wait3A_502 : memref<80x32xf32, #tpu.memory_space<vmem>>) dst(%dma_wait3A_506 : memref<10240x32xf32, #tpu.memory_space<vmem_shared>>)
    %multiple_of3A_509 = arith.constant 9760 : i32
    %multiple_of3A_510 = tpu.assume_multiple %multiple_of3A_509, 8 : i32
    %dma_start3A_511 = arith.constant 2 : i32
    %dma_start3A_512 = arith.constant 2 : i32
    %dma_start3A_513 = arith.constant 0 : i32
    %dma_start3A_514 = arith.constant 0 : i32
    %dma_start3A_515 = tpu.memref_slice %arg7[%dma_start3A_511, %dma_start3A_513, %dma_start3A_514] : memref<10x80x32xf32, #tpu.memory_space<vmem>> -> memref<1x80x32xf32, #tpu.memory_space<vmem>>
    %dma_start3A_516 = tpu.memref_squeeze %dma_start3A_515 : memref<1x80x32xf32, #tpu.memory_space<vmem>> -> memref<80x32xf32, #tpu.memory_space<vmem>>
    %dma_start3A_517 = tpu.memref_slice %arg5[%multiple_of3A_510] : memref<10000xi32, #tpu.memory_space<vmem>> -> memref<80xi32, #tpu.memory_space<vmem>>
    %dma_start3A_518 = arith.constant 0 : i32
    %dma_start3A_519 = arith.constant 0 : i32
    %dma_start3A_520 = tpu.memref_slice %arg10[%dma_start3A_518, %dma_start3A_519] : memref<10240x32xf32, #tpu.memory_space<vmem_shared>> -> memref<10240x32xf32, #tpu.memory_space<vmem_shared>>
    %dma_start3A_521 = tpu.memref_slice %arg11[%dma_start3A_512] : memref<10x!tpu.dma_semaphore, #tpu.memory_space<semaphore_mem>> -> memref<1x!tpu.dma_semaphore, #tpu.memory_space<semaphore_mem>>
    %dma_start3A_522 = tpu.memref_squeeze %dma_start3A_521 : memref<1x!tpu.dma_semaphore, #tpu.memory_space<semaphore_mem>> -> memref<!tpu.dma_semaphore, #tpu.memory_space<semaphore_mem>>
    tpu.enqueue_indirect_dma source(%dma_start3A_520 : memref<10240x32xf32, #tpu.memory_space<vmem_shared>>) target(%dma_start3A_516 : memref<80x32xf32, #tpu.memory_space<vmem>>) offsets(%dma_start3A_517 : memref<80xi32, #tpu.memory_space<vmem>>) semaphore(%dma_start3A_522 : memref<!tpu.dma_semaphore, #tpu.memory_space<semaphore_mem>>)
    %multiple_of3A_523 = arith.constant 0 : i32
    %multiple_of3A_524 = tpu.assume_multiple %multiple_of3A_523, 8 : i32
    %dma_wait3A_525 = arith.constant 8 : i32
    %dma_wait3A_526 = arith.constant 8 : i32
    %dma_wait3A_527 = arith.constant 0 : i32
    %dma_wait3A_528 = arith.constant 0 : i32
    %dma_wait3A_529 = tpu.memref_slice %arg7[%dma_wait3A_525, %dma_wait3A_527, %dma_wait3A_528] : memref<10x80x32xf32, #tpu.memory_space<vmem>> -> memref<1x80x32xf32, #tpu.memory_space<vmem>>
    %dma_wait3A_530 = tpu.memref_squeeze %dma_wait3A_529 : memref<1x80x32xf32, #tpu.memory_space<vmem>> -> memref<80x32xf32, #tpu.memory_space<vmem>>
    %dma_wait3A_531 = tpu.memref_slice %arg5[%multiple_of3A_524] : memref<10000xi32, #tpu.memory_space<vmem>> -> memref<80xi32, #tpu.memory_space<vmem>>
    %dma_wait3A_532 = arith.constant 0 : i32
    %dma_wait3A_533 = arith.constant 0 : i32
    %dma_wait3A_534 = tpu.memref_slice %arg10[%dma_wait3A_532, %dma_wait3A_533] : memref<10240x32xf32, #tpu.memory_space<vmem_shared>> -> memref<10240x32xf32, #tpu.memory_space<vmem_shared>>
    %dma_wait3A_535 = tpu.memref_slice %arg11[%dma_wait3A_526] : memref<10x!tpu.dma_semaphore, #tpu.memory_space<semaphore_mem>> -> memref<1x!tpu.dma_semaphore, #tpu.memory_space<semaphore_mem>>
    %dma_wait3A_536 = tpu.memref_squeeze %dma_wait3A_535 : memref<1x!tpu.dma_semaphore, #tpu.memory_space<semaphore_mem>> -> memref<!tpu.dma_semaphore, #tpu.memory_space<semaphore_mem>>
    tpu.wait_indirect_dma semaphore(%dma_wait3A_536 : memref<!tpu.dma_semaphore, #tpu.memory_space<semaphore_mem>>) src(%dma_wait3A_534 : memref<10240x32xf32, #tpu.memory_space<vmem_shared>>) dst(%dma_wait3A_530 : memref<80x32xf32, #tpu.memory_space<vmem>>)
    %multiple_of3A_537 = arith.constant 9440 : i32
    %multiple_of3A_538 = tpu.assume_multiple %multiple_of3A_537, 8 : i32
    %dma_start3A_539 = arith.constant 8 : i32
    %dma_start3A_540 = arith.constant 8 : i32
    %dma_start3A_541 = arith.constant 0 : i32
    %dma_start3A_542 = arith.constant 0 : i32
    %dma_start3A_543 = tpu.memref_slice %arg7[%dma_start3A_539, %dma_start3A_541, %dma_start3A_542] : memref<10x80x32xf32, #tpu.memory_space<vmem>> -> memref<1x80x32xf32, #tpu.memory_space<vmem>>
    %dma_start3A_544 = tpu.memref_squeeze %dma_start3A_543 : memref<1x80x32xf32, #tpu.memory_space<vmem>> -> memref<80x32xf32, #tpu.memory_space<vmem>>
    %dma_start3A_545 = tpu.memref_slice %arg6[%multiple_of3A_538] : memref<10000xi32, #tpu.memory_space<vmem>> -> memref<80xi32, #tpu.memory_space<vmem>>
    %dma_start3A_546 = arith.constant 0 : i32
    %dma_start3A_547 = arith.constant 0 : i32
    %dma_start3A_548 = tpu.memref_slice %arg9[%dma_start3A_546, %dma_start3A_547] : memref<10240x32xf32, #tpu.memory_space<vmem_shared>> -> memref<10240x32xf32, #tpu.memory_space<vmem_shared>>
    %dma_start3A_549 = tpu.memref_slice %arg12[%dma_start3A_540] : memref<10x!tpu.dma_semaphore, #tpu.memory_space<semaphore_mem>> -> memref<1x!tpu.dma_semaphore, #tpu.memory_space<semaphore_mem>>
    %dma_start3A_550 = tpu.memref_squeeze %dma_start3A_549 : memref<1x!tpu.dma_semaphore, #tpu.memory_space<semaphore_mem>> -> memref<!tpu.dma_semaphore, #tpu.memory_space<semaphore_mem>>
    tpu.enqueue_indirect_dma source(%dma_start3A_544 : memref<80x32xf32, #tpu.memory_space<vmem>>) target(%dma_start3A_548 : memref<10240x32xf32, #tpu.memory_space<vmem_shared>>) offsets(%dma_start3A_545 : memref<80xi32, #tpu.memory_space<vmem>>) semaphore(%dma_start3A_550 : memref<!tpu.dma_semaphore, #tpu.memory_space<semaphore_mem>>) {add = true}
    %multiple_of3A_551 = arith.constant 0 : i32
    %multiple_of3A_552 = tpu.assume_multiple %multiple_of3A_551, 8 : i32
    %dma_wait3A_553 = arith.constant 3 : i32
    %dma_wait3A_554 = arith.constant 3 : i32
    %dma_wait3A_555 = arith.constant 0 : i32
    %dma_wait3A_556 = arith.constant 0 : i32
    %dma_wait3A_557 = tpu.memref_slice %arg7[%dma_wait3A_553, %dma_wait3A_555, %dma_wait3A_556] : memref<10x80x32xf32, #tpu.memory_space<vmem>> -> memref<1x80x32xf32, #tpu.memory_space<vmem>>
    %dma_wait3A_558 = tpu.memref_squeeze %dma_wait3A_557 : memref<1x80x32xf32, #tpu.memory_space<vmem>> -> memref<80x32xf32, #tpu.memory_space<vmem>>
    %dma_wait3A_559 = tpu.memref_slice %arg6[%multiple_of3A_552] : memref<10000xi32, #tpu.memory_space<vmem>> -> memref<80xi32, #tpu.memory_space<vmem>>
    %dma_wait3A_560 = arith.constant 0 : i32
    %dma_wait3A_561 = arith.constant 0 : i32
    %dma_wait3A_562 = tpu.memref_slice %arg9[%dma_wait3A_560, %dma_wait3A_561] : memref<10240x32xf32, #tpu.memory_space<vmem_shared>> -> memref<10240x32xf32, #tpu.memory_space<vmem_shared>>
    %dma_wait3A_563 = tpu.memref_slice %arg12[%dma_wait3A_554] : memref<10x!tpu.dma_semaphore, #tpu.memory_space<semaphore_mem>> -> memref<1x!tpu.dma_semaphore, #tpu.memory_space<semaphore_mem>>
    %dma_wait3A_564 = tpu.memref_squeeze %dma_wait3A_563 : memref<1x!tpu.dma_semaphore, #tpu.memory_space<semaphore_mem>> -> memref<!tpu.dma_semaphore, #tpu.memory_space<semaphore_mem>>
    tpu.wait_indirect_dma semaphore(%dma_wait3A_564 : memref<!tpu.dma_semaphore, #tpu.memory_space<semaphore_mem>>) src(%dma_wait3A_558 : memref<80x32xf32, #tpu.memory_space<vmem>>) dst(%dma_wait3A_562 : memref<10240x32xf32, #tpu.memory_space<vmem_shared>>)
    %multiple_of3A_565 = arith.constant 9840 : i32
    %multiple_of3A_566 = tpu.assume_multiple %multiple_of3A_565, 8 : i32
    %dma_start3A_567 = arith.constant 3 : i32
    %dma_start3A_568 = arith.constant 3 : i32
    %dma_start3A_569 = arith.constant 0 : i32
    %dma_start3A_570 = arith.constant 0 : i32
    %dma_start3A_571 = tpu.memref_slice %arg7[%dma_start3A_567, %dma_start3A_569, %dma_start3A_570] : memref<10x80x32xf32, #tpu.memory_space<vmem>> -> memref<1x80x32xf32, #tpu.memory_space<vmem>>
    %dma_start3A_572 = tpu.memref_squeeze %dma_start3A_571 : memref<1x80x32xf32, #tpu.memory_space<vmem>> -> memref<80x32xf32, #tpu.memory_space<vmem>>
    %dma_start3A_573 = tpu.memref_slice %arg5[%multiple_of3A_566] : memref<10000xi32, #tpu.memory_space<vmem>> -> memref<80xi32, #tpu.memory_space<vmem>>
    %dma_start3A_574 = arith.constant 0 : i32
    %dma_start3A_575 = arith.constant 0 : i32
    %dma_start3A_576 = tpu.memref_slice %arg10[%dma_start3A_574, %dma_start3A_575] : memref<10240x32xf32, #tpu.memory_space<vmem_shared>> -> memref<10240x32xf32, #tpu.memory_space<vmem_shared>>
    %dma_start3A_577 = tpu.memref_slice %arg11[%dma_start3A_568] : memref<10x!tpu.dma_semaphore, #tpu.memory_space<semaphore_mem>> -> memref<1x!tpu.dma_semaphore, #tpu.memory_space<semaphore_mem>>
    %dma_start3A_578 = tpu.memref_squeeze %dma_start3A_577 : memref<1x!tpu.dma_semaphore, #tpu.memory_space<semaphore_mem>> -> memref<!tpu.dma_semaphore, #tpu.memory_space<semaphore_mem>>
    tpu.enqueue_indirect_dma source(%dma_start3A_576 : memref<10240x32xf32, #tpu.memory_space<vmem_shared>>) target(%dma_start3A_572 : memref<80x32xf32, #tpu.memory_space<vmem>>) offsets(%dma_start3A_573 : memref<80xi32, #tpu.memory_space<vmem>>) semaphore(%dma_start3A_578 : memref<!tpu.dma_semaphore, #tpu.memory_space<semaphore_mem>>)
    %multiple_of3A_579 = arith.constant 0 : i32
    %multiple_of3A_580 = tpu.assume_multiple %multiple_of3A_579, 8 : i32
    %dma_wait3A_581 = arith.constant 9 : i32
    %dma_wait3A_582 = arith.constant 9 : i32
    %dma_wait3A_583 = arith.constant 0 : i32
    %dma_wait3A_584 = arith.constant 0 : i32
    %dma_wait3A_585 = tpu.memref_slice %arg7[%dma_wait3A_581, %dma_wait3A_583, %dma_wait3A_584] : memref<10x80x32xf32, #tpu.memory_space<vmem>> -> memref<1x80x32xf32, #tpu.memory_space<vmem>>
    %dma_wait3A_586 = tpu.memref_squeeze %dma_wait3A_585 : memref<1x80x32xf32, #tpu.memory_space<vmem>> -> memref<80x32xf32, #tpu.memory_space<vmem>>
    %dma_wait3A_587 = tpu.memref_slice %arg5[%multiple_of3A_580] : memref<10000xi32, #tpu.memory_space<vmem>> -> memref<80xi32, #tpu.memory_space<vmem>>
    %dma_wait3A_588 = arith.constant 0 : i32
    %dma_wait3A_589 = arith.constant 0 : i32
    %dma_wait3A_590 = tpu.memref_slice %arg10[%dma_wait3A_588, %dma_wait3A_589] : memref<10240x32xf32, #tpu.memory_space<vmem_shared>> -> memref<10240x32xf32, #tpu.memory_space<vmem_shared>>
    %dma_wait3A_591 = tpu.memref_slice %arg11[%dma_wait3A_582] : memref<10x!tpu.dma_semaphore, #tpu.memory_space<semaphore_mem>> -> memref<1x!tpu.dma_semaphore, #tpu.memory_space<semaphore_mem>>
    %dma_wait3A_592 = tpu.memref_squeeze %dma_wait3A_591 : memref<1x!tpu.dma_semaphore, #tpu.memory_space<semaphore_mem>> -> memref<!tpu.dma_semaphore, #tpu.memory_space<semaphore_mem>>
    tpu.wait_indirect_dma semaphore(%dma_wait3A_592 : memref<!tpu.dma_semaphore, #tpu.memory_space<semaphore_mem>>) src(%dma_wait3A_590 : memref<10240x32xf32, #tpu.memory_space<vmem_shared>>) dst(%dma_wait3A_586 : memref<80x32xf32, #tpu.memory_space<vmem>>)
    %multiple_of3A_593 = arith.constant 9520 : i32
    %multiple_of3A_594 = tpu.assume_multiple %multiple_of3A_593, 8 : i32
    %dma_start3A_595 = arith.constant 9 : i32
    %dma_start3A_596 = arith.constant 9 : i32
    %dma_start3A_597 = arith.constant 0 : i32
    %dma_start3A_598 = arith.constant 0 : i32
    %dma_start3A_599 = tpu.memref_slice %arg7[%dma_start3A_595, %dma_start3A_597, %dma_start3A_598] : memref<10x80x32xf32, #tpu.memory_space<vmem>> -> memref<1x80x32xf32, #tpu.memory_space<vmem>>
    %dma_start3A_600 = tpu.memref_squeeze %dma_start3A_599 : memref<1x80x32xf32, #tpu.memory_space<vmem>> -> memref<80x32xf32, #tpu.memory_space<vmem>>
    %dma_start3A_601 = tpu.memref_slice %arg6[%multiple_of3A_594] : memref<10000xi32, #tpu.memory_space<vmem>> -> memref<80xi32, #tpu.memory_space<vmem>>
    %dma_start3A_602 = arith.constant 0 : i32
    %dma_start3A_603 = arith.constant 0 : i32
    %dma_start3A_604 = tpu.memref_slice %arg9[%dma_start3A_602, %dma_start3A_603] : memref<10240x32xf32, #tpu.memory_space<vmem_shared>> -> memref<10240x32xf32, #tpu.memory_space<vmem_shared>>
    %dma_start3A_605 = tpu.memref_slice %arg12[%dma_start3A_596] : memref<10x!tpu.dma_semaphore, #tpu.memory_space<semaphore_mem>> -> memref<1x!tpu.dma_semaphore, #tpu.memory_space<semaphore_mem>>
    %dma_start3A_606 = tpu.memref_squeeze %dma_start3A_605 : memref<1x!tpu.dma_semaphore, #tpu.memory_space<semaphore_mem>> -> memref<!tpu.dma_semaphore, #tpu.memory_space<semaphore_mem>>
    tpu.enqueue_indirect_dma source(%dma_start3A_600 : memref<80x32xf32, #tpu.memory_space<vmem>>) target(%dma_start3A_604 : memref<10240x32xf32, #tpu.memory_space<vmem_shared>>) offsets(%dma_start3A_601 : memref<80xi32, #tpu.memory_space<vmem>>) semaphore(%dma_start3A_606 : memref<!tpu.dma_semaphore, #tpu.memory_space<semaphore_mem>>) {add = true}
    %multiple_of3A_607 = arith.constant 0 : i32
    %multiple_of3A_608 = tpu.assume_multiple %multiple_of3A_607, 8 : i32
    %dma_wait3A_609 = arith.constant 4 : i32
    %dma_wait3A_610 = arith.constant 4 : i32
    %dma_wait3A_611 = arith.constant 0 : i32
    %dma_wait3A_612 = arith.constant 0 : i32
    %dma_wait3A_613 = tpu.memref_slice %arg7[%dma_wait3A_609, %dma_wait3A_611, %dma_wait3A_612] : memref<10x80x32xf32, #tpu.memory_space<vmem>> -> memref<1x80x32xf32, #tpu.memory_space<vmem>>
    %dma_wait3A_614 = tpu.memref_squeeze %dma_wait3A_613 : memref<1x80x32xf32, #tpu.memory_space<vmem>> -> memref<80x32xf32, #tpu.memory_space<vmem>>
    %dma_wait3A_615 = tpu.memref_slice %arg6[%multiple_of3A_608] : memref<10000xi32, #tpu.memory_space<vmem>> -> memref<80xi32, #tpu.memory_space<vmem>>
    %dma_wait3A_616 = arith.constant 0 : i32
    %dma_wait3A_617 = arith.constant 0 : i32
    %dma_wait3A_618 = tpu.memref_slice %arg9[%dma_wait3A_616, %dma_wait3A_617] : memref<10240x32xf32, #tpu.memory_space<vmem_shared>> -> memref<10240x32xf32, #tpu.memory_space<vmem_shared>>
    %dma_wait3A_619 = tpu.memref_slice %arg12[%dma_wait3A_610] : memref<10x!tpu.dma_semaphore, #tpu.memory_space<semaphore_mem>> -> memref<1x!tpu.dma_semaphore, #tpu.memory_space<semaphore_mem>>
    %dma_wait3A_620 = tpu.memref_squeeze %dma_wait3A_619 : memref<1x!tpu.dma_semaphore, #tpu.memory_space<semaphore_mem>> -> memref<!tpu.dma_semaphore, #tpu.memory_space<semaphore_mem>>
    tpu.wait_indirect_dma semaphore(%dma_wait3A_620 : memref<!tpu.dma_semaphore, #tpu.memory_space<semaphore_mem>>) src(%dma_wait3A_614 : memref<80x32xf32, #tpu.memory_space<vmem>>) dst(%dma_wait3A_618 : memref<10240x32xf32, #tpu.memory_space<vmem_shared>>)
    %multiple_of3A_621 = arith.constant 9920 : i32
    %multiple_of3A_622 = tpu.assume_multiple %multiple_of3A_621, 8 : i32
    %dma_start3A_623 = arith.constant 4 : i32
    %dma_start3A_624 = arith.constant 4 : i32
    %dma_start3A_625 = arith.constant 0 : i32
    %dma_start3A_626 = arith.constant 0 : i32
    %dma_start3A_627 = tpu.memref_slice %arg7[%dma_start3A_623, %dma_start3A_625, %dma_start3A_626] : memref<10x80x32xf32, #tpu.memory_space<vmem>> -> memref<1x80x32xf32, #tpu.memory_space<vmem>>
    %dma_start3A_628 = tpu.memref_squeeze %dma_start3A_627 : memref<1x80x32xf32, #tpu.memory_space<vmem>> -> memref<80x32xf32, #tpu.memory_space<vmem>>
    %dma_start3A_629 = tpu.memref_slice %arg5[%multiple_of3A_622] : memref<10000xi32, #tpu.memory_space<vmem>> -> memref<80xi32, #tpu.memory_space<vmem>>
    %dma_start3A_630 = arith.constant 0 : i32
    %dma_start3A_631 = arith.constant 0 : i32
    %dma_start3A_632 = tpu.memref_slice %arg10[%dma_start3A_630, %dma_start3A_631] : memref<10240x32xf32, #tpu.memory_space<vmem_shared>> -> memref<10240x32xf32, #tpu.memory_space<vmem_shared>>
    %dma_start3A_633 = tpu.memref_slice %arg11[%dma_start3A_624] : memref<10x!tpu.dma_semaphore, #tpu.memory_space<semaphore_mem>> -> memref<1x!tpu.dma_semaphore, #tpu.memory_space<semaphore_mem>>
    %dma_start3A_634 = tpu.memref_squeeze %dma_start3A_633 : memref<1x!tpu.dma_semaphore, #tpu.memory_space<semaphore_mem>> -> memref<!tpu.dma_semaphore, #tpu.memory_space<semaphore_mem>>
    tpu.enqueue_indirect_dma source(%dma_start3A_632 : memref<10240x32xf32, #tpu.memory_space<vmem_shared>>) target(%dma_start3A_628 : memref<80x32xf32, #tpu.memory_space<vmem>>) offsets(%dma_start3A_629 : memref<80xi32, #tpu.memory_space<vmem>>) semaphore(%dma_start3A_634 : memref<!tpu.dma_semaphore, #tpu.memory_space<semaphore_mem>>)
    %multiple_of3A_635 = arith.constant 0 : i32
    %multiple_of3A_636 = tpu.assume_multiple %multiple_of3A_635, 8 : i32
    %dma_wait3A_637 = arith.constant 0 : i32
    %dma_wait3A_638 = arith.constant 0 : i32
    %dma_wait3A_639 = arith.constant 0 : i32
    %dma_wait3A_640 = arith.constant 0 : i32
    %dma_wait3A_641 = tpu.memref_slice %arg7[%dma_wait3A_637, %dma_wait3A_639, %dma_wait3A_640] : memref<10x80x32xf32, #tpu.memory_space<vmem>> -> memref<1x80x32xf32, #tpu.memory_space<vmem>>
    %dma_wait3A_642 = tpu.memref_squeeze %dma_wait3A_641 : memref<1x80x32xf32, #tpu.memory_space<vmem>> -> memref<80x32xf32, #tpu.memory_space<vmem>>
    %dma_wait3A_643 = tpu.memref_slice %arg5[%multiple_of3A_636] : memref<10000xi32, #tpu.memory_space<vmem>> -> memref<80xi32, #tpu.memory_space<vmem>>
    %dma_wait3A_644 = arith.constant 0 : i32
    %dma_wait3A_645 = arith.constant 0 : i32
    %dma_wait3A_646 = tpu.memref_slice %arg10[%dma_wait3A_644, %dma_wait3A_645] : memref<10240x32xf32, #tpu.memory_space<vmem_shared>> -> memref<10240x32xf32, #tpu.memory_space<vmem_shared>>
    %dma_wait3A_647 = tpu.memref_slice %arg11[%dma_wait3A_638] : memref<10x!tpu.dma_semaphore, #tpu.memory_space<semaphore_mem>> -> memref<1x!tpu.dma_semaphore, #tpu.memory_space<semaphore_mem>>
    %dma_wait3A_648 = tpu.memref_squeeze %dma_wait3A_647 : memref<1x!tpu.dma_semaphore, #tpu.memory_space<semaphore_mem>> -> memref<!tpu.dma_semaphore, #tpu.memory_space<semaphore_mem>>
    tpu.wait_indirect_dma semaphore(%dma_wait3A_648 : memref<!tpu.dma_semaphore, #tpu.memory_space<semaphore_mem>>) src(%dma_wait3A_646 : memref<10240x32xf32, #tpu.memory_space<vmem_shared>>) dst(%dma_wait3A_642 : memref<80x32xf32, #tpu.memory_space<vmem>>)
    %multiple_of3A_649 = arith.constant 9600 : i32
    %multiple_of3A_650 = tpu.assume_multiple %multiple_of3A_649, 8 : i32
    %dma_start3A_651 = arith.constant 0 : i32
    %dma_start3A_652 = arith.constant 0 : i32
    %dma_start3A_653 = arith.constant 0 : i32
    %dma_start3A_654 = arith.constant 0 : i32
    %dma_start3A_655 = tpu.memref_slice %arg7[%dma_start3A_651, %dma_start3A_653, %dma_start3A_654] : memref<10x80x32xf32, #tpu.memory_space<vmem>> -> memref<1x80x32xf32, #tpu.memory_space<vmem>>
    %dma_start3A_656 = tpu.memref_squeeze %dma_start3A_655 : memref<1x80x32xf32, #tpu.memory_space<vmem>> -> memref<80x32xf32, #tpu.memory_space<vmem>>
    %dma_start3A_657 = tpu.memref_slice %arg6[%multiple_of3A_650] : memref<10000xi32, #tpu.memory_space<vmem>> -> memref<80xi32, #tpu.memory_space<vmem>>
    %dma_start3A_658 = arith.constant 0 : i32
    %dma_start3A_659 = arith.constant 0 : i32
    %dma_start3A_660 = tpu.memref_slice %arg9[%dma_start3A_658, %dma_start3A_659] : memref<10240x32xf32, #tpu.memory_space<vmem_shared>> -> memref<10240x32xf32, #tpu.memory_space<vmem_shared>>
    %dma_start3A_661 = tpu.memref_slice %arg12[%dma_start3A_652] : memref<10x!tpu.dma_semaphore, #tpu.memory_space<semaphore_mem>> -> memref<1x!tpu.dma_semaphore, #tpu.memory_space<semaphore_mem>>
    %dma_start3A_662 = tpu.memref_squeeze %dma_start3A_661 : memref<1x!tpu.dma_semaphore, #tpu.memory_space<semaphore_mem>> -> memref<!tpu.dma_semaphore, #tpu.memory_space<semaphore_mem>>
    tpu.enqueue_indirect_dma source(%dma_start3A_656 : memref<80x32xf32, #tpu.memory_space<vmem>>) target(%dma_start3A_660 : memref<10240x32xf32, #tpu.memory_space<vmem_shared>>) offsets(%dma_start3A_657 : memref<80xi32, #tpu.memory_space<vmem>>) semaphore(%dma_start3A_662 : memref<!tpu.dma_semaphore, #tpu.memory_space<semaphore_mem>>) {add = true}
    %multiple_of3A_663 = arith.constant 0 : i32
    %multiple_of3A_664 = tpu.assume_multiple %multiple_of3A_663, 8 : i32
    %dma_wait3A_665 = arith.constant 1 : i32
    %dma_wait3A_666 = arith.constant 1 : i32
    %dma_wait3A_667 = arith.constant 0 : i32
    %dma_wait3A_668 = arith.constant 0 : i32
    %dma_wait3A_669 = tpu.memref_slice %arg7[%dma_wait3A_665, %dma_wait3A_667, %dma_wait3A_668] : memref<10x80x32xf32, #tpu.memory_space<vmem>> -> memref<1x80x32xf32, #tpu.memory_space<vmem>>
    %dma_wait3A_670 = tpu.memref_squeeze %dma_wait3A_669 : memref<1x80x32xf32, #tpu.memory_space<vmem>> -> memref<80x32xf32, #tpu.memory_space<vmem>>
    %dma_wait3A_671 = tpu.memref_slice %arg5[%multiple_of3A_664] : memref<10000xi32, #tpu.memory_space<vmem>> -> memref<80xi32, #tpu.memory_space<vmem>>
    %dma_wait3A_672 = arith.constant 0 : i32
    %dma_wait3A_673 = arith.constant 0 : i32
    %dma_wait3A_674 = tpu.memref_slice %arg10[%dma_wait3A_672, %dma_wait3A_673] : memref<10240x32xf32, #tpu.memory_space<vmem_shared>> -> memref<10240x32xf32, #tpu.memory_space<vmem_shared>>
    %dma_wait3A_675 = tpu.memref_slice %arg11[%dma_wait3A_666] : memref<10x!tpu.dma_semaphore, #tpu.memory_space<semaphore_mem>> -> memref<1x!tpu.dma_semaphore, #tpu.memory_space<semaphore_mem>>
    %dma_wait3A_676 = tpu.memref_squeeze %dma_wait3A_675 : memref<1x!tpu.dma_semaphore, #tpu.memory_space<semaphore_mem>> -> memref<!tpu.dma_semaphore, #tpu.memory_space<semaphore_mem>>
    tpu.wait_indirect_dma semaphore(%dma_wait3A_676 : memref<!tpu.dma_semaphore, #tpu.memory_space<semaphore_mem>>) src(%dma_wait3A_674 : memref<10240x32xf32, #tpu.memory_space<vmem_shared>>) dst(%dma_wait3A_670 : memref<80x32xf32, #tpu.memory_space<vmem>>)
    %multiple_of3A_677 = arith.constant 9680 : i32
    %multiple_of3A_678 = tpu.assume_multiple %multiple_of3A_677, 8 : i32
    %dma_start3A_679 = arith.constant 1 : i32
    %dma_start3A_680 = arith.constant 1 : i32
    %dma_start3A_681 = arith.constant 0 : i32
    %dma_start3A_682 = arith.constant 0 : i32
    %dma_start3A_683 = tpu.memref_slice %arg7[%dma_start3A_679, %dma_start3A_681, %dma_start3A_682] : memref<10x80x32xf32, #tpu.memory_space<vmem>> -> memref<1x80x32xf32, #tpu.memory_space<vmem>>
    %dma_start3A_684 = tpu.memref_squeeze %dma_start3A_683 : memref<1x80x32xf32, #tpu.memory_space<vmem>> -> memref<80x32xf32, #tpu.memory_space<vmem>>
    %dma_start3A_685 = tpu.memref_slice %arg6[%multiple_of3A_678] : memref<10000xi32, #tpu.memory_space<vmem>> -> memref<80xi32, #tpu.memory_space<vmem>>
    %dma_start3A_686 = arith.constant 0 : i32
    %dma_start3A_687 = arith.constant 0 : i32
    %dma_start3A_688 = tpu.memref_slice %arg9[%dma_start3A_686, %dma_start3A_687] : memref<10240x32xf32, #tpu.memory_space<vmem_shared>> -> memref<10240x32xf32, #tpu.memory_space<vmem_shared>>
    %dma_start3A_689 = tpu.memref_slice %arg12[%dma_start3A_680] : memref<10x!tpu.dma_semaphore, #tpu.memory_space<semaphore_mem>> -> memref<1x!tpu.dma_semaphore, #tpu.memory_space<semaphore_mem>>
    %dma_start3A_690 = tpu.memref_squeeze %dma_start3A_689 : memref<1x!tpu.dma_semaphore, #tpu.memory_space<semaphore_mem>> -> memref<!tpu.dma_semaphore, #tpu.memory_space<semaphore_mem>>
    tpu.enqueue_indirect_dma source(%dma_start3A_684 : memref<80x32xf32, #tpu.memory_space<vmem>>) target(%dma_start3A_688 : memref<10240x32xf32, #tpu.memory_space<vmem_shared>>) offsets(%dma_start3A_685 : memref<80xi32, #tpu.memory_space<vmem>>) semaphore(%dma_start3A_690 : memref<!tpu.dma_semaphore, #tpu.memory_space<semaphore_mem>>) {add = true}
    %multiple_of3A_691 = arith.constant 0 : i32
    %multiple_of3A_692 = tpu.assume_multiple %multiple_of3A_691, 8 : i32
    %dma_wait3A_693 = arith.constant 2 : i32
    %dma_wait3A_694 = arith.constant 2 : i32
    %dma_wait3A_695 = arith.constant 0 : i32
    %dma_wait3A_696 = arith.constant 0 : i32
    %dma_wait3A_697 = tpu.memref_slice %arg7[%dma_wait3A_693, %dma_wait3A_695, %dma_wait3A_696] : memref<10x80x32xf32, #tpu.memory_space<vmem>> -> memref<1x80x32xf32, #tpu.memory_space<vmem>>
    %dma_wait3A_698 = tpu.memref_squeeze %dma_wait3A_697 : memref<1x80x32xf32, #tpu.memory_space<vmem>> -> memref<80x32xf32, #tpu.memory_space<vmem>>
    %dma_wait3A_699 = tpu.memref_slice %arg5[%multiple_of3A_692] : memref<10000xi32, #tpu.memory_space<vmem>> -> memref<80xi32, #tpu.memory_space<vmem>>
    %dma_wait3A_700 = arith.constant 0 : i32
    %dma_wait3A_701 = arith.constant 0 : i32
    %dma_wait3A_702 = tpu.memref_slice %arg10[%dma_wait3A_700, %dma_wait3A_701] : memref<10240x32xf32, #tpu.memory_space<vmem_shared>> -> memref<10240x32xf32, #tpu.memory_space<vmem_shared>>
    %dma_wait3A_703 = tpu.memref_slice %arg11[%dma_wait3A_694] : memref<10x!tpu.dma_semaphore, #tpu.memory_space<semaphore_mem>> -> memref<1x!tpu.dma_semaphore, #tpu.memory_space<semaphore_mem>>
    %dma_wait3A_704 = tpu.memref_squeeze %dma_wait3A_703 : memref<1x!tpu.dma_semaphore, #tpu.memory_space<semaphore_mem>> -> memref<!tpu.dma_semaphore, #tpu.memory_space<semaphore_mem>>
    tpu.wait_indirect_dma semaphore(%dma_wait3A_704 : memref<!tpu.dma_semaphore, #tpu.memory_space<semaphore_mem>>) src(%dma_wait3A_702 : memref<10240x32xf32, #tpu.memory_space<vmem_shared>>) dst(%dma_wait3A_698 : memref<80x32xf32, #tpu.memory_space<vmem>>)
    %multiple_of3A_705 = arith.constant 9760 : i32
    %multiple_of3A_706 = tpu.assume_multiple %multiple_of3A_705, 8 : i32
    %dma_start3A_707 = arith.constant 2 : i32
    %dma_start3A_708 = arith.constant 2 : i32
    %dma_start3A_709 = arith.constant 0 : i32
    %dma_start3A_710 = arith.constant 0 : i32
    %dma_start3A_711 = tpu.memref_slice %arg7[%dma_start3A_707, %dma_start3A_709, %dma_start3A_710] : memref<10x80x32xf32, #tpu.memory_space<vmem>> -> memref<1x80x32xf32, #tpu.memory_space<vmem>>
    %dma_start3A_712 = tpu.memref_squeeze %dma_start3A_711 : memref<1x80x32xf32, #tpu.memory_space<vmem>> -> memref<80x32xf32, #tpu.memory_space<vmem>>
    %dma_start3A_713 = tpu.memref_slice %arg6[%multiple_of3A_706] : memref<10000xi32, #tpu.memory_space<vmem>> -> memref<80xi32, #tpu.memory_space<vmem>>
    %dma_start3A_714 = arith.constant 0 : i32
    %dma_start3A_715 = arith.constant 0 : i32
    %dma_start3A_716 = tpu.memref_slice %arg9[%dma_start3A_714, %dma_start3A_715] : memref<10240x32xf32, #tpu.memory_space<vmem_shared>> -> memref<10240x32xf32, #tpu.memory_space<vmem_shared>>
    %dma_start3A_717 = tpu.memref_slice %arg12[%dma_start3A_708] : memref<10x!tpu.dma_semaphore, #tpu.memory_space<semaphore_mem>> -> memref<1x!tpu.dma_semaphore, #tpu.memory_space<semaphore_mem>>
    %dma_start3A_718 = tpu.memref_squeeze %dma_start3A_717 : memref<1x!tpu.dma_semaphore, #tpu.memory_space<semaphore_mem>> -> memref<!tpu.dma_semaphore, #tpu.memory_space<semaphore_mem>>
    tpu.enqueue_indirect_dma source(%dma_start3A_712 : memref<80x32xf32, #tpu.memory_space<vmem>>) target(%dma_start3A_716 : memref<10240x32xf32, #tpu.memory_space<vmem_shared>>) offsets(%dma_start3A_713 : memref<80xi32, #tpu.memory_space<vmem>>) semaphore(%dma_start3A_718 : memref<!tpu.dma_semaphore, #tpu.memory_space<semaphore_mem>>) {add = true}
    %multiple_of3A_719 = arith.constant 0 : i32
    %multiple_of3A_720 = tpu.assume_multiple %multiple_of3A_719, 8 : i32
    %dma_wait3A_721 = arith.constant 3 : i32
    %dma_wait3A_722 = arith.constant 3 : i32
    %dma_wait3A_723 = arith.constant 0 : i32
    %dma_wait3A_724 = arith.constant 0 : i32
    %dma_wait3A_725 = tpu.memref_slice %arg7[%dma_wait3A_721, %dma_wait3A_723, %dma_wait3A_724] : memref<10x80x32xf32, #tpu.memory_space<vmem>> -> memref<1x80x32xf32, #tpu.memory_space<vmem>>
    %dma_wait3A_726 = tpu.memref_squeeze %dma_wait3A_725 : memref<1x80x32xf32, #tpu.memory_space<vmem>> -> memref<80x32xf32, #tpu.memory_space<vmem>>
    %dma_wait3A_727 = tpu.memref_slice %arg5[%multiple_of3A_720] : memref<10000xi32, #tpu.memory_space<vmem>> -> memref<80xi32, #tpu.memory_space<vmem>>
    %dma_wait3A_728 = arith.constant 0 : i32
    %dma_wait3A_729 = arith.constant 0 : i32
    %dma_wait3A_730 = tpu.memref_slice %arg10[%dma_wait3A_728, %dma_wait3A_729] : memref<10240x32xf32, #tpu.memory_space<vmem_shared>> -> memref<10240x32xf32, #tpu.memory_space<vmem_shared>>
    %dma_wait3A_731 = tpu.memref_slice %arg11[%dma_wait3A_722] : memref<10x!tpu.dma_semaphore, #tpu.memory_space<semaphore_mem>> -> memref<1x!tpu.dma_semaphore, #tpu.memory_space<semaphore_mem>>
    %dma_wait3A_732 = tpu.memref_squeeze %dma_wait3A_731 : memref<1x!tpu.dma_semaphore, #tpu.memory_space<semaphore_mem>> -> memref<!tpu.dma_semaphore, #tpu.memory_space<semaphore_mem>>
    tpu.wait_indirect_dma semaphore(%dma_wait3A_732 : memref<!tpu.dma_semaphore, #tpu.memory_space<semaphore_mem>>) src(%dma_wait3A_730 : memref<10240x32xf32, #tpu.memory_space<vmem_shared>>) dst(%dma_wait3A_726 : memref<80x32xf32, #tpu.memory_space<vmem>>)
    %multiple_of3A_733 = arith.constant 9840 : i32
    %multiple_of3A_734 = tpu.assume_multiple %multiple_of3A_733, 8 : i32
    %dma_start3A_735 = arith.constant 3 : i32
    %dma_start3A_736 = arith.constant 3 : i32
    %dma_start3A_737 = arith.constant 0 : i32
    %dma_start3A_738 = arith.constant 0 : i32
    %dma_start3A_739 = tpu.memref_slice %arg7[%dma_start3A_735, %dma_start3A_737, %dma_start3A_738] : memref<10x80x32xf32, #tpu.memory_space<vmem>> -> memref<1x80x32xf32, #tpu.memory_space<vmem>>
    %dma_start3A_740 = tpu.memref_squeeze %dma_start3A_739 : memref<1x80x32xf32, #tpu.memory_space<vmem>> -> memref<80x32xf32, #tpu.memory_space<vmem>>
    %dma_start3A_741 = tpu.memref_slice %arg6[%multiple_of3A_734] : memref<10000xi32, #tpu.memory_space<vmem>> -> memref<80xi32, #tpu.memory_space<vmem>>
    %dma_start3A_742 = arith.constant 0 : i32
    %dma_start3A_743 = arith.constant 0 : i32
    %dma_start3A_744 = tpu.memref_slice %arg9[%dma_start3A_742, %dma_start3A_743] : memref<10240x32xf32, #tpu.memory_space<vmem_shared>> -> memref<10240x32xf32, #tpu.memory_space<vmem_shared>>
    %dma_start3A_745 = tpu.memref_slice %arg12[%dma_start3A_736] : memref<10x!tpu.dma_semaphore, #tpu.memory_space<semaphore_mem>> -> memref<1x!tpu.dma_semaphore, #tpu.memory_space<semaphore_mem>>
    %dma_start3A_746 = tpu.memref_squeeze %dma_start3A_745 : memref<1x!tpu.dma_semaphore, #tpu.memory_space<semaphore_mem>> -> memref<!tpu.dma_semaphore, #tpu.memory_space<semaphore_mem>>
    tpu.enqueue_indirect_dma source(%dma_start3A_740 : memref<80x32xf32, #tpu.memory_space<vmem>>) target(%dma_start3A_744 : memref<10240x32xf32, #tpu.memory_space<vmem_shared>>) offsets(%dma_start3A_741 : memref<80xi32, #tpu.memory_space<vmem>>) semaphore(%dma_start3A_746 : memref<!tpu.dma_semaphore, #tpu.memory_space<semaphore_mem>>) {add = true}
    %multiple_of3A_747 = arith.constant 0 : i32
    %multiple_of3A_748 = tpu.assume_multiple %multiple_of3A_747, 8 : i32
    %dma_wait3A_749 = arith.constant 4 : i32
    %dma_wait3A_750 = arith.constant 4 : i32
    %dma_wait3A_751 = arith.constant 0 : i32
    %dma_wait3A_752 = arith.constant 0 : i32
    %dma_wait3A_753 = tpu.memref_slice %arg7[%dma_wait3A_749, %dma_wait3A_751, %dma_wait3A_752] : memref<10x80x32xf32, #tpu.memory_space<vmem>> -> memref<1x80x32xf32, #tpu.memory_space<vmem>>
    %dma_wait3A_754 = tpu.memref_squeeze %dma_wait3A_753 : memref<1x80x32xf32, #tpu.memory_space<vmem>> -> memref<80x32xf32, #tpu.memory_space<vmem>>
    %dma_wait3A_755 = tpu.memref_slice %arg5[%multiple_of3A_748] : memref<10000xi32, #tpu.memory_space<vmem>> -> memref<80xi32, #tpu.memory_space<vmem>>
    %dma_wait3A_756 = arith.constant 0 : i32
    %dma_wait3A_757 = arith.constant 0 : i32
    %dma_wait3A_758 = tpu.memref_slice %arg10[%dma_wait3A_756, %dma_wait3A_757] : memref<10240x32xf32, #tpu.memory_space<vmem_shared>> -> memref<10240x32xf32, #tpu.memory_space<vmem_shared>>
    %dma_wait3A_759 = tpu.memref_slice %arg11[%dma_wait3A_750] : memref<10x!tpu.dma_semaphore, #tpu.memory_space<semaphore_mem>> -> memref<1x!tpu.dma_semaphore, #tpu.memory_space<semaphore_mem>>
    %dma_wait3A_760 = tpu.memref_squeeze %dma_wait3A_759 : memref<1x!tpu.dma_semaphore, #tpu.memory_space<semaphore_mem>> -> memref<!tpu.dma_semaphore, #tpu.memory_space<semaphore_mem>>
    tpu.wait_indirect_dma semaphore(%dma_wait3A_760 : memref<!tpu.dma_semaphore, #tpu.memory_space<semaphore_mem>>) src(%dma_wait3A_758 : memref<10240x32xf32, #tpu.memory_space<vmem_shared>>) dst(%dma_wait3A_754 : memref<80x32xf32, #tpu.memory_space<vmem>>)
    %multiple_of3A_761 = arith.constant 9920 : i32
    %multiple_of3A_762 = tpu.assume_multiple %multiple_of3A_761, 8 : i32
    %dma_start3A_763 = arith.constant 4 : i32
    %dma_start3A_764 = arith.constant 4 : i32
    %dma_start3A_765 = arith.constant 0 : i32
    %dma_start3A_766 = arith.constant 0 : i32
    %dma_start3A_767 = tpu.memref_slice %arg7[%dma_start3A_763, %dma_start3A_765, %dma_start3A_766] : memref<10x80x32xf32, #tpu.memory_space<vmem>> -> memref<1x80x32xf32, #tpu.memory_space<vmem>>
    %dma_start3A_768 = tpu.memref_squeeze %dma_start3A_767 : memref<1x80x32xf32, #tpu.memory_space<vmem>> -> memref<80x32xf32, #tpu.memory_space<vmem>>
    %dma_start3A_769 = tpu.memref_slice %arg6[%multiple_of3A_762] : memref<10000xi32, #tpu.memory_space<vmem>> -> memref<80xi32, #tpu.memory_space<vmem>>
    %dma_start3A_770 = arith.constant 0 : i32
    %dma_start3A_771 = arith.constant 0 : i32
    %dma_start3A_772 = tpu.memref_slice %arg9[%dma_start3A_770, %dma_start3A_771] : memref<10240x32xf32, #tpu.memory_space<vmem_shared>> -> memref<10240x32xf32, #tpu.memory_space<vmem_shared>>
    %dma_start3A_773 = tpu.memref_slice %arg12[%dma_start3A_764] : memref<10x!tpu.dma_semaphore, #tpu.memory_space<semaphore_mem>> -> memref<1x!tpu.dma_semaphore, #tpu.memory_space<semaphore_mem>>
    %dma_start3A_774 = tpu.memref_squeeze %dma_start3A_773 : memref<1x!tpu.dma_semaphore, #tpu.memory_space<semaphore_mem>> -> memref<!tpu.dma_semaphore, #tpu.memory_space<semaphore_mem>>
    tpu.enqueue_indirect_dma source(%dma_start3A_768 : memref<80x32xf32, #tpu.memory_space<vmem>>) target(%dma_start3A_772 : memref<10240x32xf32, #tpu.memory_space<vmem_shared>>) offsets(%dma_start3A_769 : memref<80xi32, #tpu.memory_space<vmem>>) semaphore(%dma_start3A_774 : memref<!tpu.dma_semaphore, #tpu.memory_space<semaphore_mem>>) {add = true}
    %multiple_of3A_775 = arith.constant 0 : i32
    %multiple_of3A_776 = tpu.assume_multiple %multiple_of3A_775, 8 : i32
    %dma_wait3A_777 = arith.constant 0 : i32
    %dma_wait3A_778 = arith.constant 0 : i32
    %dma_wait3A_779 = arith.constant 0 : i32
    %dma_wait3A_780 = arith.constant 0 : i32
    %dma_wait3A_781 = tpu.memref_slice %arg7[%dma_wait3A_777, %dma_wait3A_779, %dma_wait3A_780] : memref<10x80x32xf32, #tpu.memory_space<vmem>> -> memref<1x80x32xf32, #tpu.memory_space<vmem>>
    %dma_wait3A_782 = tpu.memref_squeeze %dma_wait3A_781 : memref<1x80x32xf32, #tpu.memory_space<vmem>> -> memref<80x32xf32, #tpu.memory_space<vmem>>
    %dma_wait3A_783 = tpu.memref_slice %arg6[%multiple_of3A_776] : memref<10000xi32, #tpu.memory_space<vmem>> -> memref<80xi32, #tpu.memory_space<vmem>>
    %dma_wait3A_784 = arith.constant 0 : i32
    %dma_wait3A_785 = arith.constant 0 : i32
    %dma_wait3A_786 = tpu.memref_slice %arg9[%dma_wait3A_784, %dma_wait3A_785] : memref<10240x32xf32, #tpu.memory_space<vmem_shared>> -> memref<10240x32xf32, #tpu.memory_space<vmem_shared>>
    %dma_wait3A_787 = tpu.memref_slice %arg12[%dma_wait3A_778] : memref<10x!tpu.dma_semaphore, #tpu.memory_space<semaphore_mem>> -> memref<1x!tpu.dma_semaphore, #tpu.memory_space<semaphore_mem>>
    %dma_wait3A_788 = tpu.memref_squeeze %dma_wait3A_787 : memref<1x!tpu.dma_semaphore, #tpu.memory_space<semaphore_mem>> -> memref<!tpu.dma_semaphore, #tpu.memory_space<semaphore_mem>>
    tpu.wait_indirect_dma semaphore(%dma_wait3A_788 : memref<!tpu.dma_semaphore, #tpu.memory_space<semaphore_mem>>) src(%dma_wait3A_782 : memref<80x32xf32, #tpu.memory_space<vmem>>) dst(%dma_wait3A_786 : memref<10240x32xf32, #tpu.memory_space<vmem_shared>>)
    %multiple_of3A_789 = arith.constant 0 : i32
    %multiple_of3A_790 = tpu.assume_multiple %multiple_of3A_789, 8 : i32
    %dma_wait3A_791 = arith.constant 1 : i32
    %dma_wait3A_792 = arith.constant 1 : i32
    %dma_wait3A_793 = arith.constant 0 : i32
    %dma_wait3A_794 = arith.constant 0 : i32
    %dma_wait3A_795 = tpu.memref_slice %arg7[%dma_wait3A_791, %dma_wait3A_793, %dma_wait3A_794] : memref<10x80x32xf32, #tpu.memory_space<vmem>> -> memref<1x80x32xf32, #tpu.memory_space<vmem>>
    %dma_wait3A_796 = tpu.memref_squeeze %dma_wait3A_795 : memref<1x80x32xf32, #tpu.memory_space<vmem>> -> memref<80x32xf32, #tpu.memory_space<vmem>>
    %dma_wait3A_797 = tpu.memref_slice %arg6[%multiple_of3A_790] : memref<10000xi32, #tpu.memory_space<vmem>> -> memref<80xi32, #tpu.memory_space<vmem>>
    %dma_wait3A_798 = arith.constant 0 : i32
    %dma_wait3A_799 = arith.constant 0 : i32
    %dma_wait3A_800 = tpu.memref_slice %arg9[%dma_wait3A_798, %dma_wait3A_799] : memref<10240x32xf32, #tpu.memory_space<vmem_shared>> -> memref<10240x32xf32, #tpu.memory_space<vmem_shared>>
    %dma_wait3A_801 = tpu.memref_slice %arg12[%dma_wait3A_792] : memref<10x!tpu.dma_semaphore, #tpu.memory_space<semaphore_mem>> -> memref<1x!tpu.dma_semaphore, #tpu.memory_space<semaphore_mem>>
    %dma_wait3A_802 = tpu.memref_squeeze %dma_wait3A_801 : memref<1x!tpu.dma_semaphore, #tpu.memory_space<semaphore_mem>> -> memref<!tpu.dma_semaphore, #tpu.memory_space<semaphore_mem>>
    tpu.wait_indirect_dma semaphore(%dma_wait3A_802 : memref<!tpu.dma_semaphore, #tpu.memory_space<semaphore_mem>>) src(%dma_wait3A_796 : memref<80x32xf32, #tpu.memory_space<vmem>>) dst(%dma_wait3A_800 : memref<10240x32xf32, #tpu.memory_space<vmem_shared>>)
    %multiple_of3A_803 = arith.constant 0 : i32
    %multiple_of3A_804 = tpu.assume_multiple %multiple_of3A_803, 8 : i32
    %dma_wait3A_805 = arith.constant 2 : i32
    %dma_wait3A_806 = arith.constant 2 : i32
    %dma_wait3A_807 = arith.constant 0 : i32
    %dma_wait3A_808 = arith.constant 0 : i32
    %dma_wait3A_809 = tpu.memref_slice %arg7[%dma_wait3A_805, %dma_wait3A_807, %dma_wait3A_808] : memref<10x80x32xf32, #tpu.memory_space<vmem>> -> memref<1x80x32xf32, #tpu.memory_space<vmem>>
    %dma_wait3A_810 = tpu.memref_squeeze %dma_wait3A_809 : memref<1x80x32xf32, #tpu.memory_space<vmem>> -> memref<80x32xf32, #tpu.memory_space<vmem>>
    %dma_wait3A_811 = tpu.memref_slice %arg6[%multiple_of3A_804] : memref<10000xi32, #tpu.memory_space<vmem>> -> memref<80xi32, #tpu.memory_space<vmem>>
    %dma_wait3A_812 = arith.constant 0 : i32
    %dma_wait3A_813 = arith.constant 0 : i32
    %dma_wait3A_814 = tpu.memref_slice %arg9[%dma_wait3A_812, %dma_wait3A_813] : memref<10240x32xf32, #tpu.memory_space<vmem_shared>> -> memref<10240x32xf32, #tpu.memory_space<vmem_shared>>
    %dma_wait3A_815 = tpu.memref_slice %arg12[%dma_wait3A_806] : memref<10x!tpu.dma_semaphore, #tpu.memory_space<semaphore_mem>> -> memref<1x!tpu.dma_semaphore, #tpu.memory_space<semaphore_mem>>
    %dma_wait3A_816 = tpu.memref_squeeze %dma_wait3A_815 : memref<1x!tpu.dma_semaphore, #tpu.memory_space<semaphore_mem>> -> memref<!tpu.dma_semaphore, #tpu.memory_space<semaphore_mem>>
    tpu.wait_indirect_dma semaphore(%dma_wait3A_816 : memref<!tpu.dma_semaphore, #tpu.memory_space<semaphore_mem>>) src(%dma_wait3A_810 : memref<80x32xf32, #tpu.memory_space<vmem>>) dst(%dma_wait3A_814 : memref<10240x32xf32, #tpu.memory_space<vmem_shared>>)
    %multiple_of3A_817 = arith.constant 0 : i32
    %multiple_of3A_818 = tpu.assume_multiple %multiple_of3A_817, 8 : i32
    %dma_wait3A_819 = arith.constant 3 : i32
    %dma_wait3A_820 = arith.constant 3 : i32
    %dma_wait3A_821 = arith.constant 0 : i32
    %dma_wait3A_822 = arith.constant 0 : i32
    %dma_wait3A_823 = tpu.memref_slice %arg7[%dma_wait3A_819, %dma_wait3A_821, %dma_wait3A_822] : memref<10x80x32xf32, #tpu.memory_space<vmem>> -> memref<1x80x32xf32, #tpu.memory_space<vmem>>
    %dma_wait3A_824 = tpu.memref_squeeze %dma_wait3A_823 : memref<1x80x32xf32, #tpu.memory_space<vmem>> -> memref<80x32xf32, #tpu.memory_space<vmem>>
    %dma_wait3A_825 = tpu.memref_slice %arg6[%multiple_of3A_818] : memref<10000xi32, #tpu.memory_space<vmem>> -> memref<80xi32, #tpu.memory_space<vmem>>
    %dma_wait3A_826 = arith.constant 0 : i32
    %dma_wait3A_827 = arith.constant 0 : i32
    %dma_wait3A_828 = tpu.memref_slice %arg9[%dma_wait3A_826, %dma_wait3A_827] : memref<10240x32xf32, #tpu.memory_space<vmem_shared>> -> memref<10240x32xf32, #tpu.memory_space<vmem_shared>>
    %dma_wait3A_829 = tpu.memref_slice %arg12[%dma_wait3A_820] : memref<10x!tpu.dma_semaphore, #tpu.memory_space<semaphore_mem>> -> memref<1x!tpu.dma_semaphore, #tpu.memory_space<semaphore_mem>>
    %dma_wait3A_830 = tpu.memref_squeeze %dma_wait3A_829 : memref<1x!tpu.dma_semaphore, #tpu.memory_space<semaphore_mem>> -> memref<!tpu.dma_semaphore, #tpu.memory_space<semaphore_mem>>
    tpu.wait_indirect_dma semaphore(%dma_wait3A_830 : memref<!tpu.dma_semaphore, #tpu.memory_space<semaphore_mem>>) src(%dma_wait3A_824 : memref<80x32xf32, #tpu.memory_space<vmem>>) dst(%dma_wait3A_828 : memref<10240x32xf32, #tpu.memory_space<vmem_shared>>)
    %multiple_of3A_831 = arith.constant 0 : i32
    %multiple_of3A_832 = tpu.assume_multiple %multiple_of3A_831, 8 : i32
    %dma_wait3A_833 = arith.constant 4 : i32
    %dma_wait3A_834 = arith.constant 4 : i32
    %dma_wait3A_835 = arith.constant 0 : i32
    %dma_wait3A_836 = arith.constant 0 : i32
    %dma_wait3A_837 = tpu.memref_slice %arg7[%dma_wait3A_833, %dma_wait3A_835, %dma_wait3A_836] : memref<10x80x32xf32, #tpu.memory_space<vmem>> -> memref<1x80x32xf32, #tpu.memory_space<vmem>>
    %dma_wait3A_838 = tpu.memref_squeeze %dma_wait3A_837 : memref<1x80x32xf32, #tpu.memory_space<vmem>> -> memref<80x32xf32, #tpu.memory_space<vmem>>
    %dma_wait3A_839 = tpu.memref_slice %arg6[%multiple_of3A_832] : memref<10000xi32, #tpu.memory_space<vmem>> -> memref<80xi32, #tpu.memory_space<vmem>>
    %dma_wait3A_840 = arith.constant 0 : i32
    %dma_wait3A_841 = arith.constant 0 : i32
    %dma_wait3A_842 = tpu.memref_slice %arg9[%dma_wait3A_840, %dma_wait3A_841] : memref<10240x32xf32, #tpu.memory_space<vmem_shared>> -> memref<10240x32xf32, #tpu.memory_space<vmem_shared>>
    %dma_wait3A_843 = tpu.memref_slice %arg12[%dma_wait3A_834] : memref<10x!tpu.dma_semaphore, #tpu.memory_space<semaphore_mem>> -> memref<1x!tpu.dma_semaphore, #tpu.memory_space<semaphore_mem>>
    %dma_wait3A_844 = tpu.memref_squeeze %dma_wait3A_843 : memref<1x!tpu.dma_semaphore, #tpu.memory_space<semaphore_mem>> -> memref<!tpu.dma_semaphore, #tpu.memory_space<semaphore_mem>>
    tpu.wait_indirect_dma semaphore(%dma_wait3A_844 : memref<!tpu.dma_semaphore, #tpu.memory_space<semaphore_mem>>) src(%dma_wait3A_838 : memref<80x32xf32, #tpu.memory_space<vmem>>) dst(%dma_wait3A_842 : memref<10240x32xf32, #tpu.memory_space<vmem_shared>>)
    %multiple_of3A_845 = arith.constant 0 : i32
    %multiple_of3A_846 = tpu.assume_multiple %multiple_of3A_845, 8 : i32
    %dma_wait3A_847 = arith.constant 5 : i32
    %dma_wait3A_848 = arith.constant 5 : i32
    %dma_wait3A_849 = arith.constant 0 : i32
    %dma_wait3A_850 = arith.constant 0 : i32
    %dma_wait3A_851 = tpu.memref_slice %arg7[%dma_wait3A_847, %dma_wait3A_849, %dma_wait3A_850] : memref<10x80x32xf32, #tpu.memory_space<vmem>> -> memref<1x80x32xf32, #tpu.memory_space<vmem>>
    %dma_wait3A_852 = tpu.memref_squeeze %dma_wait3A_851 : memref<1x80x32xf32, #tpu.memory_space<vmem>> -> memref<80x32xf32, #tpu.memory_space<vmem>>
    %dma_wait3A_853 = tpu.memref_slice %arg6[%multiple_of3A_846] : memref<10000xi32, #tpu.memory_space<vmem>> -> memref<80xi32, #tpu.memory_space<vmem>>
    %dma_wait3A_854 = arith.constant 0 : i32
    %dma_wait3A_855 = arith.constant 0 : i32
    %dma_wait3A_856 = tpu.memref_slice %arg9[%dma_wait3A_854, %dma_wait3A_855] : memref<10240x32xf32, #tpu.memory_space<vmem_shared>> -> memref<10240x32xf32, #tpu.memory_space<vmem_shared>>
    %dma_wait3A_857 = tpu.memref_slice %arg12[%dma_wait3A_848] : memref<10x!tpu.dma_semaphore, #tpu.memory_space<semaphore_mem>> -> memref<1x!tpu.dma_semaphore, #tpu.memory_space<semaphore_mem>>
    %dma_wait3A_858 = tpu.memref_squeeze %dma_wait3A_857 : memref<1x!tpu.dma_semaphore, #tpu.memory_space<semaphore_mem>> -> memref<!tpu.dma_semaphore, #tpu.memory_space<semaphore_mem>>
    tpu.wait_indirect_dma semaphore(%dma_wait3A_858 : memref<!tpu.dma_semaphore, #tpu.memory_space<semaphore_mem>>) src(%dma_wait3A_852 : memref<80x32xf32, #tpu.memory_space<vmem>>) dst(%dma_wait3A_856 : memref<10240x32xf32, #tpu.memory_space<vmem_shared>>)
    %multiple_of3A_859 = arith.constant 0 : i32
    %multiple_of3A_860 = tpu.assume_multiple %multiple_of3A_859, 8 : i32
    %dma_wait3A_861 = arith.constant 6 : i32
    %dma_wait3A_862 = arith.constant 6 : i32
    %dma_wait3A_863 = arith.constant 0 : i32
    %dma_wait3A_864 = arith.constant 0 : i32
    %dma_wait3A_865 = tpu.memref_slice %arg7[%dma_wait3A_861, %dma_wait3A_863, %dma_wait3A_864] : memref<10x80x32xf32, #tpu.memory_space<vmem>> -> memref<1x80x32xf32, #tpu.memory_space<vmem>>
    %dma_wait3A_866 = tpu.memref_squeeze %dma_wait3A_865 : memref<1x80x32xf32, #tpu.memory_space<vmem>> -> memref<80x32xf32, #tpu.memory_space<vmem>>
    %dma_wait3A_867 = tpu.memref_slice %arg6[%multiple_of3A_860] : memref<10000xi32, #tpu.memory_space<vmem>> -> memref<80xi32, #tpu.memory_space<vmem>>
    %dma_wait3A_868 = arith.constant 0 : i32
    %dma_wait3A_869 = arith.constant 0 : i32
    %dma_wait3A_870 = tpu.memref_slice %arg9[%dma_wait3A_868, %dma_wait3A_869] : memref<10240x32xf32, #tpu.memory_space<vmem_shared>> -> memref<10240x32xf32, #tpu.memory_space<vmem_shared>>
    %dma_wait3A_871 = tpu.memref_slice %arg12[%dma_wait3A_862] : memref<10x!tpu.dma_semaphore, #tpu.memory_space<semaphore_mem>> -> memref<1x!tpu.dma_semaphore, #tpu.memory_space<semaphore_mem>>
    %dma_wait3A_872 = tpu.memref_squeeze %dma_wait3A_871 : memref<1x!tpu.dma_semaphore, #tpu.memory_space<semaphore_mem>> -> memref<!tpu.dma_semaphore, #tpu.memory_space<semaphore_mem>>
    tpu.wait_indirect_dma semaphore(%dma_wait3A_872 : memref<!tpu.dma_semaphore, #tpu.memory_space<semaphore_mem>>) src(%dma_wait3A_866 : memref<80x32xf32, #tpu.memory_space<vmem>>) dst(%dma_wait3A_870 : memref<10240x32xf32, #tpu.memory_space<vmem_shared>>)
    %multiple_of3A_873 = arith.constant 0 : i32
    %multiple_of3A_874 = tpu.assume_multiple %multiple_of3A_873, 8 : i32
    %dma_wait3A_875 = arith.constant 7 : i32
    %dma_wait3A_876 = arith.constant 7 : i32
    %dma_wait3A_877 = arith.constant 0 : i32
    %dma_wait3A_878 = arith.constant 0 : i32
    %dma_wait3A_879 = tpu.memref_slice %arg7[%dma_wait3A_875, %dma_wait3A_877, %dma_wait3A_878] : memref<10x80x32xf32, #tpu.memory_space<vmem>> -> memref<1x80x32xf32, #tpu.memory_space<vmem>>
    %dma_wait3A_880 = tpu.memref_squeeze %dma_wait3A_879 : memref<1x80x32xf32, #tpu.memory_space<vmem>> -> memref<80x32xf32, #tpu.memory_space<vmem>>
    %dma_wait3A_881 = tpu.memref_slice %arg6[%multiple_of3A_874] : memref<10000xi32, #tpu.memory_space<vmem>> -> memref<80xi32, #tpu.memory_space<vmem>>
    %dma_wait3A_882 = arith.constant 0 : i32
    %dma_wait3A_883 = arith.constant 0 : i32
    %dma_wait3A_884 = tpu.memref_slice %arg9[%dma_wait3A_882, %dma_wait3A_883] : memref<10240x32xf32, #tpu.memory_space<vmem_shared>> -> memref<10240x32xf32, #tpu.memory_space<vmem_shared>>
    %dma_wait3A_885 = tpu.memref_slice %arg12[%dma_wait3A_876] : memref<10x!tpu.dma_semaphore, #tpu.memory_space<semaphore_mem>> -> memref<1x!tpu.dma_semaphore, #tpu.memory_space<semaphore_mem>>
    %dma_wait3A_886 = tpu.memref_squeeze %dma_wait3A_885 : memref<1x!tpu.dma_semaphore, #tpu.memory_space<semaphore_mem>> -> memref<!tpu.dma_semaphore, #tpu.memory_space<semaphore_mem>>
    tpu.wait_indirect_dma semaphore(%dma_wait3A_886 : memref<!tpu.dma_semaphore, #tpu.memory_space<semaphore_mem>>) src(%dma_wait3A_880 : memref<80x32xf32, #tpu.memory_space<vmem>>) dst(%dma_wait3A_884 : memref<10240x32xf32, #tpu.memory_space<vmem_shared>>)
    %multiple_of3A_887 = arith.constant 0 : i32
    %multiple_of3A_888 = tpu.assume_multiple %multiple_of3A_887, 8 : i32
    %dma_wait3A_889 = arith.constant 8 : i32
    %dma_wait3A_890 = arith.constant 8 : i32
    %dma_wait3A_891 = arith.constant 0 : i32
    %dma_wait3A_892 = arith.constant 0 : i32
    %dma_wait3A_893 = tpu.memref_slice %arg7[%dma_wait3A_889, %dma_wait3A_891, %dma_wait3A_892] : memref<10x80x32xf32, #tpu.memory_space<vmem>> -> memref<1x80x32xf32, #tpu.memory_space<vmem>>
    %dma_wait3A_894 = tpu.memref_squeeze %dma_wait3A_893 : memref<1x80x32xf32, #tpu.memory_space<vmem>> -> memref<80x32xf32, #tpu.memory_space<vmem>>
    %dma_wait3A_895 = tpu.memref_slice %arg6[%multiple_of3A_888] : memref<10000xi32, #tpu.memory_space<vmem>> -> memref<80xi32, #tpu.memory_space<vmem>>
    %dma_wait3A_896 = arith.constant 0 : i32
    %dma_wait3A_897 = arith.constant 0 : i32
    %dma_wait3A_898 = tpu.memref_slice %arg9[%dma_wait3A_896, %dma_wait3A_897] : memref<10240x32xf32, #tpu.memory_space<vmem_shared>> -> memref<10240x32xf32, #tpu.memory_space<vmem_shared>>
    %dma_wait3A_899 = tpu.memref_slice %arg12[%dma_wait3A_890] : memref<10x!tpu.dma_semaphore, #tpu.memory_space<semaphore_mem>> -> memref<1x!tpu.dma_semaphore, #tpu.memory_space<semaphore_mem>>
    %dma_wait3A_900 = tpu.memref_squeeze %dma_wait3A_899 : memref<1x!tpu.dma_semaphore, #tpu.memory_space<semaphore_mem>> -> memref<!tpu.dma_semaphore, #tpu.memory_space<semaphore_mem>>
    tpu.wait_indirect_dma semaphore(%dma_wait3A_900 : memref<!tpu.dma_semaphore, #tpu.memory_space<semaphore_mem>>) src(%dma_wait3A_894 : memref<80x32xf32, #tpu.memory_space<vmem>>) dst(%dma_wait3A_898 : memref<10240x32xf32, #tpu.memory_space<vmem_shared>>)
    %multiple_of3A_901 = arith.constant 0 : i32
    %multiple_of3A_902 = tpu.assume_multiple %multiple_of3A_901, 8 : i32
    %dma_wait3A_903 = arith.constant 9 : i32
    %dma_wait3A_904 = arith.constant 9 : i32
    %dma_wait3A_905 = arith.constant 0 : i32
    %dma_wait3A_906 = arith.constant 0 : i32
    %dma_wait3A_907 = tpu.memref_slice %arg7[%dma_wait3A_903, %dma_wait3A_905, %dma_wait3A_906] : memref<10x80x32xf32, #tpu.memory_space<vmem>> -> memref<1x80x32xf32, #tpu.memory_space<vmem>>
    %dma_wait3A_908 = tpu.memref_squeeze %dma_wait3A_907 : memref<1x80x32xf32, #tpu.memory_space<vmem>> -> memref<80x32xf32, #tpu.memory_space<vmem>>
    %dma_wait3A_909 = tpu.memref_slice %arg6[%multiple_of3A_902] : memref<10000xi32, #tpu.memory_space<vmem>> -> memref<80xi32, #tpu.memory_space<vmem>>
    %dma_wait3A_910 = arith.constant 0 : i32
    %dma_wait3A_911 = arith.constant 0 : i32
    %dma_wait3A_912 = tpu.memref_slice %arg9[%dma_wait3A_910, %dma_wait3A_911] : memref<10240x32xf32, #tpu.memory_space<vmem_shared>> -> memref<10240x32xf32, #tpu.memory_space<vmem_shared>>
    %dma_wait3A_913 = tpu.memref_slice %arg12[%dma_wait3A_904] : memref<10x!tpu.dma_semaphore, #tpu.memory_space<semaphore_mem>> -> memref<1x!tpu.dma_semaphore, #tpu.memory_space<semaphore_mem>>
    %dma_wait3A_914 = tpu.memref_squeeze %dma_wait3A_913 : memref<1x!tpu.dma_semaphore, #tpu.memory_space<semaphore_mem>> -> memref<!tpu.dma_semaphore, #tpu.memory_space<semaphore_mem>>
    tpu.wait_indirect_dma semaphore(%dma_wait3A_914 : memref<!tpu.dma_semaphore, #tpu.memory_space<semaphore_mem>>) src(%dma_wait3A_908 : memref<80x32xf32, #tpu.memory_space<vmem>>) dst(%dma_wait3A_912 : memref<10240x32xf32, #tpu.memory_space<vmem_shared>>)
    %barrier3A_915 = arith.constant 0 : index
    tpu.barrier barrier_id(%barrier3A_915)
    %mul3A_916 = arith.constant 640 : i32
    %mul3A_917 = arith.muli %arg1, %mul3A_916 : i32
    "tpu.region"() ({
      %run_scoped3A = tpu.sem_alloc : memref<!tpu.dma_semaphore, #tpu.memory_space<semaphore_mem>>
      %dma_start3A_920 = arith.constant 0 : i32
      %dma_start3A_921 = tpu.memref_slice %arg9[%mul3A_917, %dma_start3A_920] : memref<10240x32xf32, #tpu.memory_space<vmem_shared>> -> memref<640x32xf32, #tpu.memory_space<vmem_shared>>
      %dma_start3A_922 = arith.constant 0 : i32
      %dma_start3A_923 = tpu.memref_slice %arg9[%mul3A_917, %dma_start3A_922] : memref<10240x32xf32, #tpu.memory_space<vmem_shared>> -> memref<640x32xf32, #tpu.memory_space<vmem_shared>>
      tpu.enqueue_dma source(%dma_start3A_923 : memref<640x32xf32, #tpu.memory_space<vmem_shared>>) target(%arg8 : memref<640x32xf32, #tpu.memory_space<vmem>>) target_semaphore(%run_scoped3A : memref<!tpu.dma_semaphore, #tpu.memory_space<semaphore_mem>>)
      %dma_wait3A_924 = arith.constant 0 : i32
      %dma_wait3A_925 = tpu.memref_slice %arg9[%mul3A_917, %dma_wait3A_924] : memref<10240x32xf32, #tpu.memory_space<vmem_shared>> -> memref<640x32xf32, #tpu.memory_space<vmem_shared>>
      %dma_wait3A_926 = arith.constant 0 : i32
      %dma_wait3A_927 = tpu.memref_slice %arg9[%mul3A_917, %dma_wait3A_926] : memref<10240x32xf32, #tpu.memory_space<vmem_shared>> -> memref<640x32xf32, #tpu.memory_space<vmem_shared>>
      tpu.wait_dma2 semaphore(%run_scoped3A : memref<!tpu.dma_semaphore, #tpu.memory_space<semaphore_mem>>) src(%dma_wait3A_927 : memref<640x32xf32, #tpu.memory_space<vmem_shared>>) dst(%arg8 : memref<640x32xf32, #tpu.memory_space<vmem>>)
      tpu.yield
    }) : () -> ()
    %mul3A_918 = arith.constant 640 : i32
    %mul3A_919 = arith.muli %arg1, %mul3A_918 : i32
    "tpu.region"() ({
      %run_scoped3A = tpu.sem_alloc : memref<!tpu.dma_semaphore, #tpu.memory_space<semaphore_mem>>
      %dma_start3A_920 = arith.constant 0 : i32
      %dma_start3A_921 = arith.constant 0 : i32
      %dma_start3A_922 = tpu.memref_slice %arg4[%arg0, %dma_start3A_920, %dma_start3A_921] : memref<2x10240x32xf32, #tpu.memory_space<hbm>> -> memref<1x10240x32xf32, #tpu.memory_space<hbm>>
      %dma_start3A_923 = tpu.memref_squeeze %dma_start3A_922 : memref<1x10240x32xf32, #tpu.memory_space<hbm>> -> memref<10240x32xf32, #tpu.memory_space<hbm>>
      %dma_start3A_924 = arith.constant 0 : i32
      %dma_start3A_925 = tpu.memref_slice %dma_start3A_923[%mul3A_919, %dma_start3A_924] : memref<10240x32xf32, #tpu.memory_space<hbm>> -> memref<640x32xf32, #tpu.memory_space<hbm>>
      %dma_start3A_926 = arith.constant 0 : i32
      %dma_start3A_927 = arith.constant 0 : i32
      %dma_start3A_928 = tpu.memref_slice %arg4[%arg0, %dma_start3A_926, %dma_start3A_927] : memref<2x10240x32xf32, #tpu.memory_space<hbm>> -> memref<1x10240x32xf32, #tpu.memory_space<hbm>>
      %dma_start3A_929 = tpu.memref_squeeze %dma_start3A_928 : memref<1x10240x32xf32, #tpu.memory_space<hbm>> -> memref<10240x32xf32, #tpu.memory_space<hbm>>
      %dma_start3A_930 = arith.constant 0 : i32
      %dma_start3A_931 = tpu.memref_slice %dma_start3A_929[%mul3A_919, %dma_start3A_930] : memref<10240x32xf32, #tpu.memory_space<hbm>> -> memref<640x32xf32, #tpu.memory_space<hbm>>
      tpu.enqueue_dma source(%arg8 : memref<640x32xf32, #tpu.memory_space<vmem>>) target(%dma_start3A_931 : memref<640x32xf32, #tpu.memory_space<hbm>>) target_semaphore(%run_scoped3A : memref<!tpu.dma_semaphore, #tpu.memory_space<semaphore_mem>>)
      %dma_wait3A_932 = arith.constant 0 : i32
      %dma_wait3A_933 = arith.constant 0 : i32
      %dma_wait3A_934 = tpu.memref_slice %arg4[%arg0, %dma_wait3A_932, %dma_wait3A_933] : memref<2x10240x32xf32, #tpu.memory_space<hbm>> -> memref<1x10240x32xf32, #tpu.memory_space<hbm>>
      %dma_wait3A_935 = tpu.memref_squeeze %dma_wait3A_934 : memref<1x10240x32xf32, #tpu.memory_space<hbm>> -> memref<10240x32xf32, #tpu.memory_space<hbm>>
      %dma_wait3A_936 = arith.constant 0 : i32
      %dma_wait3A_937 = tpu.memref_slice %dma_wait3A_935[%mul3A_919, %dma_wait3A_936] : memref<10240x32xf32, #tpu.memory_space<hbm>> -> memref<640x32xf32, #tpu.memory_space<hbm>>
      %dma_wait3A_938 = arith.constant 0 : i32
      %dma_wait3A_939 = arith.constant 0 : i32
      %dma_wait3A_940 = tpu.memref_slice %arg4[%arg0, %dma_wait3A_938, %dma_wait3A_939] : memref<2x10240x32xf32, #tpu.memory_space<hbm>> -> memref<1x10240x32xf32, #tpu.memory_space<hbm>>
      %dma_wait3A_941 = tpu.memref_squeeze %dma_wait3A_940 : memref<1x10240x32xf32, #tpu.memory_space<hbm>> -> memref<10240x32xf32, #tpu.memory_space<hbm>>
      %dma_wait3A_942 = arith.constant 0 : i32
      %dma_wait3A_943 = tpu.memref_slice %dma_wait3A_941[%mul3A_919, %dma_wait3A_942] : memref<10240x32xf32, #tpu.memory_space<hbm>> -> memref<640x32xf32, #tpu.memory_space<hbm>>
      tpu.wait_dma2 semaphore(%run_scoped3A : memref<!tpu.dma_semaphore, #tpu.memory_space<semaphore_mem>>) src(%arg8 : memref<640x32xf32, #tpu.memory_space<vmem>>) dst(%dma_wait3A_943 : memref<640x32xf32, #tpu.memory_space<hbm>>)
      tpu.yield
    }) : () -> ()
    return
  }
}

</mosaic_0001>

<sc_bundles>
// kernel: _sc_edge_agg.3.cloned.1.call-start
scs
__scs_entry_jumppad:
0x0: {  	(pc) =	sbr.rel $0x88, $3  }
0x1: {  	(tag) =	ssettag $0x0;
	lr =	simm.s32 $0x1  }
0x2: {  	[smem:$0x3F9F] =	sst lr;
	_ =	strace $0xD0000000  }
0x3: {  	_ = 	snop  }
0x4: {  	_ = 	snop  }
0x5: {  	_ = 	snop  }
0x6: {  	_ = 	snop  }
0x7: {  	_ = 	snop  }
__scs_overlays_trampoline_lowered:
0x8: {  	[smem:$0x3FAE] =	sst s0  }
0x9: {  	[smem:$0x3FAF] =	sst s1  }
0xa: {  	[smem:$0x3FB0] =	sst s2  }
0xb: {  	[smem:$0x3FB1] =	sst s3  }
0xc: {  	[smem:$0x3FB2] =	sst s4  }
0xd: {  	[smem:$0x3FB3] =	sst s5  }
0xe: {  	[smem:$0x3FB4] =	sst s6  }
0xf: {  	[smem:$0x3FB5] =	sst s7  }
0x10: {  	[smem:$0x3FB6] =	sst s8  }
0x11: {  	[smem:$0x3FB7] =	sst s9;
	s0 =	simm.s32 @!p0 $0x0  }
0x12: {  	s1 =	sld [smem:$0x3F9D];
	s0 =	simm.s32 @p0 $0x1  }
0x13: {  	[smem:$0x3FB8] =	sst s0;
	s0 =	simm.s32 @!p1 $0x0  }
0x14: {  	s2 =	sld [smem:$0x3F9C];
	s0 =	simm.s32 @p1 $0x1  }
0x15: {  	[smem:$0x3FB9] =	sst s0;
	s0 =	simm.s32 @!p2 $0x0  }
0x16: {  	s3 =	sld [smem:$0x3FDB];
	s0 =	simm.s32 @p2 $0x1  }
0x17: {  	s4 =	simm.s32 $0x1BF5;
	[smem:$0x3FBB] =	sst s0  }
0x18: {  	s0 =	sld [smem:$0x3F9E];
	_ =	swait.ge [sflag:s4], $0x0  }
0x19: {  	s7 =	sld [smem:$0x3F9F]  }
0x1a: {  	s8 =	sadd.s32 $0xFFFFE003, lr  }
0x1b: {  	s9 =	sadd.s32 $0xFFFFFEF7, lr;
	s5 =	simm.s32 $0xFFFFFFFF;
	p2 =	slt.u32 s8, $0xFFFFF086  }
0x1c: {  	p1 =	slt.u32 s9, $0xF7A;
	s5 =	simm.s32 @!p2 $0x0  }
0x1d: {  	s5 =	simm.s32 @p1 $0x1;
	p0 =	seq.s32 s7, s2  }
0x1e: {  	s7 =	smul.u32 @!p0 $0xF7A, s2;
	p2 =	seq.s32 @!p0 s5, $0x0  }
0x1f: {  	s9 =	smul.u32 $0xF7A, s1;
	s8 =	simm.s32 @!p0 $0x1BF5;
	p2 =	por !p2, p0  }
0x20: {  	[sflag:s8] =	ssyncset.s32 @!p0 $0xFFFFF086;
	s6 =	sadd.s32 @!p0 s3, s7;
	s7 =	simm.s32 @!p0 $0x108  }
0x21: {  	s3 =	sadd.s32 s3, s9;
	s6 =	sadd.s32 @!p0 $0x88, s6;
	s7 =	simm.s32 @p2 $0x1082  }
0x22: {  	[simem:s7], [sflag:s8] =	dma.local @!p0 [hbm:s6], $0xF7A  }
0x23: {  	s9 =	sor.u32 $0xD0000000, s2;
	s6 =	simm.s32 $0x108;
	_ =	swait.ge @!p0 [sflag:s8], $0x0  }
0x24: {  	s3 =	sadd.s32 $0x88, s3;
	s6 =	simm.s32 @!p1 $0x1082;
	[sflag:s4] =	ssyncset.s32 $0xFFFFF086  }
0x25: {  	[simem:s6], [sflag:s4] =	dma.local [hbm:s3], $0xF7A  }
0x26: {  	[smem:$0x3F9F] =	sst s1;
	(tag) =	ssettag s2;
	_ =	strace s9  }
0x27: {  	s1 =	sld [smem:$0x3FAF]  }
0x28: {  	s2 =	sld [smem:$0x3FB0]  }
0x29: {  	s4 =	sld [smem:$0x3FB2]  }
0x2a: {  	p0 =	seq.s32 s5, $0x0;
	s5 =	sld [smem:$0x3FB3]  }
0x2b: {  	s6 =	sld [smem:$0x3FB4]  }
0x2c: {  	s7 =	sld [smem:$0x3FB5]  }
0x2d: {  	s3 =	simm.s32 $0x108;
	s8 =	sld [smem:$0x3FB6]  }
0x2e: {  	s3 =	simm.s32 @!p0 $0x1082;
	s9 =	sld [smem:$0x3FB7]  }
0x2f: {  	lr =	sadd.s32 s0, s3;
	s0 =	sld [smem:$0x3FAE]  }
0x30: {  	s3 =	sld [smem:$0x3FB1]  }
0x31: {  	[smem:$0x3FBA] =	sst s10  }
0x32: {  	s10 =	sld [smem:$0x3FB8];
	_ =	sdelay $0x3  }
0x33: {  	p0 =	seq.s32 s10, $0x1;
	s10 =	sld [smem:$0x3FBA];
	_ =	sdelay $0x3  }
0x34: {  	[smem:$0x3FBA] =	sst s10  }
0x35: {  	s10 =	sld [smem:$0x3FB9];
	_ =	sdelay $0x3  }
0x36: {  	p1 =	seq.s32 s10, $0x1;
	s10 =	sld [smem:$0x3FBA];
	_ =	sdelay $0x3  }
0x37: {  	[smem:$0x3FBA] =	sst s10  }
0x38: {  	s10 =	sld [smem:$0x3FBB]  }
0x39: {  	_ = 	snop;
	(pc) =	sbr.ind lr, $3  }
0x3a: {  	_ = 	snop  }
0x3b: {  	_ = 	snop  }
0x3c: {  	p2 =	seq.s32 s10, $0x1;
	s10 =	sld [smem:$0x3FBA]  }
0x3d: {  	_ =	shalt  }
0x3e: {  	_ =	shalt  }
0x3f: {  	_ =	shalt  }
0x40: {  	_ =	shalt  }
0x41: {  	_ =	shalt  }
0x42: {  	_ =	shalt  }
0x43: {  	_ =	shalt  }
0x44: {  	_ =	shalt  }
0x45: {  	_ =	shalt  }
0x46: {  	_ =	shalt  }
0x47: {  	_ =	shalt  }
0x48: {  	_ =	shalt  }
0x49: {  	_ =	shalt  }
0x4a: {  	_ =	shalt  }
0x4b: {  	_ =	shalt  }
0x4c: {  	_ =	shalt  }
0x4d: {  	_ =	shalt  }
0x4e: {  	_ =	shalt  }
0x4f: {  	_ =	shalt  }
0x50: {  	_ =	shalt  }
0x51: {  	_ =	shalt  }
0x52: {  	_ =	shalt  }
0x53: {  	_ =	shalt  }
0x54: {  	_ =	shalt  }
0x55: {  	_ =	shalt  }
0x56: {  	_ =	shalt  }
0x57: {  	_ =	shalt  }
0x58: {  	_ =	shalt  }
0x59: {  	_ =	shalt  }
0x5a: {  	_ =	shalt  }
0x5b: {  	_ =	shalt  }
0x5c: {  	_ =	shalt  }
0x5d: {  	_ =	shalt  }
0x5e: {  	_ =	shalt  }
0x5f: {  	_ =	shalt  }
0x60: {  	_ =	shalt  }
0x61: {  	_ =	shalt  }
0x62: {  	_ =	shalt  }
0x63: {  	_ =	shalt  }
0x64: {  	_ =	shalt  }
0x65: {  	_ =	shalt  }
0x66: {  	_ =	shalt  }
0x67: {  	_ =	shalt  }
0x68: {  	_ =	shalt  }
0x69: {  	_ =	shalt  }
0x6a: {  	_ =	shalt  }
0x6b: {  	_ =	shalt  }
0x6c: {  	_ =	shalt  }
0x6d: {  	_ =	shalt  }
0x6e: {  	_ =	shalt  }
0x6f: {  	_ =	shalt  }
0x70: {  	_ =	shalt  }
0x71: {  	_ =	shalt  }
0x72: {  	_ =	shalt  }
0x73: {  	_ =	shalt  }
0x74: {  	_ =	shalt  }
0x75: {  	_ =	shalt  }
0x76: {  	_ =	shalt  }
0x77: {  	_ =	shalt  }
0x78: {  	_ =	shalt  }
0x79: {  	_ =	shalt  }
0x7a: {  	_ =	shalt  }
0x7b: {  	_ =	shalt  }
0x7c: {  	_ =	shalt  }
0x7d: {  	_ =	shalt  }
0x7e: {  	_ =	shalt  }
0x7f: {  	_ =	shalt  }
0x80: {  	_ =	shalt  }
0x81: {  	_ =	shalt  }
0x82: {  	_ =	shalt  }
0x83: {  	_ =	shalt  }
0x84: {  	_ =	shalt  }
0x85: {  	_ =	shalt  }
0x86: {  	_ =	shalt  }
0x87: {  	_ =	shalt  }
.Lfunc_end0:
.L_simem_size_0:
called_computation_lowered:
.L_overlay_start_0:
0x88: {  	s2 =	sld [smem:$0x3FD9]  }
0x89: {  	s3 =	sld [smem:$0x3FFE];
	_ =	sdelay $0x1  }
0x8a: {  	s1 =	srdreg.scid  }
0x8b: {  	s0 =	sand.u32 $0x1, s1  }
0x8c: {  	s17 =	sshll.u32 s0, $0xA;
	s2 =	sadd.s32 s3, s2  }
0x8d: {  	s2 =	sadd.s32 s2, s17  }
0x8e: {  	[smem:$0x3FC6] =	sst s2  }
0x8f: {  	_ = 	snop  }
0x90: {  	s2 =	sld [smem:$0x3FD0];
	(tm) =	ssettm $0x1  }
0x91: {  	s18 =	sld [smem:$0x3FFB];
	_ =	sdelay $0x3  }
0x92: {  	_ =	strace s18  }
0x93: {  	s3 =	sld [smem:$0x3FFC];
	_ =	sdelay $0x3  }
0x94: {  	_ =	strace s3  }
0x95: {  	s3 =	sld [smem:$0x3FFD];
	_ =	sdelay $0x3  }
0x96: {  	_ =	strace s3  }
0x97: {  	_ =	strace $0x8FFFFFFF  }
0x98: {  	s19 =	sld [smem:$0x3FDB];
	_ =	sdelay $0x1  }
0x99: {  	s4 =	simm.s32 $_scs_section_size  }
0x9a: {  	s5 =	simm.s32 $_size__tile_overlayer_lowered;
	s6 =	simm.s32 $_tile_overlayer_lowered  }
0x9b: {  	s22 =	simm.s32 $0x1BFF;
	s21 =	sshll.u32 s6, $0x1;
	s3 =	sadd.s32 s4, s19  }
0x9c: {  	s7 =	simm.s32 $0x0;
	s20 =	sshll.u32 s5, $0x1;
	s5 =	sadd.s32 s21, s3  }
0x9d: {  	[timem:s7], [sflag:s22] =	dma.local [hbm:s5], s20  }
0x9e: {  	_ =	swait.ge [sflag:s22], s20  }
0x9f: {  	s4 =	ssub.s32 $0x0, s20;
	[sflag:s22] =	ssyncset.done $0x0  }
0xa0: {  	[sflag:s22] =	ssyncadd.s32 s4;
	_ =	sdelay $0x1  }
0xa1: {  	s23 =	simm.s32 $0x1B8B  }
0xa2: {  	_ =	swait.ge [sflag:s23], $0x1  }
0xa3: {  	[sflag:s23] =	ssyncset.done $0x0  }
0xa4: {  	s25 =	simm.s32 $0x1B8E;
	s24 =	sld [smem:$0x3FFE];
	[sflag:s23] =	ssyncadd.s32 $0xFFFFFFFF  }
0xa5: {  	s26 =	simm.s32 $execute0_lowered;
	[smem:$0x3FD2] =	sst s25  }
0xa6: {  	s5 =	sshll.u32 s26, $0x1;
	_ =	strace $0x80000046;
	[dreg:$0x1] =	wrdreg $0xFFFFFFFF  }
0xa7: {  	s28 =	simm.s32 $_size_execute0_lowered;
	s3 =	sadd.s32 s3, s5;
	[dreg:$0x0] =	wrdreg $0x0  }
0xa8: {  	s5 =	sshll.u32 s28, $0x1;
	[dreg:$0x2] =	wrdreg s3  }
0xa9: {  	[dreg:$0x3] =	wrdreg s5  }
0xaa: {  	[dreg:$0x4] =	wrdreg $0xC0  }
0xab: {  	_ =	task [dreg:s7], $0x5FFFF  }
0xac: {  	[dreg:$0x1] =	wrdreg $0xFFFFFFFF  }
0xad: {  	[dreg:$0x0] =	wrdreg $0x60  }
0xae: {  	[dreg:$0x2] =	wrdreg s24  }
0xaf: {  	[dreg:$0x3] =	wrdreg s2  }
0xb0: {  	[dreg:$0x4] =	wrdreg $0x152200  }
0xb1: {  	[dreg:$0x5] =	wrdreg $0x102200  }
0xb2: {  	[dreg:$0x6] =	wrdreg $0x9  }
0xb3: {  	_ =	task.clear_ibuf [dreg:s7], $0x7FFFF;
	_ =	strace $0x90000046  }
0xb4: {  	s29 =	simm.s32 $0x9;
	_ =	strace $0x80000048  }
0xb5: {  	_ =	swait.ge [sflag:s29], $0x1  }
0xb6: {  	[sflag:s29] =	ssyncadd.s32 $0xFFFFFFFF  }
0xb7: {  	_ =	strace $0x90000048  }
0xb8: {  	_ =	sfence  }
0xb9: {  	s30 =	sld [smem:$0x0];
	_ =	sdelay $0x2  }
0xba: {  	s31 =	sshll.u32 s1, $0xD;
	s1 =	sshrl.u32 s1, $0x2  }
0xbb: {  	s3 =	sand.u32 $0x4000, s31;
	s1 =	sadd.s32 s1, s30  }
0xbc: {  	s0 =	sor.u32 s3, s0;
	s1 =	sshll.u32 s1, $0x11  }
0xbd: {  	s0 =	sor.u32 s1, s0  }
0xbe: {  	s0 =	sadd.s32 $0x8F2B, s0  }
0xbf: {  	[sflag:s0] =	ssyncadd.remote.s32 $0x1  }
0xc0: {  	_ =	sfence.sel $0xFFFF  }
0xc1: {  	[dreg:$0x0] =	wrdreg $0xFFFFFFFF;
	(pc) =	sbr.abs _section_cstart, $3  }
0xc2: {  	[dreg:$0x1] =	wrdreg $0xFFFFFFFF  }
0xc3: {  	_ =	task.clear_ibuf [dreg:s7], $0x2FFFF;
	_ =	strace $0x9FFFFFFF  }
0xc4: {  	(tm) =	ssettm $0x7FFFFFFF  }
0xc5: {  	_ =	shalt  }
tec
execute0_lowered:
.L_overlay_start_1:
0x0: {  	(tag) =	ssettag $0x1  }
0x1: {  	s0 =	rddreg [dreg:$0x0]  }
0x2: {  	s2 =	rddreg [dreg:$0x1]  }
0x3: {  	s1 =	rddreg [dreg:$0x2];
	s4 =	srdreg.scid  }
0x4: {  	s3 =	rddreg [dreg:$0x3];
	s11 =	stileid.u32;
	s22 =	simm.s32 $0x0  }
0x5: {  	s13 =	simm.s32 $0x1;
	s14 =	simm.s32 $0x2;
	s18 =	simm.s32 $0x50  }
0x6: {  	s29 =	simm.s32 $0x3;
	s16 =	simm.s32 $0xF;
	s17 =	simm.s32 $0x11  }
0x7: {  	s30 =	simm.s32 $0x14;
	s31 =	simm.s32 $0x3;
	s4 =	sand.u32 $0x1, s4  }
0x8: {  	s6 =	smul.u32 $0x5000, s11;
	[smem:$0x7FF] =	sst s22;
	s25 =	sshll.u32 s11, $0x6  }
0x9: {  	s5 =	sshll.u32 s4, $0x4;
	s7 =	ssub.s32 $0x2, s4;
	_ =	strace $0x80000047  }
0xa: {  	s21 =	smul.u32 $0xA000, s4;
	s4 =	simm.s32 $0xE;
	s5 =	sor.u32 s11, s5  }
0xb: {  	s8 =	sshrl.u32 s6, $0x3;
	s9 =	sshrl.u32 s7, $0x1;
	s23 =	sadd.s32 s6, s1  }
0xc: {  	s5 =	smul.u32 $0x4E2, s5;
	s19 =	ssub.s32 s7, s9;
	s7 =	sor.u32 $0x1C15, s25  }
0xd: {  	s10 =	sadd.s32 s8, s0;
	s28 =	sshrl.u32 s23, $0x3;
	[dreg:$0x8] =	wrdreg s7  }
0xe: {  	s9 =	simm.s32 $0x10;
	s24 =	sadd.s32 $0x14000, s10;
	[dreg:$0xb] =	wrdreg s28  }
0xf: {  	s10 =	sadd.s32 s6, s3;
	s26 =	smax.u32 s19, $0x1;
	[dreg:$0x7] =	wrdreg s24  }
0x10: {  	s6 =	simm.s32 $0xB;
	s0 =	sadd.s32 s5, s0;
	[dreg:$0xa] =	wrdreg s26  }
0x11: {  	s7 =	simm.s32 $0xC;
	[dreg:$0x9] =	wrdreg s10;
	s20 =	sadd.s32 $0x600, s0  }
0x12: {  	s19 =	simm.s32 $0x12;
	s0 =	sadd.s32 $0xA240, s0;
	[dreg:$0x5] =	wrdreg s20  }
0x13: {  	s5 =	simm.s32 $0x5;
	[dreg:$0x6] =	wrdreg s0;
	s0 =	sadd.s32 s2, s21  }
0x14: {  	s20 =	simm.s32 $0x13;
	s2 =	simm.s32 $0x0;
	s0 =	sadd.s32 s8, s0  }
0x15: {  	v0 =	vimm.f32 $0.0e+00;
	s8 =	simm.s32 $0xD;
	[dreg:$0xc] =	wrdreg s0;
	s0 =	simm.s32 $0x4  }
.LBB2_1:
0x16: {  	[dreg:$0xd] =	wrdreg s2  }
0x17: {  	s25 =	rddreg [dreg:$0x5]  }
0x18: {  	s21 =	rddreg [dreg:$0x6]  }
0x19: {  	s23 =	rddreg [dreg:$0x7]  }
0x1a: {  	[tilespmem:s22], [sflag:$0x1] =	stream.linear.gather [hbm4b:s25+s22], $0x2710, $0x38;
	[tilespmem:$0x1A220] =	vst v63  }
0x1b: {  	s28 =	simm.s32 $0x2710;
	s24 =	rddreg [dreg:$0x8]  }
0x1c: {  	[tilespmem:s28], [sflag:$0x2] =	stream.linear.gather [hbm4b:s21+s22], $0x2710, $0x38;
	[tilespmem:$0x1A220] =	vst v63  }
0x1d: {  	s26 =	rddreg [dreg:$0xb];
	s25 =	simm.s32 $0x200;
	s22 =	simm.s32 $0x0  }
0x1e: {  	[spmem:s26], [sflag:s24] =	dma.local [hbm:s23], $0xA00  }
.LBB2_2:
0x1f: {  	p0 =	sne.s32 s25, $0x13E00;
	[tilespmem:s22+$0xB290] =	vst v0  }
0x20: {  	[tilespmem:s22+$0xB220] =	vst v0  }
0x21: {  	[tilespmem:s22+$0xB230] =	vst v0  }
.Ltmp0:
0x22: {  	[tilespmem:s22+$0xB240] =	vst v0;
	(pc) =	sbr.rel @p0 .LBB2_2-.Ltmp0, $4  }
0x23: {  	[tilespmem:s22+$0xB250] =	vst v0  }
0x24: {  	[tilespmem:s22+$0xB260] =	vst v0  }
0x25: {  	[tilespmem:s22+$0xB270] =	vst v0  }
0x26: {  	[tilespmem:s22+$0xB280] =	vst v0;
	s22 =	sshra.s32 s25, $0x2;
	s25 =	sadd.s32 $0x200, s25  }
0x27: {  	[tilespmem:s22+$0xB290] =	vst v0  }
0x28: {  	[tilespmem:s22+$0xB220] =	vst v0  }
0x29: {  	[tilespmem:s22+$0xB230] =	vst v0  }
0x2a: {  	[tilespmem:s22+$0xB240] =	vst v0  }
0x2b: {  	[tilespmem:s22+$0xB250] =	vst v0  }
0x2c: {  	[tilespmem:s22+$0xB260] =	vst v0  }
0x2d: {  	[tilespmem:s22+$0xB270] =	vst v0  }
0x2e: {  	[tilespmem:s22+$0xB280] =	vst v0  }
0x2f: {  	_ =	swait.ge [sflag:s13], $0x2710  }
0x30: {  	[sflag:s13] =	ssyncset.done $0x0  }
0x31: {  	[sflag:s13] =	ssyncadd.s32 $0xFFFFD8F0  }
0x32: {  	_ =	swait.ge [sflag:s14], $0x2710  }
0x33: {  	[sflag:s14] =	ssyncset.done $0x0  }
0x34: {  	s15 =	simm.s32 $0x15;
	[sflag:s14] =	ssyncadd.s32 $0xFFFFD8F0  }
0x35: {  	_ =	swait.ge [sflag:s15], $0xA00  }
0x36: {  	[sflag:s15] =	ssyncset.done $0x0  }
0x37: {  	s21 =	simm.s32 $0xB220;
	s23 =	simm.s32 $0x16;
	[sflag:s15] =	ssyncadd.s32 $0xFFFFF600  }
0x38: {  	[spmem:s10] =	stream.linear.scatter [tilespmem:s21], [sflag:$0x16], $0x5000, $0x38;
	[tilespmem:$0x1A220] =	vst v63  }
0x39: {  	_ =	swait.ge [sflag:s23], $0x5000  }
0x3a: {  	[sflag:s23] =	ssyncset.done $0x0  }
0x3b: {  	[sflag:s23] =	ssyncadd.s32 $0xFFFFB000  }
0x3c: {  	s24 =	simm.s32 $0x0;
	s25 =	simm.s32 $0x4E20;
	[bflag:$0x0] =	sbarrier.arrive $0xFFFF  }
0x3d: {  	[tilespmem:s25], [sflag:$0x1] =	stream.indirect.gather [spmem:s1], $0x20, s24, s18, $0xb8;
	[tilespmem:$0x1A220] =	vst v63  }
0x3e: {  	s28 =	simm.s32 $0x5820  }
0x3f: {  	[tilespmem:s28], [sflag:$0x2] =	stream.indirect.gather [spmem:s1], $0x20, s18, s18, $0xb8;
	[tilespmem:$0x1A220] =	vst v63  }
0x40: {  	s26 =	simm.s32 $0xA0;
	s2 =	simm.s32 $0x6220  }
0x41: {  	[tilespmem:s2], [sflag:$0x3] =	stream.indirect.gather [spmem:s1], $0x20, s26, s18, $0xb8;
	[tilespmem:$0x1A220] =	vst v63  }
0x42: {  	s11 =	simm.s32 $0x6C20;
	s10 =	simm.s32 $0xF0  }
0x43: {  	[tilespmem:s11], [sflag:$0x4] =	stream.indirect.gather [spmem:s1], $0x20, s10, s18, $0xb8;
	[tilespmem:$0x1A220] =	vst v63  }
0x44: {  	s14 =	simm.s32 $0x140;
	s15 =	simm.s32 $0x7620  }
0x45: {  	[tilespmem:s15], [sflag:$0x5] =	stream.indirect.gather [spmem:s1], $0x20, s14, s18, $0xb8;
	[tilespmem:$0x1A220] =	vst v63  }
0x46: {  	_ =	swait.ge [sflag:s13], $0xA00  }
0x47: {  	[sflag:s13] =	ssyncset.done $0x0  }
0x48: {  	s21 =	simm.s32 $0x2710;
	[sflag:s13] =	ssyncadd.s32 $0xFFFFF600  }
0x49: {  	[spmem:s3] =	stream.indirect.scatter.add.f32 [tilespmem:s25], [sflag:$0xB], $0x20, s21, s18, $0xb8;
	[tilespmem:$0x1A220] =	vst v63  }
0x4a: {  	s23 =	simm.s32 $0x190;
	s2 =	simm.s32 $0x8020;
	s21 =	simm.s32 $0x2  }
0x4b: {  	[tilespmem:s2], [sflag:$0x6] =	stream.indirect.gather [spmem:s1], $0x20, s23, s18, $0xb8;
	[tilespmem:$0x1A220] =	vst v63  }
0x4c: {  	_ =	swait.ge [sflag:s21], $0xA00  }
0x4d: {  	[sflag:s21] =	ssyncset.done $0x0  }
0x4e: {  	s24 =	simm.s32 $0x2760;
	[sflag:s21] =	ssyncadd.s32 $0xFFFFF600  }
0x4f: {  	[spmem:s3] =	stream.indirect.scatter.add.f32 [tilespmem:s28], [sflag:$0xC], $0x20, s24, s18, $0xb8;
	[tilespmem:$0x1A220] =	vst v63  }
0x50: {  	s26 =	simm.s32 $0x1E0;
	s23 =	simm.s32 $0x8A20  }
0x51: {  	[tilespmem:s23], [sflag:$0x7] =	stream.indirect.gather [spmem:s1], $0x20, s26, s18, $0xb8;
	[tilespmem:$0x1A220] =	vst v63  }
0x52: {  	_ =	swait.ge [sflag:s29], $0xA00  }
0x53: {  	[sflag:s29] =	ssyncset.done $0x0  }
0x54: {  	s12 =	simm.s32 $0x6220;
	s13 =	simm.s32 $0x27B0;
	[sflag:s29] =	ssyncadd.s32 $0xFFFFF600  }
0x55: {  	[spmem:s3] =	stream.indirect.scatter.add.f32 [tilespmem:s12], [sflag:$0xD], $0x20, s13, s18, $0xb8;
	[tilespmem:$0x1A220] =	vst v63  }
0x56: {  	s15 =	simm.s32 $0x230;
	s26 =	simm.s32 $0x9420  }
0x57: {  	[tilespmem:s26], [sflag:$0x8] =	stream.indirect.gather [spmem:s1], $0x20, s15, s18, $0xb8;
	[tilespmem:$0x1A220] =	vst v63  }
0x58: {  	_ =	swait.ge [sflag:s0], $0xA00  }
0x59: {  	[sflag:s0] =	ssyncset.done $0x0  }
0x5a: {  	s11 =	simm.s32 $0x6C20;
	[sflag:s0] =	ssyncadd.s32 $0xFFFFF600;
	s0 =	simm.s32 $0x2800  }
0x5b: {  	[spmem:s3] =	stream.indirect.scatter.add.f32 [tilespmem:s11], [sflag:$0xE], $0x20, s0, s18, $0xb8;
	[tilespmem:$0x1A220] =	vst v63  }
0x5c: {  	s29 =	simm.s32 $0x9E20;
	s11 =	simm.s32 $0x280  }
0x5d: {  	[tilespmem:s29], [sflag:$0x9] =	stream.indirect.gather [spmem:s1], $0x20, s11, s18, $0xb8;
	[tilespmem:$0x1A220] =	vst v63  }
0x5e: {  	_ =	swait.ge [sflag:s5], $0xA00  }
0x5f: {  	[sflag:s5] =	ssyncset.done $0x0  }
0x60: {  	s10 =	simm.s32 $0x7620;
	s12 =	simm.s32 $0x2850;
	[sflag:s5] =	ssyncadd.s32 $0xFFFFF600  }
0x61: {  	[spmem:s3] =	stream.indirect.scatter.add.f32 [tilespmem:s10], [sflag:$0xF], $0x20, s12, s18, $0xb8;
	[tilespmem:$0x1A220] =	vst v63  }
0x62: {  	s13 =	simm.s32 $0x2D0;
	s12 =	simm.s32 $0xA820  }
0x63: {  	[tilespmem:s12], [sflag:$0xA] =	stream.indirect.gather [spmem:s1], $0x20, s13, s18, $0xb8;
	[tilespmem:$0x1A220] =	vst v63  }
0x64: {  	s13 =	simm.s32 $0x6  }
0x65: {  	_ =	swait.ge [sflag:s13], $0xA00  }
0x66: {  	[sflag:s13] =	ssyncset.done $0x0  }
0x67: {  	s10 =	simm.s32 $0x28A0;
	[sflag:s13] =	ssyncadd.s32 $0xFFFFF600  }
0x68: {  	[spmem:s3] =	stream.indirect.scatter.add.f32 [tilespmem:s2], [sflag:$0x10], $0x20, s10, s18, $0xb8;
	[tilespmem:$0x1A220] =	vst v63  }
0x69: {  	_ =	swait.ge [sflag:s6], $0xA00  }
0x6a: {  	[sflag:s6] =	ssyncset.done $0x0  }
0x6b: {  	s11 =	simm.s32 $0x320;
	[sflag:s6] =	ssyncadd.s32 $0xFFFFF600  }
0x6c: {  	[tilespmem:s25], [sflag:$0x1] =	stream.indirect.gather [spmem:s1], $0x20, s11, s18, $0xb8;
	[tilespmem:$0x1A220] =	vst v63  }
0x6d: {  	s11 =	simm.s32 $0x7  }
0x6e: {  	_ =	swait.ge [sflag:s11], $0xA00  }
0x6f: {  	[sflag:s11] =	ssyncset.done $0x0  }
0x70: {  	s10 =	simm.s32 $0x28F0;
	[sflag:s11] =	ssyncadd.s32 $0xFFFFF600  }
0x71: {  	[spmem:s3] =	stream.indirect.scatter.add.f32 [tilespmem:s23], [sflag:$0x11], $0x20, s10, s18, $0xb8;
	[tilespmem:$0x1A220] =	vst v63  }
0x72: {  	_ =	swait.ge [sflag:s7], $0xA00  }
0x73: {  	[sflag:s7] =	ssyncset.done $0x0  }
0x74: {  	s10 =	simm.s32 $0x370;
	[sflag:s7] =	ssyncadd.s32 $0xFFFFF600  }
0x75: {  	[tilespmem:s28], [sflag:$0x2] =	stream.indirect.gather [spmem:s1], $0x20, s10, s18, $0xb8;
	[tilespmem:$0x1A220] =	vst v63  }
0x76: {  	s10 =	simm.s32 $0x8  }
0x77: {  	_ =	swait.ge [sflag:s10], $0xA00  }
0x78: {  	[sflag:s10] =	ssyncset.done $0x0  }
0x79: {  	s22 =	simm.s32 $0x2940;
	[sflag:s10] =	ssyncadd.s32 $0xFFFFF600  }
0x7a: {  	[spmem:s3] =	stream.indirect.scatter.add.f32 [tilespmem:s26], [sflag:$0x12], $0x20, s22, s18, $0xb8;
	[tilespmem:$0x1A220] =	vst v63  }
0x7b: {  	_ =	swait.ge [sflag:s8], $0xA00  }
0x7c: {  	[sflag:s8] =	ssyncset.done $0x0  }
0x7d: {  	s24 =	simm.s32 $0x6220;
	[sflag:s8] =	ssyncadd.s32 $0xFFFFF600;
	s8 =	simm.s32 $0x3C0  }
0x7e: {  	[tilespmem:s24], [sflag:$0x3] =	stream.indirect.gather [spmem:s1], $0x20, s8, s18, $0xb8;
	[tilespmem:$0x1A220] =	vst v63  }
0x7f: {  	s24 =	simm.s32 $0x9  }
0x80: {  	_ =	swait.ge [sflag:s24], $0xA00  }
0x81: {  	[sflag:s24] =	ssyncset.done $0x0  }
0x82: {  	s8 =	simm.s32 $0x2990;
	[sflag:s24] =	ssyncadd.s32 $0xFFFFF600  }
0x83: {  	[spmem:s3] =	stream.indirect.scatter.add.f32 [tilespmem:s29], [sflag:$0x13], $0x20, s8, s18, $0xb8;
	[tilespmem:$0x1A220] =	vst v63  }
0x84: {  	_ =	swait.ge [sflag:s4], $0xA00  }
0x85: {  	[sflag:s4] =	ssyncset.done $0x0  }
0x86: {  	s15 =	simm.s32 $0x6C20;
	s8 =	simm.s32 $0x410;
	[sflag:s4] =	ssyncadd.s32 $0xFFFFF600  }
0x87: {  	[tilespmem:s15], [sflag:$0x4] =	stream.indirect.gather [spmem:s1], $0x20, s8, s18, $0xb8;
	[tilespmem:$0x1A220] =	vst v63  }
0x88: {  	s15 =	simm.s32 $0xA  }
0x89: {  	_ =	swait.ge [sflag:s15], $0xA00  }
0x8a: {  	[sflag:s15] =	ssyncset.done $0x0  }
0x8b: {  	s4 =	simm.s32 $0x29E0;
	[sflag:s15] =	ssyncadd.s32 $0xFFFFF600  }
0x8c: {  	[spmem:s3] =	stream.indirect.scatter.add.f32 [tilespmem:s12], [sflag:$0x14], $0x20, s4, s18, $0xb8;
	[tilespmem:$0x1A220] =	vst v63  }
0x8d: {  	_ =	swait.ge [sflag:s16], $0xA00  }
0x8e: {  	s14 =	simm.s32 $0x1;
	[sflag:s16] =	ssyncset.done $0x0  }
0x8f: {  	s4 =	simm.s32 $0x460;
	s12 =	simm.s32 $0x7620;
	[sflag:s16] =	ssyncadd.s32 $0xFFFFF600  }
0x90: {  	[tilespmem:s12], [sflag:$0x5] =	stream.indirect.gather [spmem:s1], $0x20, s4, s18, $0xb8;
	[tilespmem:$0x1A220] =	vst v63  }
0x91: {  	_ =	swait.ge [sflag:s14], $0xA00  }
0x92: {  	[sflag:s14] =	ssyncset.done $0x0  }
0x93: {  	s16 =	simm.s32 $0x2A30;
	[sflag:s14] =	ssyncadd.s32 $0xFFFFF600  }
0x94: {  	[spmem:s3] =	stream.indirect.scatter.add.f32 [tilespmem:s25], [sflag:$0xB], $0x20, s16, s18, $0xb8;
	[tilespmem:$0x1A220] =	vst v63  }
0x95: {  	_ =	swait.ge [sflag:s9], $0xA00  }
0x96: {  	[sflag:s9] =	ssyncset.done $0x0  }
0x97: {  	s12 =	simm.s32 $0x4B0;
	[sflag:s9] =	ssyncadd.s32 $0xFFFFF600  }
0x98: {  	[tilespmem:s2], [sflag:$0x6] =	stream.indirect.gather [spmem:s1], $0x20, s12, s18, $0xb8;
	[tilespmem:$0x1A220] =	vst v63  }
0x99: {  	_ =	swait.ge [sflag:s21], $0xA00  }
0x9a: {  	[sflag:s21] =	ssyncset.done $0x0  }
0x9b: {  	s14 =	simm.s32 $0x2A80;
	[sflag:s21] =	ssyncadd.s32 $0xFFFFF600  }
0x9c: {  	[spmem:s3] =	stream.indirect.scatter.add.f32 [tilespmem:s28], [sflag:$0xC], $0x20, s14, s18, $0xb8;
	[tilespmem:$0x1A220] =	vst v63  }
0x9d: {  	_ =	swait.ge [sflag:s17], $0xA00  }
0x9e: {  	[sflag:s17] =	ssyncset.done $0x0  }
0x9f: {  	s16 =	simm.s32 $0x500;
	[sflag:s17] =	ssyncadd.s32 $0xFFFFF600  }
0xa0: {  	[tilespmem:s23], [sflag:$0x7] =	stream.indirect.gather [spmem:s1], $0x20, s16, s18, $0xb8;
	[tilespmem:$0x1A220] =	vst v63  }
0xa1: {  	_ =	swait.ge [sflag:s31], $0xA00  }
0xa2: {  	[sflag:s31] =	ssyncset.done $0x0  }
0xa3: {  	s21 =	simm.s32 $0x6220;
	s17 =	simm.s32 $0x2AD0;
	[sflag:s31] =	ssyncadd.s32 $0xFFFFF600  }
0xa4: {  	[spmem:s3] =	stream.indirect.scatter.add.f32 [tilespmem:s21], [sflag:$0xD], $0x20, s17, s18, $0xb8;
	[tilespmem:$0x1A220] =	vst v63  }
0xa5: {  	_ =	swait.ge [sflag:s19], $0xA00  }
0xa6: {  	[sflag:s19] =	ssyncset.done $0x0  }
0xa7: {  	s0 =	simm.s32 $0x4;
	s23 =	simm.s32 $0x550;
	[sflag:s19] =	ssyncadd.s32 $0xFFFFF600  }
0xa8: {  	[tilespmem:s26], [sflag:$0x8] =	stream.indirect.gather [spmem:s1], $0x20, s23, s18, $0xb8;
	[tilespmem:$0x1A220] =	vst v63  }
0xa9: {  	_ =	swait.ge [sflag:s0], $0xA00  }
0xaa: {  	[sflag:s0] =	ssyncset.done $0x0  }
0xab: {  	s8 =	simm.s32 $0x6C20;
	s25 =	simm.s32 $0x2B20;
	[sflag:s0] =	ssyncadd.s32 $0xFFFFF600  }
0xac: {  	[spmem:s3] =	stream.indirect.scatter.add.f32 [tilespmem:s8], [sflag:$0xE], $0x20, s25, s18, $0xb8;
	[tilespmem:$0x1A220] =	vst v63  }
0xad: {  	_ =	swait.ge [sflag:s20], $0xA00  }
0xae: {  	[sflag:s20] =	ssyncset.done $0x0  }
0xaf: {  	s5 =	simm.s32 $0x5;
	s26 =	simm.s32 $0x5A0;
	[sflag:s20] =	ssyncadd.s32 $0xFFFFF600  }
0xb0: {  	[tilespmem:s29], [sflag:$0x9] =	stream.indirect.gather [spmem:s1], $0x20, s26, s18, $0xb8;
	[tilespmem:$0x1A220] =	vst v63  }
0xb1: {  	s22 =	simm.s32 $0xC80;
	s4 =	simm.s32 $0x7620;
	_ =	swait.ge [sflag:s5], $0xA00  }
0xb2: {  	s9 =	simm.s32 $0x10;
	s28 =	simm.s32 $0x2B70;
	[sflag:s5] =	ssyncset.done $0x0  }
0xb3: {  	s16 =	simm.s32 $0xF;
	s17 =	simm.s32 $0x11;
	[sflag:s5] =	ssyncadd.s32 $0xFFFFF600  }
0xb4: {  	[spmem:s3] =	stream.indirect.scatter.add.f32 [tilespmem:s4], [sflag:$0xF], $0x20, s28, s18, $0xb8;
	[tilespmem:$0x1A220] =	vst v63  }
0xb5: {  	s19 =	simm.s32 $0x12;
	s25 =	simm.s32 $0x5F0;
	_ =	swait.ge [sflag:s30], $0xA00  }
0xb6: {  	s20 =	simm.s32 $0x13;
	s29 =	simm.s32 $0x14;
	[sflag:s30] =	ssyncset.done $0x0  }
0xb7: {  	s4 =	simm.s32 $0xE;
	[sflag:s30] =	ssyncadd.s32 $0xFFFFF600;
	s30 =	simm.s32 $0xD  }
.LBB2_4:
0xb8: {  	s12 =	simm.s32 $0xA820  }
0xb9: {  	[tilespmem:s12], [sflag:$0xA] =	stream.indirect.gather [spmem:s1], $0x20, s25, s18, $0xb8;
	[tilespmem:$0x1A220] =	vst v63  }
0xba: {  	s25 =	smov.u32 s22  }
0xbb: {  	p0 =	sne.s32 s22, $0x7D00;
	s22 =	sadd.s32 $0xC80, s22;
	_ =	swait.ge [sflag:s13], $0xA00  }
0xbc: {  	s25 =	sshra.s32 s25, $0x2;
	[sflag:s13] =	ssyncset.done $0x0  }
0xbd: {  	s21 =	simm.s32 $0x8020;
	s28 =	sadd.s32 $0x28A0, s25;
	[sflag:s13] =	ssyncadd.s32 $0xFFFFF600  }
0xbe: {  	[spmem:s3] =	stream.indirect.scatter.add.f32 [tilespmem:s21], [sflag:$0x10], $0x20, s28, s18, $0xb8;
	[tilespmem:$0x1A220] =	vst v63  }
0xbf: {  	_ =	swait.ge [sflag:s6], $0xA00  }
0xc0: {  	[sflag:s6] =	ssyncset.done $0x0  }
0xc1: {  	s8 =	simm.s32 $0x4E20;
	s28 =	sadd.s32 $0x320, s25;
	[sflag:s6] =	ssyncadd.s32 $0xFFFFF600  }
0xc2: {  	[tilespmem:s8], [sflag:$0x1] =	stream.indirect.gather [spmem:s1], $0x20, s28, s18, $0xb8;
	[tilespmem:$0x1A220] =	vst v63  }
0xc3: {  	_ =	swait.ge [sflag:s11], $0xA00  }
0xc4: {  	[sflag:s11] =	ssyncset.done $0x0  }
0xc5: {  	s23 =	simm.s32 $0x8A20;
	s28 =	sadd.s32 $0x28F0, s25;
	[sflag:s11] =	ssyncadd.s32 $0xFFFFF600  }
0xc6: {  	[spmem:s3] =	stream.indirect.scatter.add.f32 [tilespmem:s23], [sflag:$0x11], $0x20, s28, s18, $0xb8;
	[tilespmem:$0x1A220] =	vst v63  }
0xc7: {  	_ =	swait.ge [sflag:s7], $0xA00  }
0xc8: {  	[sflag:s7] =	ssyncset.done $0x0  }
0xc9: {  	s28 =	sadd.s32 $0x370, s25;
	[sflag:s7] =	ssyncadd.s32 $0xFFFFF600;
	s7 =	simm.s32 $0x5820  }
0xca: {  	[tilespmem:s7], [sflag:$0x2] =	stream.indirect.gather [spmem:s1], $0x20, s28, s18, $0xb8;
	[tilespmem:$0x1A220] =	vst v63  }
0xcb: {  	_ =	swait.ge [sflag:s10], $0xA00  }
0xcc: {  	[sflag:s10] =	ssyncset.done $0x0  }
0xcd: {  	s26 =	simm.s32 $0x9420;
	s28 =	sadd.s32 $0x2940, s25;
	[sflag:s10] =	ssyncadd.s32 $0xFFFFF600  }
0xce: {  	[spmem:s3] =	stream.indirect.scatter.add.f32 [tilespmem:s26], [sflag:$0x12], $0x20, s28, s18, $0xb8;
	[tilespmem:$0x1A220] =	vst v63  }
0xcf: {  	_ =	swait.ge [sflag:s30], $0xA00  }
0xd0: {  	[sflag:s30] =	ssyncset.done $0x0  }
0xd1: {  	s11 =	simm.s32 $0x6220;
	s28 =	sadd.s32 $0x3C0, s25;
	[sflag:s30] =	ssyncadd.s32 $0xFFFFF600  }
0xd2: {  	[tilespmem:s11], [sflag:$0x3] =	stream.indirect.gather [spmem:s1], $0x20, s28, s18, $0xb8;
	[tilespmem:$0x1A220] =	vst v63  }
0xd3: {  	_ =	swait.ge [sflag:s24], $0xA00  }
0xd4: {  	[sflag:s24] =	ssyncset.done $0x0  }
0xd5: {  	s2 =	simm.s32 $0x9E20;
	s28 =	sadd.s32 $0x2990, s25;
	[sflag:s24] =	ssyncadd.s32 $0xFFFFF600  }
0xd6: {  	[spmem:s3] =	stream.indirect.scatter.add.f32 [tilespmem:s2], [sflag:$0x13], $0x20, s28, s18, $0xb8;
	[tilespmem:$0x1A220] =	vst v63  }
0xd7: {  	_ =	swait.ge [sflag:s4], $0xA00  }
0xd8: {  	[sflag:s4] =	ssyncset.done $0x0  }
0xd9: {  	s6 =	simm.s32 $0x6C20;
	s28 =	sadd.s32 $0x410, s25;
	[sflag:s4] =	ssyncadd.s32 $0xFFFFF600  }
0xda: {  	[tilespmem:s6], [sflag:$0x4] =	stream.indirect.gather [spmem:s1], $0x20, s28, s18, $0xb8;
	[tilespmem:$0x1A220] =	vst v63  }
0xdb: {  	_ =	swait.ge [sflag:s15], $0xA00  }
0xdc: {  	[sflag:s15] =	ssyncset.done $0x0  }
0xdd: {  	s28 =	sadd.s32 $0x29E0, s25;
	[sflag:s15] =	ssyncadd.s32 $0xFFFFF600  }
0xde: {  	[spmem:s3] =	stream.indirect.scatter.add.f32 [tilespmem:s12], [sflag:$0x14], $0x20, s28, s18, $0xb8;
	[tilespmem:$0x1A220] =	vst v63  }
0xdf: {  	_ =	swait.ge [sflag:s16], $0xA00  }
0xe0: {  	s13 =	simm.s32 $0x7620;
	[sflag:s16] =	ssyncset.done $0x0  }
0xe1: {  	s28 =	sadd.s32 $0x460, s25;
	s12 =	simm.s32 $0x1;
	[sflag:s16] =	ssyncadd.s32 $0xFFFFF600  }
0xe2: {  	[tilespmem:s13], [sflag:$0x5] =	stream.indirect.gather [spmem:s1], $0x20, s28, s18, $0xb8;
	[tilespmem:$0x1A220] =	vst v63  }
0xe3: {  	_ =	swait.ge [sflag:s12], $0xA00  }
0xe4: {  	[sflag:s12] =	ssyncset.done $0x0  }
0xe5: {  	s28 =	sadd.s32 $0x2A30, s25;
	[sflag:s12] =	ssyncadd.s32 $0xFFFFF600  }
0xe6: {  	[spmem:s3] =	stream.indirect.scatter.add.f32 [tilespmem:s8], [sflag:$0xB], $0x20, s28, s18, $0xb8;
	[tilespmem:$0x1A220] =	vst v63  }
0xe7: {  	_ =	swait.ge [sflag:s9], $0xA00  }
0xe8: {  	s14 =	simm.s32 $0x8020;
	[sflag:s9] =	ssyncset.done $0x0  }
0xe9: {  	s28 =	sadd.s32 $0x4B0, s25;
	s8 =	simm.s32 $0x2;
	[sflag:s9] =	ssyncadd.s32 $0xFFFFF600  }
0xea: {  	[tilespmem:s21], [sflag:$0x6] =	stream.indirect.gather [spmem:s1], $0x20, s28, s18, $0xb8;
	[tilespmem:$0x1A220] =	vst v63  }
0xeb: {  	_ =	swait.ge [sflag:s8], $0xA00  }
0xec: {  	[sflag:s8] =	ssyncset.done $0x0  }
0xed: {  	s28 =	sadd.s32 $0x2A80, s25;
	[sflag:s8] =	ssyncadd.s32 $0xFFFFF600  }
0xee: {  	[spmem:s3] =	stream.indirect.scatter.add.f32 [tilespmem:s7], [sflag:$0xC], $0x20, s28, s18, $0xb8;
	[tilespmem:$0x1A220] =	vst v63  }
0xef: {  	s7 =	simm.s32 $0xC  }
0xf0: {  	_ =	swait.ge [sflag:s17], $0xA00  }
0xf1: {  	[sflag:s17] =	ssyncset.done $0x0  }
0xf2: {  	s21 =	simm.s32 $0x8A20;
	s28 =	sadd.s32 $0x500, s25;
	[sflag:s17] =	ssyncadd.s32 $0xFFFFF600  }
0xf3: {  	[tilespmem:s23], [sflag:$0x7] =	stream.indirect.gather [spmem:s1], $0x20, s28, s18, $0xb8;
	[tilespmem:$0x1A220] =	vst v63  }
0xf4: {  	_ =	swait.ge [sflag:s31], $0xA00  }
0xf5: {  	[sflag:s31] =	ssyncset.done $0x0  }
0xf6: {  	s28 =	sadd.s32 $0x2AD0, s25;
	[sflag:s31] =	ssyncadd.s32 $0xFFFFF600  }
0xf7: {  	[spmem:s3] =	stream.indirect.scatter.add.f32 [tilespmem:s11], [sflag:$0xD], $0x20, s28, s18, $0xb8;
	[tilespmem:$0x1A220] =	vst v63  }
0xf8: {  	s11 =	simm.s32 $0x7  }
0xf9: {  	_ =	swait.ge [sflag:s19], $0xA00  }
0xfa: {  	[sflag:s19] =	ssyncset.done $0x0  }
0xfb: {  	s8 =	simm.s32 $0x9420;
	s28 =	sadd.s32 $0x550, s25;
	[sflag:s19] =	ssyncadd.s32 $0xFFFFF600  }
0xfc: {  	[tilespmem:s26], [sflag:$0x8] =	stream.indirect.gather [spmem:s1], $0x20, s28, s18, $0xb8;
	[tilespmem:$0x1A220] =	vst v63  }
0xfd: {  	_ =	swait.ge [sflag:s0], $0xA00  }
0xfe: {  	[sflag:s0] =	ssyncset.done $0x0  }
0xff: {  	s28 =	sadd.s32 $0x2B20, s25;
	[sflag:s0] =	ssyncadd.s32 $0xFFFFF600  }
0x100: {  	[spmem:s3] =	stream.indirect.scatter.add.f32 [tilespmem:s6], [sflag:$0xE], $0x20, s28, s18, $0xb8;
	[tilespmem:$0x1A220] =	vst v63  }
0x101: {  	s6 =	simm.s32 $0xB  }
0x102: {  	_ =	swait.ge [sflag:s20], $0xA00  }
0x103: {  	[sflag:s20] =	ssyncset.done $0x0  }
0x104: {  	s12 =	simm.s32 $0x9E20;
	s28 =	sadd.s32 $0x5A0, s25;
	[sflag:s20] =	ssyncadd.s32 $0xFFFFF600  }
0x105: {  	[tilespmem:s2], [sflag:$0x9] =	stream.indirect.gather [spmem:s1], $0x20, s28, s18, $0xb8;
	[tilespmem:$0x1A220] =	vst v63  }
0x106: {  	_ =	swait.ge [sflag:s5], $0xA00  }
0x107: {  	[sflag:s5] =	ssyncset.done $0x0  }
0x108: {  	s28 =	sadd.s32 $0x2B70, s25;
	[sflag:s5] =	ssyncadd.s32 $0xFFFFF600  }
0x109: {  	[spmem:s3] =	stream.indirect.scatter.add.f32 [tilespmem:s13], [sflag:$0xF], $0x20, s28, s18, $0xb8;
	[tilespmem:$0x1A220] =	vst v63  }
.Ltmp1:
0x10a: {  	_ = 	snop;
	(pc) =	sbr.rel @p0 .LBB2_4-.Ltmp1, $4  }
0x10b: {  	s13 =	simm.s32 $0x6  }
0x10c: {  	_ =	swait.ge [sflag:s29], $0xA00  }
0x10d: {  	[sflag:s29] =	ssyncset.done $0x0  }
0x10e: {  	s25 =	sadd.s32 $0x5F0, s25;
	[sflag:s29] =	ssyncadd.s32 $0xFFFFF600  }
0x10f: {  	s28 =	simm.s32 $0xA820  }
0x110: {  	[tilespmem:s28], [sflag:$0xA] =	stream.indirect.gather [spmem:s1], $0x20, s25, s18, $0xb8;
	[tilespmem:$0x1A220] =	vst v63  }
0x111: {  	_ =	swait.ge [sflag:s13], $0xA00  }
0x112: {  	[sflag:s13] =	ssyncset.done $0x0  }
0x113: {  	s22 =	simm.s32 $0x4B00;
	[sflag:s13] =	ssyncadd.s32 $0xFFFFF600  }
0x114: {  	[spmem:s3] =	stream.indirect.scatter.add.f32 [tilespmem:s14], [sflag:$0x10], $0x20, s22, s18, $0xb8;
	[tilespmem:$0x1A220] =	vst v63  }
0x115: {  	_ =	swait.ge [sflag:s6], $0xA00  }
0x116: {  	[sflag:s6] =	ssyncset.done $0x0  }
0x117: {  	s23 =	simm.s32 $0x4E20;
	s25 =	simm.s32 $0x2580;
	[sflag:s6] =	ssyncadd.s32 $0xFFFFF600  }
0x118: {  	[tilespmem:s23], [sflag:$0x1] =	stream.indirect.gather [spmem:s1], $0x20, s25, s18, $0xb8;
	[tilespmem:$0x1A220] =	vst v63  }
0x119: {  	_ =	swait.ge [sflag:s11], $0xA00  }
0x11a: {  	[sflag:s11] =	ssyncset.done $0x0  }
0x11b: {  	s26 =	simm.s32 $0x4B50;
	[sflag:s11] =	ssyncadd.s32 $0xFFFFF600  }
0x11c: {  	[spmem:s3] =	stream.indirect.scatter.add.f32 [tilespmem:s21], [sflag:$0x11], $0x20, s26, s18, $0xb8;
	[tilespmem:$0x1A220] =	vst v63  }
0x11d: {  	_ =	swait.ge [sflag:s7], $0xA00  }
0x11e: {  	[sflag:s7] =	ssyncset.done $0x0  }
0x11f: {  	s2 =	simm.s32 $0x25D0;
	s6 =	simm.s32 $0x5820;
	[sflag:s7] =	ssyncadd.s32 $0xFFFFF600  }
0x120: {  	[tilespmem:s6], [sflag:$0x2] =	stream.indirect.gather [spmem:s1], $0x20, s2, s18, $0xb8;
	[tilespmem:$0x1A220] =	vst v63  }
0x121: {  	_ =	swait.ge [sflag:s10], $0xA00  }
0x122: {  	[sflag:s10] =	ssyncset.done $0x0  }
0x123: {  	[sflag:s10] =	ssyncadd.s32 $0xFFFFF600;
	s10 =	simm.s32 $0x4BA0  }
0x124: {  	[spmem:s3] =	stream.indirect.scatter.add.f32 [tilespmem:s8], [sflag:$0x12], $0x20, s10, s18, $0xb8;
	[tilespmem:$0x1A220] =	vst v63  }
0x125: {  	_ =	swait.ge [sflag:s30], $0xA00  }
0x126: {  	[sflag:s30] =	ssyncset.done $0x0  }
0x127: {  	s13 =	simm.s32 $0x6220;
	s11 =	simm.s32 $0x2620;
	[sflag:s30] =	ssyncadd.s32 $0xFFFFF600  }
0x128: {  	[tilespmem:s13], [sflag:$0x3] =	stream.indirect.gather [spmem:s1], $0x20, s11, s18, $0xb8;
	[tilespmem:$0x1A220] =	vst v63  }
0x129: {  	_ =	swait.ge [sflag:s24], $0xA00  }
0x12a: {  	[sflag:s24] =	ssyncset.done $0x0  }
0x12b: {  	s14 =	simm.s32 $0x4BF0;
	[sflag:s24] =	ssyncadd.s32 $0xFFFFF600  }
0x12c: {  	[spmem:s3] =	stream.indirect.scatter.add.f32 [tilespmem:s12], [sflag:$0x13], $0x20, s14, s18, $0xb8;
	[tilespmem:$0x1A220] =	vst v63  }
0x12d: {  	_ =	swait.ge [sflag:s4], $0xA00  }
0x12e: {  	[sflag:s4] =	ssyncset.done $0x0  }
0x12f: {  	s21 =	simm.s32 $0x6C20;
	s2 =	simm.s32 $0x2670;
	[sflag:s4] =	ssyncadd.s32 $0xFFFFF600  }
0x130: {  	[tilespmem:s21], [sflag:$0x4] =	stream.indirect.gather [spmem:s1], $0x20, s2, s18, $0xb8;
	[tilespmem:$0x1A220] =	vst v63  }
0x131: {  	_ =	swait.ge [sflag:s15], $0xA00  }
0x132: {  	[sflag:s15] =	ssyncset.done $0x0  }
0x133: {  	s22 =	simm.s32 $0x4C40;
	[sflag:s15] =	ssyncadd.s32 $0xFFFFF600  }
0x134: {  	[spmem:s3] =	stream.indirect.scatter.add.f32 [tilespmem:s28], [sflag:$0x14], $0x20, s22, s18, $0xb8;
	[tilespmem:$0x1A220] =	vst v63  }
0x135: {  	_ =	swait.ge [sflag:s16], $0xA00  }
0x136: {  	s25 =	simm.s32 $0x7620;
	[sflag:s16] =	ssyncset.done $0x0  }
0x137: {  	s26 =	simm.s32 $0x1;
	s24 =	simm.s32 $0x26C0;
	[sflag:s16] =	ssyncadd.s32 $0xFFFFF600  }
0x138: {  	[tilespmem:s25], [sflag:$0x5] =	stream.indirect.gather [spmem:s1], $0x20, s24, s18, $0xb8;
	[tilespmem:$0x1A220] =	vst v63  }
0x139: {  	_ =	swait.ge [sflag:s26], $0xA00  }
0x13a: {  	[sflag:s26] =	ssyncset.done $0x0  }
0x13b: {  	s8 =	simm.s32 $0x2;
	s28 =	simm.s32 $0x4C90;
	[sflag:s26] =	ssyncadd.s32 $0xFFFFF600  }
0x13c: {  	[spmem:s3] =	stream.indirect.scatter.add.f32 [tilespmem:s23], [sflag:$0xB], $0x20, s28, s18, $0xb8;
	[tilespmem:$0x1A220] =	vst v63  }
0x13d: {  	_ =	swait.ge [sflag:s8], $0xA00  }
0x13e: {  	[sflag:s8] =	ssyncset.done $0x0  }
0x13f: {  	s10 =	simm.s32 $0x4CE0;
	[sflag:s8] =	ssyncadd.s32 $0xFFFFF600  }
0x140: {  	[spmem:s3] =	stream.indirect.scatter.add.f32 [tilespmem:s6], [sflag:$0xC], $0x20, s10, s18, $0xb8;
	[tilespmem:$0x1A220] =	vst v63  }
0x141: {  	_ =	swait.ge [sflag:s31], $0xA00  }
0x142: {  	[sflag:s31] =	ssyncset.done $0x0  }
0x143: {  	s12 =	simm.s32 $0x4D30;
	[sflag:s31] =	ssyncadd.s32 $0xFFFFF600  }
0x144: {  	[spmem:s3] =	stream.indirect.scatter.add.f32 [tilespmem:s13], [sflag:$0xD], $0x20, s12, s18, $0xb8;
	[tilespmem:$0x1A220] =	vst v63  }
0x145: {  	_ =	swait.ge [sflag:s0], $0xA00  }
0x146: {  	[sflag:s0] =	ssyncset.done $0x0  }
0x147: {  	s14 =	simm.s32 $0x4D80;
	[sflag:s0] =	ssyncadd.s32 $0xFFFFF600  }
0x148: {  	[spmem:s3] =	stream.indirect.scatter.add.f32 [tilespmem:s21], [sflag:$0xE], $0x20, s14, s18, $0xb8;
	[tilespmem:$0x1A220] =	vst v63  }
0x149: {  	_ =	swait.ge [sflag:s5], $0xA00  }
0x14a: {  	[sflag:s5] =	ssyncset.done $0x0  }
0x14b: {  	s15 =	simm.s32 $0x4DD0;
	s6 =	simm.s32 $0xB;
	[sflag:s5] =	ssyncadd.s32 $0xFFFFF600  }
0x14c: {  	[spmem:s3] =	stream.indirect.scatter.add.f32 [tilespmem:s25], [sflag:$0xF], $0x20, s15, s18, $0xb8;
	[tilespmem:$0x1A220] =	vst v63  }
0x14d: {  	_ =	swait.ge [sflag:s6], $0xA00  }
0x14e: {  	[sflag:s6] =	ssyncset.done $0x0  }
0x14f: {  	s7 =	simm.s32 $0xC;
	[sflag:s6] =	ssyncadd.s32 $0xFFFFF600  }
0x150: {  	_ =	swait.ge [sflag:s7], $0xA00  }
0x151: {  	[sflag:s7] =	ssyncset.done $0x0  }
0x152: {  	[sflag:s7] =	ssyncadd.s32 $0xFFFFF600  }
0x153: {  	_ =	swait.ge [sflag:s30], $0xA00  }
0x154: {  	[sflag:s30] =	ssyncset.done $0x0  }
0x155: {  	[sflag:s30] =	ssyncadd.s32 $0xFFFFF600  }
0x156: {  	_ =	swait.ge [sflag:s4], $0xA00  }
0x157: {  	[sflag:s4] =	ssyncset.done $0x0  }
0x158: {  	[sflag:s4] =	ssyncadd.s32 $0xFFFFF600  }
0x159: {  	_ =	swait.ge [sflag:s16], $0xA00  }
0x15a: {  	[sflag:s16] =	ssyncset.done $0x0  }
0x15b: {  	[sflag:s16] =	ssyncadd.s32 $0xFFFFF600  }
0x15c: {  	_ =	swait.ge [sflag:s9], $0xA00  }
0x15d: {  	[sflag:s9] =	ssyncset.done $0x0  }
0x15e: {  	[sflag:s9] =	ssyncadd.s32 $0xFFFFF600  }
0x15f: {  	_ =	swait.ge [sflag:s17], $0xA00  }
0x160: {  	[sflag:s17] =	ssyncset.done $0x0  }
0x161: {  	[sflag:s17] =	ssyncadd.s32 $0xFFFFF600  }
0x162: {  	_ =	swait.ge [sflag:s19], $0xA00  }
0x163: {  	[sflag:s19] =	ssyncset.done $0x0  }
0x164: {  	[sflag:s19] =	ssyncadd.s32 $0xFFFFF600  }
0x165: {  	_ =	swait.ge [sflag:s20], $0xA00  }
0x166: {  	[sflag:s20] =	ssyncset.done $0x0  }
0x167: {  	[sflag:s20] =	ssyncadd.s32 $0xFFFFF600  }
0x168: {  	_ =	swait.ge [sflag:s29], $0xA00  }
0x169: {  	[sflag:s29] =	ssyncset.done $0x0  }
0x16a: {  	[sflag:s29] =	ssyncadd.s32 $0xFFFFF600  }
0x16b: {  	[bflag:$0x0] =	sbarrier.arrive $0xFFFF  }
0x16c: {  	s23 =	simm.s32 $0x16;
	s21 =	simm.s32 $0xB220;
	s10 =	rddreg [dreg:$0x9]  }
0x16d: {  	[tilespmem:s21], [sflag:$0x16] =	stream.linear.gather [spmem:s10], $0x5000, $0x38;
	[tilespmem:$0x1A220] =	vst v63  }
0x16e: {  	_ =	swait.ge [sflag:s23], $0x5000  }
0x16f: {  	[sflag:s23] =	ssyncset.done $0x0  }
0x170: {  	s22 =	simm.s32 $0x0;
	s24 =	rddreg [dreg:$0xc];
	[sflag:s23] =	ssyncadd.s32 $0xFFFFB000  }
0x171: {  	[hbm4b:s24+s22] =	stream.linear.scatter [tilespmem:s21], [sflag:$0x16], $0x5000, $0x38;
	[tilespmem:$0x1A220] =	vst v63  }
0x172: {  	_ =	swait.ge [sflag:s23], $0x5000  }
0x173: {  	s25 =	rddreg [dreg:$0xd]  }
0x174: {  	s26 =	rddreg [dreg:$0xa];
	s2 =	sadd.s32 $0x1, s25  }
0x175: {  	s8 =	simm.s32 $0xD;
	p0 =	sne.s32 s2, s26  }
.Ltmp2:
0x176: {  	s13 =	simm.s32 $0x1;
	s0 =	simm.s32 $0x4;
	(pc) =	sbr.rel @p0 .LBB2_1-.Ltmp2, $4  }
0x177: {  	s14 =	simm.s32 $0x2;
	s5 =	simm.s32 $0x5;
	s30 =	simm.s32 $0x14  }
0x178: {  	s4 =	simm.s32 $0xE;
	s16 =	simm.s32 $0xF;
	s9 =	simm.s32 $0x10  }
0x179: {  	s17 =	simm.s32 $0x11;
	s19 =	simm.s32 $0x12;
	[sflag:s23] =	ssyncset.done $0x0  }
0x17a: {  	s20 =	simm.s32 $0x13;
	s29 =	simm.s32 $0x3;
	[sflag:s23] =	ssyncadd.s32 $0xFFFFB000  }
0x17b: {  	_ =	sfence.sel $0x180000  }
0x17c: {  	[bflag:$0x0] =	sbarrier.arrive $0xFFFF  }
0x17d: {  	_ =	strace $0x90000047  }
0x17e: {  	s0 =	stileid.u32;
	[bflag:$0x2] =	sbarrier.arrive $0xFFFF  }
0x17f: {  	p0 =	sne.s32 s0, $0x0;
	s0 =	rddreg [dreg:$0x4]  }
0x180: {  	s0 =	sadd.s32 @!p0 $0x100000, s0  }
0x181: {  	[sflag:s0] =	ssyncadd.tile.s32 @!p0 $0x1;
	_ =	shalt  }
.Lfunc_end2:
_tile_overlayer_lowered:
.L_overlay_start_2:
0x182: {  	(tag) =	ssettag $0x2  }
0x183: {  	s0 =	rddreg [dreg:$0x0];
	s2 =	stileid.u32  }
0x184: {  	s1 =	rddreg [dreg:$0x1];
	p0 =	sne.s32 s2, $0x0  }
0x185: {  	s3 =	rddreg [dreg:$0x2];
	[bflag:$0x3] =	sbarrier.arrive $0xFFFF;
	s2 =	simm.s32 @!p0 $0x1C16  }
0x186: {  	[timem:s3], [sflag:s2] =	dma.local @!p0 [hbm:s0], s1  }
0x187: {  	s0 =	simm.s32 @!p0 $0x16  }
0x188: {  	_ =	swait.ge @!p0 [sflag:s0], s1  }
0x189: {  	s1 =	ssub.s32 @!p0 $0x0, s1;
	[sflag:s0] =	ssyncset.done @!p0 $0x0  }
0x18a: {  	[sflag:s0] =	ssyncadd.s32 @!p0 s1  }
0x18b: {  	[bflag:$0x3] =	sbarrier.arrive $0xFFFF  }
0x18c: {  	_ =	shalt  }

</sc_bundles>
